<compile_context>
chip_gen: v7x
topology: tpu7x:2x2x1
jax: 0.10.2.dev20260603
libtpu: 0.0.44.dev20260713+nightly
codegen_flags: <defaults>
</compile_context>

<pallas_src>
import functools

import jax
import jax.numpy as jnp
from jax import lax
from jax.experimental import pallas as pl
from jax.experimental.pallas import tpu as pltpu
from jax.experimental.pallas import tpu_sc as plsc

N = 10000
E = 320000
D = 128
H = 128
OUT = 64
L = 5

NC = 2
NS = 16
NW = NC * NS
EPW = E // NW
CHUNK = 80
NCHUNK = EPW // CHUNK
STRIPE = 632
STRIPE_LAST = N - STRIPE * (NS - 1)

BLK = 2000
GRID = N // BLK


@functools.cache
def _sc_aggregate():
    @functools.partial(
        pl.kernel,
        out_type=jax.ShapeDtypeStruct((NC, N, D), jnp.float32),
        mesh=plsc.VectorSubcoreMesh(core_axis_name="c", subcore_axis_name="s",
                                    num_cores=NC, num_subcores=NS),
        scratch_types=[
            pltpu.VMEM_SHARED((N, D), jnp.float32),
            pltpu.VMEM((CHUNK,), jnp.int32),
            pltpu.VMEM((CHUNK,), jnp.int32),
            pltpu.VMEM((CHUNK, D), jnp.float32),
            pltpu.SemaphoreType.DMA,
        ],
    )
    def body_fn(h_hbm, zeros_hbm, src_hbm, dst_hbm, out_hbm,
                acc, src_v, dst_v, rows_v, sem):
        cid = lax.axis_index("c")
        sid = lax.axis_index("s")
        wid = cid * NS + sid

        r0 = pl.multiple_of(sid * STRIPE, 8)

        @pl.when(sid < NS - 1)
        def _():
            pltpu.sync_copy(zeros_hbm.at[pl.ds(r0, STRIPE)],
                            acc.at[pl.ds(r0, STRIPE)])

        @pl.when(sid == NS - 1)
        def _():
            pltpu.sync_copy(zeros_hbm.at[pl.ds(r0, STRIPE_LAST)],
                            acc.at[pl.ds(r0, STRIPE_LAST)])

        plsc.subcore_barrier()

        def body(j, carry):
            base = wid * EPW + j * CHUNK
            pltpu.sync_copy(src_hbm.at[pl.ds(base, CHUNK)], src_v)
            pltpu.sync_copy(dst_hbm.at[pl.ds(base, CHUNK)], dst_v)
            pltpu.async_copy(h_hbm.at[src_v], rows_v, sem).wait()
            pltpu.sync_copy(rows_v, acc.at[dst_v], add=True)
            return carry

        lax.fori_loop(0, NCHUNK, body, 0)
        plsc.subcore_barrier()

        @pl.when(sid < NS - 1)
        def _():
            pltpu.sync_copy(acc.at[pl.ds(r0, STRIPE)],
                            out_hbm.at[cid, pl.ds(r0, STRIPE)])

        @pl.when(sid == NS - 1)
        def _():
            pltpu.sync_copy(acc.at[pl.ds(r0, STRIPE_LAST)],
                            out_hbm.at[cid, pl.ds(r0, STRIPE_LAST)])

    return body_fn


def _stage1_body(h_ref, agg_ref, w1_ref, t_ref, s_ref, q_ref):
    i = pl.program_id(0)
    z = h_ref[...] + agg_ref[0] + agg_ref[1]
    t = jnp.dot(z, w1_ref[...], preferred_element_type=jnp.float32,
                 precision=lax.Precision.HIGHEST)
    t_ref[...] = t

    @pl.when(i == 0)
    def _():
        s_ref[...] = jnp.zeros_like(s_ref)
        q_ref[...] = jnp.zeros_like(q_ref)

    s_ref[...] += jnp.sum(t, axis=0, keepdims=True)
    q_ref[...] += jnp.sum(t * t, axis=0, keepdims=True)


def _stage2_body(t_ref, s_ref, q_ref, g_ref, b_ref, w2_ref,
                 t2_ref, s2_ref, q2_ref):
    i = pl.program_id(0)
    m = s_ref[...] / N
    v = q_ref[...] / N - m * m
    scale = lax.rsqrt(v + 1e-5) * g_ref[...]
    t = jnp.maximum((t_ref[...] - m) * scale + b_ref[...], 0.0)
    t2 = jnp.dot(t, w2_ref[...], preferred_element_type=jnp.float32,
                 precision=lax.Precision.HIGHEST)
    t2_ref[...] = t2

    @pl.when(i == 0)
    def _():
        s2_ref[...] = jnp.zeros_like(s2_ref)
        q2_ref[...] = jnp.zeros_like(q2_ref)

    s2_ref[...] += jnp.sum(t2, axis=0, keepdims=True)
    q2_ref[...] += jnp.sum(t2 * t2, axis=0, keepdims=True)


def _stage3_body(t2_ref, s_ref, q_ref, g_ref, b_ref, h_ref):
    m = s_ref[...] / N
    v = q_ref[...] / N - m * m
    scale = lax.rsqrt(v + 1e-5) * g_ref[...]
    h_ref[...] = jnp.maximum((t2_ref[...] - m) * scale + b_ref[...], 0.0)


def _stage3cls_body(t2_ref, s_ref, q_ref, g_ref, b_ref, wc_ref, bc_ref,
                    out_ref):
    m = s_ref[...] / N
    v = q_ref[...] / N - m * m
    scale = lax.rsqrt(v + 1e-5) * g_ref[...]
    hn = jnp.maximum((t2_ref[...] - m) * scale + b_ref[...], 0.0)
    out_ref[...] = (jnp.dot(hn, wc_ref[...], preferred_element_type=jnp.float32,
                 precision=lax.Precision.HIGHEST)
                    + bc_ref[...])


_row_spec = pl.BlockSpec((BLK, H), lambda i: (i, 0))
_vec_spec = pl.BlockSpec((1, H), lambda i: (0, 0))
_stat_shape = jax.ShapeDtypeStruct((1, H), jnp.float32)

_stage1 = pl.pallas_call(
    _stage1_body,
    grid=(GRID,),
    in_specs=[
        pl.BlockSpec((BLK, D), lambda i: (i, 0)),
        pl.BlockSpec((NC, BLK, D), lambda i: (0, i, 0)),
        pl.BlockSpec((D, H), lambda i: (0, 0)),
    ],
    out_specs=[_row_spec, _vec_spec, _vec_spec],
    out_shape=[jax.ShapeDtypeStruct((N, H), jnp.float32), _stat_shape,
               _stat_shape],
)

_stage2 = pl.pallas_call(
    _stage2_body,
    grid=(GRID,),
    in_specs=[_row_spec, _vec_spec, _vec_spec, _vec_spec, _vec_spec,
              pl.BlockSpec((H, H), lambda i: (0, 0))],
    out_specs=[_row_spec, _vec_spec, _vec_spec],
    out_shape=[jax.ShapeDtypeStruct((N, H), jnp.float32), _stat_shape,
               _stat_shape],
)

_stage3 = pl.pallas_call(
    _stage3_body,
    grid=(GRID,),
    in_specs=[_row_spec, _vec_spec, _vec_spec, _vec_spec, _vec_spec],
    out_specs=_row_spec,
    out_shape=jax.ShapeDtypeStruct((N, H), jnp.float32),
)

_stage3cls = pl.pallas_call(
    _stage3cls_body,
    grid=(GRID,),
    in_specs=[_row_spec, _vec_spec, _vec_spec, _vec_spec, _vec_spec,
              pl.BlockSpec((H, OUT), lambda i: (0, 0)),
              pl.BlockSpec((1, OUT), lambda i: (0, 0))],
    out_specs=pl.BlockSpec((BLK, OUT), lambda i: (i, 0)),
    out_shape=jax.ShapeDtypeStruct((N, OUT), jnp.float32),
)


def kernel(h, edge_index, W1, W2, g1, b1, g2, b2, Wc, bc):
    src = edge_index[0]
    dst = edge_index[1]
    zeros = jnp.zeros((N, D), jnp.float32)
    out = None
    for i in range(L):
        agg = _sc_aggregate()(h, zeros, src, dst)
        t1, s1, q1 = _stage1(h, agg, W1[i])
        t2, s2, q2 = _stage2(t1, s1, q1, g1[i].reshape(1, H),
                             b1[i].reshape(1, H), W2[i])
        g2r = g2[i].reshape(1, H)
        b2r = b2[i].reshape(1, H)
        if i < L - 1:
            h = _stage3(t2, s2, q2, g2r, b2r)
        else:
            out = _stage3cls(t2, s2, q2, g2r, b2r, Wc, bc.reshape(1, OUT))
    return out

# --- scband reference (transcript-rebuilt; emitter-appended) ---
"""Pipeline reference for scband-gin-28200755265593 (READ-ONLY COPY).

The authoritative reference and input builder live on the scoring server;
editing this copy changes nothing except your own understanding.
"""

import jax, jax.numpy as jnp
import numpy as np

N = 10000
E = 320000
D = 128
H = 128
OUT = 64
L = 5


def setup_inputs(seed: int = 0) -> dict:
    key = jax.random.key(seed)
    ks = jax.random.split(key, 12)
    x = jax.random.normal(ks[0], (N, D), dtype=jnp.float32)
    edge_index = jax.random.randint(ks[1], (2, E), 0, N, dtype=jnp.int32)
    # learned parameters (all layers share shapes since input_dim == hidden_dim)
    W1 = 0.05 * jax.random.normal(ks[2], (L, D, H), dtype=jnp.float32)   # MLP first linear (no bias)
    W2 = 0.05 * jax.random.normal(ks[3], (L, H, H), dtype=jnp.float32)   # MLP second linear (no bias)
    g1 = jnp.ones((L, H), dtype=jnp.float32)    # MLP inner BatchNorm gamma
    b1 = jnp.zeros((L, H), dtype=jnp.float32)   # MLP inner BatchNorm beta
    g2 = jnp.ones((L, H), dtype=jnp.float32)    # outer BatchNorm gamma
    b2 = jnp.zeros((L, H), dtype=jnp.float32)   # outer BatchNorm beta
    Wc = 0.05 * jax.random.normal(ks[4], (H, OUT), dtype=jnp.float32)    # node classifier weight
    bc = jnp.zeros((OUT,), dtype=jnp.float32)                            # node classifier bias
    return {"h": x, "edge_index": edge_index, "W1": W1, "W2": W2,
            "g1": g1, "b1": b1, "g2": g2, "b2": b2, "Wc": Wc, "bc": bc}


def _batch_norm(t, g, b):
    m = jnp.mean(t, axis=0)
    v = jnp.var(t, axis=0)  # biased variance, matches torch BatchNorm1d normalization
    return (t - m) / jnp.sqrt(v + 1e-5) * g + b


def reference(h, edge_index, W1, W2, g1, b1, g2, b2, Wc, bc):
    src = edge_index[0]
    dst = edge_index[1]
    for i in range(L):
        # GINConv (learn_eps=False, eps=0, sum aggregation):
        # h_v <- MLP((1 + 0) * h_v + sum_{u in N(v)} h_u)
        agg = jax.ops.segment_sum(jnp.take(h, src, axis=0), dst, num_segments=N)
        z = h + agg
        # MLP: Linear -> BN -> ReLU -> Linear
        t = z @ W1[i]
        t = jax.nn.relu(_batch_norm(t, g1[i], b1[i]))
        t = t @ W2[i]
        # outer BatchNorm + ReLU
        h = jax.nn.relu(_batch_norm(t, g2[i], b2[i]))
    # dropout is identity in eval/deterministic reference
    node_scores = h @ Wc + bc
    return node_scores

if __name__ == "__main__":
    import jax
    _d = setup_inputs()
    print(jax.jit(kernel)(*tuple(_d.values())))

</pallas_src>

<mosaic_0001>
#map = affine_map<(d0, d1) -> (0, 0)>
#map1 = affine_map<(d0, d1) -> (0)>
#map2 = affine_map<(d0, d1) -> (0, 0, 0)>
module attributes {stable_mosaic.version = 14 : i64} {
  func.func @body_fn(%arg0: i32, %arg1: i32, %arg2: memref<10000x128xf32, #tpu.memory_space<hbm>>, %arg3: memref<10000x128xf32, #tpu.memory_space<hbm>>, %arg4: memref<320000xi32, #tpu.memory_space<hbm>>, %arg5: memref<320000xi32, #tpu.memory_space<hbm>>, %arg6: memref<2x10000x128xf32, #tpu.memory_space<hbm>>, %arg7: memref<10000x128xf32, #tpu.memory_space<vmem_shared>>, %arg8: memref<80xi32, #tpu.memory_space<vmem>>, %arg9: memref<80xi32, #tpu.memory_space<vmem>>, %arg10: memref<80x128xf32, #tpu.memory_space<vmem>>, %arg11: memref<!tpu.dma_semaphore, #tpu.memory_space<semaphore_mem>>) attributes {dimension_semantics = [#tpu.dimension_semantics<core_parallel>, #tpu.dimension_semantics<subcore_parallel>], iteration_bounds = array<i64: 2, 16>, scalar_prefetch = 0 : i64, scratch_operands = 5 : i64, tpu.core_type = #tpu.core_type<sc_vector_subcore>, window_params = [{transform_indices = #map}, {transform_indices = #map}, {transform_indices = #map1}, {transform_indices = #map1}, {transform_indices = #map2}]} {
    %mul3A = arith.constant 16 : i32
    %mul3A_0 = arith.muli %arg0, %mul3A : i32
    %add3A = arith.addi %mul3A_0, %arg1 : i32
    %mul3A_1 = arith.constant 632 : i32
    %mul3A_2 = arith.muli %arg1, %mul3A_1 : i32
    %multiple_of3A = tpu.assume_multiple %mul3A_2, 8 : i32
    %lt3A = arith.constant 15 : i32
    %lt3A_3 = arith.cmpi slt, %arg1, %lt3A : i32
    %convert_element_type3A = arith.extui %lt3A_3 : i1 to i32
    %cond3A = arith.constant 0 : i32
    %cond3A_4 = arith.cmpi ne, %convert_element_type3A, %cond3A : i32
    scf.if %cond3A_4 {
      "tpu.region"() ({
        %run_scoped3A = tpu.sem_alloc : memref<!tpu.dma_semaphore, #tpu.memory_space<semaphore_mem>>
        %dma_start3A = arith.constant 0 : i32
        %dma_start3A_25 = tpu.memref_slice %arg7[%multiple_of3A, %dma_start3A] : memref<10000x128xf32, #tpu.memory_space<vmem_shared>> -> memref<632x128xf32, #tpu.memory_space<vmem_shared>>
        %dma_start3A_26 = arith.constant 0 : i32
        %dma_start3A_27 = tpu.memref_slice %arg3[%multiple_of3A, %dma_start3A_26] : memref<10000x128xf32, #tpu.memory_space<hbm>> -> memref<632x128xf32, #tpu.memory_space<hbm>>
        tpu.enqueue_dma source(%dma_start3A_27 : memref<632x128xf32, #tpu.memory_space<hbm>>) target(%dma_start3A_25 : memref<632x128xf32, #tpu.memory_space<vmem_shared>>) target_semaphore(%run_scoped3A : memref<!tpu.dma_semaphore, #tpu.memory_space<semaphore_mem>>)
        %dma_wait3A = arith.constant 0 : i32
        %dma_wait3A_28 = tpu.memref_slice %arg7[%multiple_of3A, %dma_wait3A] : memref<10000x128xf32, #tpu.memory_space<vmem_shared>> -> memref<632x128xf32, #tpu.memory_space<vmem_shared>>
        %dma_wait3A_29 = arith.constant 0 : i32
        %dma_wait3A_30 = tpu.memref_slice %arg3[%multiple_of3A, %dma_wait3A_29] : memref<10000x128xf32, #tpu.memory_space<hbm>> -> memref<632x128xf32, #tpu.memory_space<hbm>>
        tpu.wait_dma2 semaphore(%run_scoped3A : memref<!tpu.dma_semaphore, #tpu.memory_space<semaphore_mem>>) src(%dma_wait3A_30 : memref<632x128xf32, #tpu.memory_space<hbm>>) dst(%dma_wait3A_28 : memref<632x128xf32, #tpu.memory_space<vmem_shared>>)
        tpu.yield
      }) : () -> ()
    } else {
    }
    %eq3A = arith.constant 15 : i32
    %eq3A_5 = arith.cmpi eq, %arg1, %eq3A : i32
    %convert_element_type3A_6 = arith.extui %eq3A_5 : i1 to i32
    %cond3A_7 = arith.constant 0 : i32
    %cond3A_8 = arith.cmpi ne, %convert_element_type3A_6, %cond3A_7 : i32
    scf.if %cond3A_8 {
      "tpu.region"() ({
        %run_scoped3A = tpu.sem_alloc : memref<!tpu.dma_semaphore, #tpu.memory_space<semaphore_mem>>
        %dma_start3A = arith.constant 0 : i32
        %dma_start3A_25 = tpu.memref_slice %arg7[%multiple_of3A, %dma_start3A] : memref<10000x128xf32, #tpu.memory_space<vmem_shared>> -> memref<520x128xf32, #tpu.memory_space<vmem_shared>>
        %dma_start3A_26 = arith.constant 0 : i32
        %dma_start3A_27 = tpu.memref_slice %arg3[%multiple_of3A, %dma_start3A_26] : memref<10000x128xf32, #tpu.memory_space<hbm>> -> memref<520x128xf32, #tpu.memory_space<hbm>>
        tpu.enqueue_dma source(%dma_start3A_27 : memref<520x128xf32, #tpu.memory_space<hbm>>) target(%dma_start3A_25 : memref<520x128xf32, #tpu.memory_space<vmem_shared>>) target_semaphore(%run_scoped3A : memref<!tpu.dma_semaphore, #tpu.memory_space<semaphore_mem>>)
        %dma_wait3A = arith.constant 0 : i32
        %dma_wait3A_28 = tpu.memref_slice %arg7[%multiple_of3A, %dma_wait3A] : memref<10000x128xf32, #tpu.memory_space<vmem_shared>> -> memref<520x128xf32, #tpu.memory_space<vmem_shared>>
        %dma_wait3A_29 = arith.constant 0 : i32
        %dma_wait3A_30 = tpu.memref_slice %arg3[%multiple_of3A, %dma_wait3A_29] : memref<10000x128xf32, #tpu.memory_space<hbm>> -> memref<520x128xf32, #tpu.memory_space<hbm>>
        tpu.wait_dma2 semaphore(%run_scoped3A : memref<!tpu.dma_semaphore, #tpu.memory_space<semaphore_mem>>) src(%dma_wait3A_30 : memref<520x128xf32, #tpu.memory_space<hbm>>) dst(%dma_wait3A_28 : memref<520x128xf32, #tpu.memory_space<vmem_shared>>)
        tpu.yield
      }) : () -> ()
    } else {
    }
    %barrier3A = arith.constant 0 : index
    tpu.barrier barrier_id(%barrier3A)
    %scan3A = arith.constant 0 : i32
    %scan3A_9 = arith.constant 0 : i32
    %scan3A_10 = arith.constant 125 : i32
    %scan3A_11 = arith.addi %scan3A_9, %scan3A_10 : i32
    %scan3A_12 = arith.constant 1 : i32
    scf.for %scan3A_25 = %scan3A_9 to %scan3A_11 step %scan3A_12  : i32 {
      %mul3A_26 = arith.constant 10000 : i32
      %mul3A_27 = arith.muli %add3A, %mul3A_26 : i32
      %mul3A_28 = arith.constant 80 : i32
      %mul3A_29 = arith.muli %scan3A_25, %mul3A_28 : i32
      %add3A_30 = arith.addi %mul3A_27, %mul3A_29 : i32
      "tpu.region"() ({
        %run_scoped3A = tpu.sem_alloc : memref<!tpu.dma_semaphore, #tpu.memory_space<semaphore_mem>>
        %dma_start3A_35 = tpu.memref_slice %arg4[%add3A_30] : memref<320000xi32, #tpu.memory_space<hbm>> -> memref<80xi32, #tpu.memory_space<hbm>>
        %dma_start3A_36 = tpu.memref_slice %arg4[%add3A_30] : memref<320000xi32, #tpu.memory_space<hbm>> -> memref<80xi32, #tpu.memory_space<hbm>>
        tpu.enqueue_dma source(%dma_start3A_36 : memref<80xi32, #tpu.memory_space<hbm>>) target(%arg8 : memref<80xi32, #tpu.memory_space<vmem>>) target_semaphore(%run_scoped3A : memref<!tpu.dma_semaphore, #tpu.memory_space<semaphore_mem>>)
        %dma_wait3A_37 = tpu.memref_slice %arg4[%add3A_30] : memref<320000xi32, #tpu.memory_space<hbm>> -> memref<80xi32, #tpu.memory_space<hbm>>
        %dma_wait3A_38 = tpu.memref_slice %arg4[%add3A_30] : memref<320000xi32, #tpu.memory_space<hbm>> -> memref<80xi32, #tpu.memory_space<hbm>>
        tpu.wait_dma2 semaphore(%run_scoped3A : memref<!tpu.dma_semaphore, #tpu.memory_space<semaphore_mem>>) src(%dma_wait3A_38 : memref<80xi32, #tpu.memory_space<hbm>>) dst(%arg8 : memref<80xi32, #tpu.memory_space<vmem>>)
        tpu.yield
      }) : () -> ()
      "tpu.region"() ({
        %run_scoped3A = tpu.sem_alloc : memref<!tpu.dma_semaphore, #tpu.memory_space<semaphore_mem>>
        %dma_start3A_35 = tpu.memref_slice %arg5[%add3A_30] : memref<320000xi32, #tpu.memory_space<hbm>> -> memref<80xi32, #tpu.memory_space<hbm>>
        %dma_start3A_36 = tpu.memref_slice %arg5[%add3A_30] : memref<320000xi32, #tpu.memory_space<hbm>> -> memref<80xi32, #tpu.memory_space<hbm>>
        tpu.enqueue_dma source(%dma_start3A_36 : memref<80xi32, #tpu.memory_space<hbm>>) target(%arg9 : memref<80xi32, #tpu.memory_space<vmem>>) target_semaphore(%run_scoped3A : memref<!tpu.dma_semaphore, #tpu.memory_space<semaphore_mem>>)
        %dma_wait3A_37 = tpu.memref_slice %arg5[%add3A_30] : memref<320000xi32, #tpu.memory_space<hbm>> -> memref<80xi32, #tpu.memory_space<hbm>>
        %dma_wait3A_38 = tpu.memref_slice %arg5[%add3A_30] : memref<320000xi32, #tpu.memory_space<hbm>> -> memref<80xi32, #tpu.memory_space<hbm>>
        tpu.wait_dma2 semaphore(%run_scoped3A : memref<!tpu.dma_semaphore, #tpu.memory_space<semaphore_mem>>) src(%dma_wait3A_38 : memref<80xi32, #tpu.memory_space<hbm>>) dst(%arg9 : memref<80xi32, #tpu.memory_space<vmem>>)
        tpu.yield
      }) : () -> ()
      %dma_start3A = arith.constant 0 : i32
      %dma_start3A_31 = arith.constant 0 : i32
      %dma_start3A_32 = tpu.memref_slice %arg2[%dma_start3A, %dma_start3A_31] : memref<10000x128xf32, #tpu.memory_space<hbm>> -> memref<10000x128xf32, #tpu.memory_space<hbm>>
      tpu.enqueue_indirect_dma source(%dma_start3A_32 : memref<10000x128xf32, #tpu.memory_space<hbm>>) target(%arg10 : memref<80x128xf32, #tpu.memory_space<vmem>>) offsets(%arg8 : memref<80xi32, #tpu.memory_space<vmem>>) semaphore(%arg11 : memref<!tpu.dma_semaphore, #tpu.memory_space<semaphore_mem>>)
      %dma_wait3A = arith.constant 0 : i32
      %dma_wait3A_33 = arith.constant 0 : i32
      %dma_wait3A_34 = tpu.memref_slice %arg2[%dma_wait3A, %dma_wait3A_33] : memref<10000x128xf32, #tpu.memory_space<hbm>> -> memref<10000x128xf32, #tpu.memory_space<hbm>>
      tpu.wait_indirect_dma semaphore(%arg11 : memref<!tpu.dma_semaphore, #tpu.memory_space<semaphore_mem>>) src(%dma_wait3A_34 : memref<10000x128xf32, #tpu.memory_space<hbm>>) dst(%arg10 : memref<80x128xf32, #tpu.memory_space<vmem>>)
      "tpu.region"() ({
        %run_scoped3A = tpu.sem_alloc : memref<!tpu.dma_semaphore, #tpu.memory_space<semaphore_mem>>
        %dma_start3A_35 = arith.constant 0 : i32
        %dma_start3A_36 = arith.constant 0 : i32
        %dma_start3A_37 = tpu.memref_slice %arg7[%dma_start3A_35, %dma_start3A_36] : memref<10000x128xf32, #tpu.memory_space<vmem_shared>> -> memref<10000x128xf32, #tpu.memory_space<vmem_shared>>
        tpu.enqueue_indirect_dma source(%arg10 : memref<80x128xf32, #tpu.memory_space<vmem>>) target(%dma_start3A_37 : memref<10000x128xf32, #tpu.memory_space<vmem_shared>>) offsets(%arg9 : memref<80xi32, #tpu.memory_space<vmem>>) semaphore(%run_scoped3A : memref<!tpu.dma_semaphore, #tpu.memory_space<semaphore_mem>>) {add = true}
        %dma_wait3A_38 = arith.constant 0 : i32
        %dma_wait3A_39 = arith.constant 0 : i32
        %dma_wait3A_40 = tpu.memref_slice %arg7[%dma_wait3A_38, %dma_wait3A_39] : memref<10000x128xf32, #tpu.memory_space<vmem_shared>> -> memref<10000x128xf32, #tpu.memory_space<vmem_shared>>
        tpu.wait_indirect_dma semaphore(%run_scoped3A : memref<!tpu.dma_semaphore, #tpu.memory_space<semaphore_mem>>) src(%arg10 : memref<80x128xf32, #tpu.memory_space<vmem>>) dst(%dma_wait3A_40 : memref<10000x128xf32, #tpu.memory_space<vmem_shared>>)
        tpu.yield
      }) : () -> ()
    }
    %scan3A_13 = arith.constant 125 : i32
    %barrier3A_14 = arith.constant 0 : index
    tpu.barrier barrier_id(%barrier3A_14)
    %lt3A_15 = arith.constant 15 : i32
    %lt3A_16 = arith.cmpi slt, %arg1, %lt3A_15 : i32
    %convert_element_type3A_17 = arith.extui %lt3A_16 : i1 to i32
    %cond3A_18 = arith.constant 0 : i32
    %cond3A_19 = arith.cmpi ne, %convert_element_type3A_17, %cond3A_18 : i32
    scf.if %cond3A_19 {
      "tpu.region"() ({
        %run_scoped3A = tpu.sem_alloc : memref<!tpu.dma_semaphore, #tpu.memory_space<semaphore_mem>>
        %dma_start3A = arith.constant 0 : i32
        %dma_start3A_25 = tpu.memref_slice %arg6[%arg0, %multiple_of3A, %dma_start3A] : memref<2x10000x128xf32, #tpu.memory_space<hbm>> -> memref<1x632x128xf32, #tpu.memory_space<hbm>>
        %dma_start3A_26 = tpu.memref_squeeze %dma_start3A_25 : memref<1x632x128xf32, #tpu.memory_space<hbm>> -> memref<632x128xf32, #tpu.memory_space<hbm>>
        %dma_start3A_27 = arith.constant 0 : i32
        %dma_start3A_28 = tpu.memref_slice %arg7[%multiple_of3A, %dma_start3A_27] : memref<10000x128xf32, #tpu.memory_space<vmem_shared>> -> memref<632x128xf32, #tpu.memory_space<vmem_shared>>
        tpu.enqueue_dma source(%dma_start3A_28 : memref<632x128xf32, #tpu.memory_space<vmem_shared>>) target(%dma_start3A_26 : memref<632x128xf32, #tpu.memory_space<hbm>>) target_semaphore(%run_scoped3A : memref<!tpu.dma_semaphore, #tpu.memory_space<semaphore_mem>>)
        %dma_wait3A = arith.constant 0 : i32
        %dma_wait3A_29 = tpu.memref_slice %arg6[%arg0, %multiple_of3A, %dma_wait3A] : memref<2x10000x128xf32, #tpu.memory_space<hbm>> -> memref<1x632x128xf32, #tpu.memory_space<hbm>>
        %dma_wait3A_30 = tpu.memref_squeeze %dma_wait3A_29 : memref<1x632x128xf32, #tpu.memory_space<hbm>> -> memref<632x128xf32, #tpu.memory_space<hbm>>
        %dma_wait3A_31 = arith.constant 0 : i32
        %dma_wait3A_32 = tpu.memref_slice %arg7[%multiple_of3A, %dma_wait3A_31] : memref<10000x128xf32, #tpu.memory_space<vmem_shared>> -> memref<632x128xf32, #tpu.memory_space<vmem_shared>>
        tpu.wait_dma2 semaphore(%run_scoped3A : memref<!tpu.dma_semaphore, #tpu.memory_space<semaphore_mem>>) src(%dma_wait3A_32 : memref<632x128xf32, #tpu.memory_space<vmem_shared>>) dst(%dma_wait3A_30 : memref<632x128xf32, #tpu.memory_space<hbm>>)
        tpu.yield
      }) : () -> ()
    } else {
    }
    %eq3A_20 = arith.constant 15 : i32
    %eq3A_21 = arith.cmpi eq, %arg1, %eq3A_20 : i32
    %convert_element_type3A_22 = arith.extui %eq3A_21 : i1 to i32
    %cond3A_23 = arith.constant 0 : i32
    %cond3A_24 = arith.cmpi ne, %convert_element_type3A_22, %cond3A_23 : i32
    scf.if %cond3A_24 {
      "tpu.region"() ({
        %run_scoped3A = tpu.sem_alloc : memref<!tpu.dma_semaphore, #tpu.memory_space<semaphore_mem>>
        %dma_start3A = arith.constant 0 : i32
        %dma_start3A_25 = tpu.memref_slice %arg6[%arg0, %multiple_of3A, %dma_start3A] : memref<2x10000x128xf32, #tpu.memory_space<hbm>> -> memref<1x520x128xf32, #tpu.memory_space<hbm>>
        %dma_start3A_26 = tpu.memref_squeeze %dma_start3A_25 : memref<1x520x128xf32, #tpu.memory_space<hbm>> -> memref<520x128xf32, #tpu.memory_space<hbm>>
        %dma_start3A_27 = arith.constant 0 : i32
        %dma_start3A_28 = tpu.memref_slice %arg7[%multiple_of3A, %dma_start3A_27] : memref<10000x128xf32, #tpu.memory_space<vmem_shared>> -> memref<520x128xf32, #tpu.memory_space<vmem_shared>>
        tpu.enqueue_dma source(%dma_start3A_28 : memref<520x128xf32, #tpu.memory_space<vmem_shared>>) target(%dma_start3A_26 : memref<520x128xf32, #tpu.memory_space<hbm>>) target_semaphore(%run_scoped3A : memref<!tpu.dma_semaphore, #tpu.memory_space<semaphore_mem>>)
        %dma_wait3A = arith.constant 0 : i32
        %dma_wait3A_29 = tpu.memref_slice %arg6[%arg0, %multiple_of3A, %dma_wait3A] : memref<2x10000x128xf32, #tpu.memory_space<hbm>> -> memref<1x520x128xf32, #tpu.memory_space<hbm>>
        %dma_wait3A_30 = tpu.memref_squeeze %dma_wait3A_29 : memref<1x520x128xf32, #tpu.memory_space<hbm>> -> memref<520x128xf32, #tpu.memory_space<hbm>>
        %dma_wait3A_31 = arith.constant 0 : i32
        %dma_wait3A_32 = tpu.memref_slice %arg7[%multiple_of3A, %dma_wait3A_31] : memref<10000x128xf32, #tpu.memory_space<vmem_shared>> -> memref<520x128xf32, #tpu.memory_space<vmem_shared>>
        tpu.wait_dma2 semaphore(%run_scoped3A : memref<!tpu.dma_semaphore, #tpu.memory_space<semaphore_mem>>) src(%dma_wait3A_32 : memref<520x128xf32, #tpu.memory_space<vmem_shared>>) dst(%dma_wait3A_30 : memref<520x128xf32, #tpu.memory_space<hbm>>)
        tpu.yield
      }) : () -> ()
    } else {
    }
    return
  }
}

#map = affine_map<(d0, d1) -> (0, 0)>
#map1 = affine_map<(d0, d1) -> (0)>
#map2 = affine_map<(d0, d1) -> (0, 0, 0)>
module attributes {stable_mosaic.version = 14 : i64} {
  func.func @body_fn(%arg0: i32, %arg1: i32, %arg2: memref<10000x128xf32, #tpu.memory_space<hbm>>, %arg3: memref<10000x128xf32, #tpu.memory_space<hbm>>, %arg4: memref<320000xi32, #tpu.memory_space<hbm>>, %arg5: memref<320000xi32, #tpu.memory_space<hbm>>, %arg6: memref<2x10000x128xf32, #tpu.memory_space<hbm>>, %arg7: memref<10000x128xf32, #tpu.memory_space<vmem_shared>>, %arg8: memref<80xi32, #tpu.memory_space<vmem>>, %arg9: memref<80xi32, #tpu.memory_space<vmem>>, %arg10: memref<80x128xf32, #tpu.memory_space<vmem>>, %arg11: memref<!tpu.dma_semaphore, #tpu.memory_space<semaphore_mem>>) attributes {dimension_semantics = [#tpu.dimension_semantics<core_parallel>, #tpu.dimension_semantics<subcore_parallel>], iteration_bounds = array<i64: 2, 16>, scalar_prefetch = 0 : i64, scratch_operands = 5 : i64, tpu.core_type = #tpu.core_type<sc_vector_subcore>, window_params = [{transform_indices = #map}, {transform_indices = #map}, {transform_indices = #map1}, {transform_indices = #map1}, {transform_indices = #map2}]} {
    %mul3A = arith.constant 16 : i32
    %mul3A_0 = arith.muli %arg0, %mul3A : i32
    %add3A = arith.addi %mul3A_0, %arg1 : i32
    %mul3A_1 = arith.constant 632 : i32
    %mul3A_2 = arith.muli %arg1, %mul3A_1 : i32
    %multiple_of3A = tpu.assume_multiple %mul3A_2, 8 : i32
    %lt3A = arith.constant 15 : i32
    %lt3A_3 = arith.cmpi slt, %arg1, %lt3A : i32
    %convert_element_type3A = arith.extui %lt3A_3 : i1 to i32
    %cond3A = arith.constant 0 : i32
    %cond3A_4 = arith.cmpi ne, %convert_element_type3A, %cond3A : i32
    scf.if %cond3A_4 {
      "tpu.region"() ({
        %run_scoped3A = tpu.sem_alloc : memref<!tpu.dma_semaphore, #tpu.memory_space<semaphore_mem>>
        %dma_start3A = arith.constant 0 : i32
        %dma_start3A_25 = tpu.memref_slice %arg7[%multiple_of3A, %dma_start3A] : memref<10000x128xf32, #tpu.memory_space<vmem_shared>> -> memref<632x128xf32, #tpu.memory_space<vmem_shared>>
        %dma_start3A_26 = arith.constant 0 : i32
        %dma_start3A_27 = tpu.memref_slice %arg3[%multiple_of3A, %dma_start3A_26] : memref<10000x128xf32, #tpu.memory_space<hbm>> -> memref<632x128xf32, #tpu.memory_space<hbm>>
        tpu.enqueue_dma source(%dma_start3A_27 : memref<632x128xf32, #tpu.memory_space<hbm>>) target(%dma_start3A_25 : memref<632x128xf32, #tpu.memory_space<vmem_shared>>) target_semaphore(%run_scoped3A : memref<!tpu.dma_semaphore, #tpu.memory_space<semaphore_mem>>)
        %dma_wait3A = arith.constant 0 : i32
        %dma_wait3A_28 = tpu.memref_slice %arg7[%multiple_of3A, %dma_wait3A] : memref<10000x128xf32, #tpu.memory_space<vmem_shared>> -> memref<632x128xf32, #tpu.memory_space<vmem_shared>>
        %dma_wait3A_29 = arith.constant 0 : i32
        %dma_wait3A_30 = tpu.memref_slice %arg3[%multiple_of3A, %dma_wait3A_29] : memref<10000x128xf32, #tpu.memory_space<hbm>> -> memref<632x128xf32, #tpu.memory_space<hbm>>
        tpu.wait_dma2 semaphore(%run_scoped3A : memref<!tpu.dma_semaphore, #tpu.memory_space<semaphore_mem>>) src(%dma_wait3A_30 : memref<632x128xf32, #tpu.memory_space<hbm>>) dst(%dma_wait3A_28 : memref<632x128xf32, #tpu.memory_space<vmem_shared>>)
        tpu.yield
      }) : () -> ()
    } else {
    }
    %eq3A = arith.constant 15 : i32
    %eq3A_5 = arith.cmpi eq, %arg1, %eq3A : i32
    %convert_element_type3A_6 = arith.extui %eq3A_5 : i1 to i32
    %cond3A_7 = arith.constant 0 : i32
    %cond3A_8 = arith.cmpi ne, %convert_element_type3A_6, %cond3A_7 : i32
    scf.if %cond3A_8 {
      "tpu.region"() ({
        %run_scoped3A = tpu.sem_alloc : memref<!tpu.dma_semaphore, #tpu.memory_space<semaphore_mem>>
        %dma_start3A = arith.constant 0 : i32
        %dma_start3A_25 = tpu.memref_slice %arg7[%multiple_of3A, %dma_start3A] : memref<10000x128xf32, #tpu.memory_space<vmem_shared>> -> memref<520x128xf32, #tpu.memory_space<vmem_shared>>
        %dma_start3A_26 = arith.constant 0 : i32
        %dma_start3A_27 = tpu.memref_slice %arg3[%multiple_of3A, %dma_start3A_26] : memref<10000x128xf32, #tpu.memory_space<hbm>> -> memref<520x128xf32, #tpu.memory_space<hbm>>
        tpu.enqueue_dma source(%dma_start3A_27 : memref<520x128xf32, #tpu.memory_space<hbm>>) target(%dma_start3A_25 : memref<520x128xf32, #tpu.memory_space<vmem_shared>>) target_semaphore(%run_scoped3A : memref<!tpu.dma_semaphore, #tpu.memory_space<semaphore_mem>>)
        %dma_wait3A = arith.constant 0 : i32
        %dma_wait3A_28 = tpu.memref_slice %arg7[%multiple_of3A, %dma_wait3A] : memref<10000x128xf32, #tpu.memory_space<vmem_shared>> -> memref<520x128xf32, #tpu.memory_space<vmem_shared>>
        %dma_wait3A_29 = arith.constant 0 : i32
        %dma_wait3A_30 = tpu.memref_slice %arg3[%multiple_of3A, %dma_wait3A_29] : memref<10000x128xf32, #tpu.memory_space<hbm>> -> memref<520x128xf32, #tpu.memory_space<hbm>>
        tpu.wait_dma2 semaphore(%run_scoped3A : memref<!tpu.dma_semaphore, #tpu.memory_space<semaphore_mem>>) src(%dma_wait3A_30 : memref<520x128xf32, #tpu.memory_space<hbm>>) dst(%dma_wait3A_28 : memref<520x128xf32, #tpu.memory_space<vmem_shared>>)
        tpu.yield
      }) : () -> ()
    } else {
    }
    %barrier3A = arith.constant 0 : index
    tpu.barrier barrier_id(%barrier3A)
    %scan3A = arith.constant 0 : i32
    %scan3A_9 = arith.constant 0 : i32
    %scan3A_10 = arith.constant 125 : i32
    %scan3A_11 = arith.addi %scan3A_9, %scan3A_10 : i32
    %scan3A_12 = arith.constant 1 : i32
    scf.for %scan3A_25 = %scan3A_9 to %scan3A_11 step %scan3A_12  : i32 {
      %mul3A_26 = arith.constant 10000 : i32
      %mul3A_27 = arith.muli %add3A, %mul3A_26 : i32
      %mul3A_28 = arith.constant 80 : i32
      %mul3A_29 = arith.muli %scan3A_25, %mul3A_28 : i32
      %add3A_30 = arith.addi %mul3A_27, %mul3A_29 : i32
      "tpu.region"() ({
        %run_scoped3A = tpu.sem_alloc : memref<!tpu.dma_semaphore, #tpu.memory_space<semaphore_mem>>
        %dma_start3A_35 = tpu.memref_slice %arg4[%add3A_30] : memref<320000xi32, #tpu.memory_space<hbm>> -> memref<80xi32, #tpu.memory_space<hbm>>
        %dma_start3A_36 = tpu.memref_slice %arg4[%add3A_30] : memref<320000xi32, #tpu.memory_space<hbm>> -> memref<80xi32, #tpu.memory_space<hbm>>
        tpu.enqueue_dma source(%dma_start3A_36 : memref<80xi32, #tpu.memory_space<hbm>>) target(%arg8 : memref<80xi32, #tpu.memory_space<vmem>>) target_semaphore(%run_scoped3A : memref<!tpu.dma_semaphore, #tpu.memory_space<semaphore_mem>>)
        %dma_wait3A_37 = tpu.memref_slice %arg4[%add3A_30] : memref<320000xi32, #tpu.memory_space<hbm>> -> memref<80xi32, #tpu.memory_space<hbm>>
        %dma_wait3A_38 = tpu.memref_slice %arg4[%add3A_30] : memref<320000xi32, #tpu.memory_space<hbm>> -> memref<80xi32, #tpu.memory_space<hbm>>
        tpu.wait_dma2 semaphore(%run_scoped3A : memref<!tpu.dma_semaphore, #tpu.memory_space<semaphore_mem>>) src(%dma_wait3A_38 : memref<80xi32, #tpu.memory_space<hbm>>) dst(%arg8 : memref<80xi32, #tpu.memory_space<vmem>>)
        tpu.yield
      }) : () -> ()
      "tpu.region"() ({
        %run_scoped3A = tpu.sem_alloc : memref<!tpu.dma_semaphore, #tpu.memory_space<semaphore_mem>>
        %dma_start3A_35 = tpu.memref_slice %arg5[%add3A_30] : memref<320000xi32, #tpu.memory_space<hbm>> -> memref<80xi32, #tpu.memory_space<hbm>>
        %dma_start3A_36 = tpu.memref_slice %arg5[%add3A_30] : memref<320000xi32, #tpu.memory_space<hbm>> -> memref<80xi32, #tpu.memory_space<hbm>>
        tpu.enqueue_dma source(%dma_start3A_36 : memref<80xi32, #tpu.memory_space<hbm>>) target(%arg9 : memref<80xi32, #tpu.memory_space<vmem>>) target_semaphore(%run_scoped3A : memref<!tpu.dma_semaphore, #tpu.memory_space<semaphore_mem>>)
        %dma_wait3A_37 = tpu.memref_slice %arg5[%add3A_30] : memref<320000xi32, #tpu.memory_space<hbm>> -> memref<80xi32, #tpu.memory_space<hbm>>
        %dma_wait3A_38 = tpu.memref_slice %arg5[%add3A_30] : memref<320000xi32, #tpu.memory_space<hbm>> -> memref<80xi32, #tpu.memory_space<hbm>>
        tpu.wait_dma2 semaphore(%run_scoped3A : memref<!tpu.dma_semaphore, #tpu.memory_space<semaphore_mem>>) src(%dma_wait3A_38 : memref<80xi32, #tpu.memory_space<hbm>>) dst(%arg9 : memref<80xi32, #tpu.memory_space<vmem>>)
        tpu.yield
      }) : () -> ()
      %dma_start3A = arith.constant 0 : i32
      %dma_start3A_31 = arith.constant 0 : i32
      %dma_start3A_32 = tpu.memref_slice %arg2[%dma_start3A, %dma_start3A_31] : memref<10000x128xf32, #tpu.memory_space<hbm>> -> memref<10000x128xf32, #tpu.memory_space<hbm>>
      tpu.enqueue_indirect_dma source(%dma_start3A_32 : memref<10000x128xf32, #tpu.memory_space<hbm>>) target(%arg10 : memref<80x128xf32, #tpu.memory_space<vmem>>) offsets(%arg8 : memref<80xi32, #tpu.memory_space<vmem>>) semaphore(%arg11 : memref<!tpu.dma_semaphore, #tpu.memory_space<semaphore_mem>>)
      %dma_wait3A = arith.constant 0 : i32
      %dma_wait3A_33 = arith.constant 0 : i32
      %dma_wait3A_34 = tpu.memref_slice %arg2[%dma_wait3A, %dma_wait3A_33] : memref<10000x128xf32, #tpu.memory_space<hbm>> -> memref<10000x128xf32, #tpu.memory_space<hbm>>
      tpu.wait_indirect_dma semaphore(%arg11 : memref<!tpu.dma_semaphore, #tpu.memory_space<semaphore_mem>>) src(%dma_wait3A_34 : memref<10000x128xf32, #tpu.memory_space<hbm>>) dst(%arg10 : memref<80x128xf32, #tpu.memory_space<vmem>>)
      "tpu.region"() ({
        %run_scoped3A = tpu.sem_alloc : memref<!tpu.dma_semaphore, #tpu.memory_space<semaphore_mem>>
        %dma_start3A_35 = arith.constant 0 : i32
        %dma_start3A_36 = arith.constant 0 : i32
        %dma_start3A_37 = tpu.memref_slice %arg7[%dma_start3A_35, %dma_start3A_36] : memref<10000x128xf32, #tpu.memory_space<vmem_shared>> -> memref<10000x128xf32, #tpu.memory_space<vmem_shared>>
        tpu.enqueue_indirect_dma source(%arg10 : memref<80x128xf32, #tpu.memory_space<vmem>>) target(%dma_start3A_37 : memref<10000x128xf32, #tpu.memory_space<vmem_shared>>) offsets(%arg9 : memref<80xi32, #tpu.memory_space<vmem>>) semaphore(%run_scoped3A : memref<!tpu.dma_semaphore, #tpu.memory_space<semaphore_mem>>) {add = true}
        %dma_wait3A_38 = arith.constant 0 : i32
        %dma_wait3A_39 = arith.constant 0 : i32
        %dma_wait3A_40 = tpu.memref_slice %arg7[%dma_wait3A_38, %dma_wait3A_39] : memref<10000x128xf32, #tpu.memory_space<vmem_shared>> -> memref<10000x128xf32, #tpu.memory_space<vmem_shared>>
        tpu.wait_indirect_dma semaphore(%run_scoped3A : memref<!tpu.dma_semaphore, #tpu.memory_space<semaphore_mem>>) src(%arg10 : memref<80x128xf32, #tpu.memory_space<vmem>>) dst(%dma_wait3A_40 : memref<10000x128xf32, #tpu.memory_space<vmem_shared>>)
        tpu.yield
      }) : () -> ()
    }
    %scan3A_13 = arith.constant 125 : i32
    %barrier3A_14 = arith.constant 0 : index
    tpu.barrier barrier_id(%barrier3A_14)
    %lt3A_15 = arith.constant 15 : i32
    %lt3A_16 = arith.cmpi slt, %arg1, %lt3A_15 : i32
    %convert_element_type3A_17 = arith.extui %lt3A_16 : i1 to i32
    %cond3A_18 = arith.constant 0 : i32
    %cond3A_19 = arith.cmpi ne, %convert_element_type3A_17, %cond3A_18 : i32
    scf.if %cond3A_19 {
      "tpu.region"() ({
        %run_scoped3A = tpu.sem_alloc : memref<!tpu.dma_semaphore, #tpu.memory_space<semaphore_mem>>
        %dma_start3A = arith.constant 0 : i32
        %dma_start3A_25 = tpu.memref_slice %arg6[%arg0, %multiple_of3A, %dma_start3A] : memref<2x10000x128xf32, #tpu.memory_space<hbm>> -> memref<1x632x128xf32, #tpu.memory_space<hbm>>
        %dma_start3A_26 = tpu.memref_squeeze %dma_start3A_25 : memref<1x632x128xf32, #tpu.memory_space<hbm>> -> memref<632x128xf32, #tpu.memory_space<hbm>>
        %dma_start3A_27 = arith.constant 0 : i32
        %dma_start3A_28 = tpu.memref_slice %arg7[%multiple_of3A, %dma_start3A_27] : memref<10000x128xf32, #tpu.memory_space<vmem_shared>> -> memref<632x128xf32, #tpu.memory_space<vmem_shared>>
        tpu.enqueue_dma source(%dma_start3A_28 : memref<632x128xf32, #tpu.memory_space<vmem_shared>>) target(%dma_start3A_26 : memref<632x128xf32, #tpu.memory_space<hbm>>) target_semaphore(%run_scoped3A : memref<!tpu.dma_semaphore, #tpu.memory_space<semaphore_mem>>)
        %dma_wait3A = arith.constant 0 : i32
        %dma_wait3A_29 = tpu.memref_slice %arg6[%arg0, %multiple_of3A, %dma_wait3A] : memref<2x10000x128xf32, #tpu.memory_space<hbm>> -> memref<1x632x128xf32, #tpu.memory_space<hbm>>
        %dma_wait3A_30 = tpu.memref_squeeze %dma_wait3A_29 : memref<1x632x128xf32, #tpu.memory_space<hbm>> -> memref<632x128xf32, #tpu.memory_space<hbm>>
        %dma_wait3A_31 = arith.constant 0 : i32
        %dma_wait3A_32 = tpu.memref_slice %arg7[%multiple_of3A, %dma_wait3A_31] : memref<10000x128xf32, #tpu.memory_space<vmem_shared>> -> memref<632x128xf32, #tpu.memory_space<vmem_shared>>
        tpu.wait_dma2 semaphore(%run_scoped3A : memref<!tpu.dma_semaphore, #tpu.memory_space<semaphore_mem>>) src(%dma_wait3A_32 : memref<632x128xf32, #tpu.memory_space<vmem_shared>>) dst(%dma_wait3A_30 : memref<632x128xf32, #tpu.memory_space<hbm>>)
        tpu.yield
      }) : () -> ()
    } else {
    }
    %eq3A_20 = arith.constant 15 : i32
    %eq3A_21 = arith.cmpi eq, %arg1, %eq3A_20 : i32
    %convert_element_type3A_22 = arith.extui %eq3A_21 : i1 to i32
    %cond3A_23 = arith.constant 0 : i32
    %cond3A_24 = arith.cmpi ne, %convert_element_type3A_22, %cond3A_23 : i32
    scf.if %cond3A_24 {
      "tpu.region"() ({
        %run_scoped3A = tpu.sem_alloc : memref<!tpu.dma_semaphore, #tpu.memory_space<semaphore_mem>>
        %dma_start3A = arith.constant 0 : i32
        %dma_start3A_25 = tpu.memref_slice %arg6[%arg0, %multiple_of3A, %dma_start3A] : memref<2x10000x128xf32, #tpu.memory_space<hbm>> -> memref<1x520x128xf32, #tpu.memory_space<hbm>>
        %dma_start3A_26 = tpu.memref_squeeze %dma_start3A_25 : memref<1x520x128xf32, #tpu.memory_space<hbm>> -> memref<520x128xf32, #tpu.memory_space<hbm>>
        %dma_start3A_27 = arith.constant 0 : i32
        %dma_start3A_28 = tpu.memref_slice %arg7[%multiple_of3A, %dma_start3A_27] : memref<10000x128xf32, #tpu.memory_space<vmem_shared>> -> memref<520x128xf32, #tpu.memory_space<vmem_shared>>
        tpu.enqueue_dma source(%dma_start3A_28 : memref<520x128xf32, #tpu.memory_space<vmem_shared>>) target(%dma_start3A_26 : memref<520x128xf32, #tpu.memory_space<hbm>>) target_semaphore(%run_scoped3A : memref<!tpu.dma_semaphore, #tpu.memory_space<semaphore_mem>>)
        %dma_wait3A = arith.constant 0 : i32
        %dma_wait3A_29 = tpu.memref_slice %arg6[%arg0, %multiple_of3A, %dma_wait3A] : memref<2x10000x128xf32, #tpu.memory_space<hbm>> -> memref<1x520x128xf32, #tpu.memory_space<hbm>>
        %dma_wait3A_30 = tpu.memref_squeeze %dma_wait3A_29 : memref<1x520x128xf32, #tpu.memory_space<hbm>> -> memref<520x128xf32, #tpu.memory_space<hbm>>
        %dma_wait3A_31 = arith.constant 0 : i32
        %dma_wait3A_32 = tpu.memref_slice %arg7[%multiple_of3A, %dma_wait3A_31] : memref<10000x128xf32, #tpu.memory_space<vmem_shared>> -> memref<520x128xf32, #tpu.memory_space<vmem_shared>>
        tpu.wait_dma2 semaphore(%run_scoped3A : memref<!tpu.dma_semaphore, #tpu.memory_space<semaphore_mem>>) src(%dma_wait3A_32 : memref<520x128xf32, #tpu.memory_space<vmem_shared>>) dst(%dma_wait3A_30 : memref<520x128xf32, #tpu.memory_space<hbm>>)
        tpu.yield
      }) : () -> ()
    } else {
    }
    return
  }
}

#map = affine_map<(d0, d1) -> (0, 0)>
#map1 = affine_map<(d0, d1) -> (0)>
#map2 = affine_map<(d0, d1) -> (0, 0, 0)>
module attributes {stable_mosaic.version = 14 : i64} {
  func.func @body_fn(%arg0: i32, %arg1: i32, %arg2: memref<10000x128xf32, #tpu.memory_space<hbm>>, %arg3: memref<10000x128xf32, #tpu.memory_space<hbm>>, %arg4: memref<320000xi32, #tpu.memory_space<hbm>>, %arg5: memref<320000xi32, #tpu.memory_space<hbm>>, %arg6: memref<2x10000x128xf32, #tpu.memory_space<hbm>>, %arg7: memref<10000x128xf32, #tpu.memory_space<vmem_shared>>, %arg8: memref<80xi32, #tpu.memory_space<vmem>>, %arg9: memref<80xi32, #tpu.memory_space<vmem>>, %arg10: memref<80x128xf32, #tpu.memory_space<vmem>>, %arg11: memref<!tpu.dma_semaphore, #tpu.memory_space<semaphore_mem>>) attributes {dimension_semantics = [#tpu.dimension_semantics<core_parallel>, #tpu.dimension_semantics<subcore_parallel>], iteration_bounds = array<i64: 2, 16>, scalar_prefetch = 0 : i64, scratch_operands = 5 : i64, tpu.core_type = #tpu.core_type<sc_vector_subcore>, window_params = [{transform_indices = #map}, {transform_indices = #map}, {transform_indices = #map1}, {transform_indices = #map1}, {transform_indices = #map2}]} {
    %mul3A = arith.constant 16 : i32
    %mul3A_0 = arith.muli %arg0, %mul3A : i32
    %add3A = arith.addi %mul3A_0, %arg1 : i32
    %mul3A_1 = arith.constant 632 : i32
    %mul3A_2 = arith.muli %arg1, %mul3A_1 : i32
    %multiple_of3A = tpu.assume_multiple %mul3A_2, 8 : i32
    %lt3A = arith.constant 15 : i32
    %lt3A_3 = arith.cmpi slt, %arg1, %lt3A : i32
    %convert_element_type3A = arith.extui %lt3A_3 : i1 to i32
    %cond3A = arith.constant 0 : i32
    %cond3A_4 = arith.cmpi ne, %convert_element_type3A, %cond3A : i32
    scf.if %cond3A_4 {
      "tpu.region"() ({
        %run_scoped3A = tpu.sem_alloc : memref<!tpu.dma_semaphore, #tpu.memory_space<semaphore_mem>>
        %dma_start3A = arith.constant 0 : i32
        %dma_start3A_25 = tpu.memref_slice %arg7[%multiple_of3A, %dma_start3A] : memref<10000x128xf32, #tpu.memory_space<vmem_shared>> -> memref<632x128xf32, #tpu.memory_space<vmem_shared>>
        %dma_start3A_26 = arith.constant 0 : i32
        %dma_start3A_27 = tpu.memref_slice %arg3[%multiple_of3A, %dma_start3A_26] : memref<10000x128xf32, #tpu.memory_space<hbm>> -> memref<632x128xf32, #tpu.memory_space<hbm>>
        tpu.enqueue_dma source(%dma_start3A_27 : memref<632x128xf32, #tpu.memory_space<hbm>>) target(%dma_start3A_25 : memref<632x128xf32, #tpu.memory_space<vmem_shared>>) target_semaphore(%run_scoped3A : memref<!tpu.dma_semaphore, #tpu.memory_space<semaphore_mem>>)
        %dma_wait3A = arith.constant 0 : i32
        %dma_wait3A_28 = tpu.memref_slice %arg7[%multiple_of3A, %dma_wait3A] : memref<10000x128xf32, #tpu.memory_space<vmem_shared>> -> memref<632x128xf32, #tpu.memory_space<vmem_shared>>
        %dma_wait3A_29 = arith.constant 0 : i32
        %dma_wait3A_30 = tpu.memref_slice %arg3[%multiple_of3A, %dma_wait3A_29] : memref<10000x128xf32, #tpu.memory_space<hbm>> -> memref<632x128xf32, #tpu.memory_space<hbm>>
        tpu.wait_dma2 semaphore(%run_scoped3A : memref<!tpu.dma_semaphore, #tpu.memory_space<semaphore_mem>>) src(%dma_wait3A_30 : memref<632x128xf32, #tpu.memory_space<hbm>>) dst(%dma_wait3A_28 : memref<632x128xf32, #tpu.memory_space<vmem_shared>>)
        tpu.yield
      }) : () -> ()
    } else {
    }
    %eq3A = arith.constant 15 : i32
    %eq3A_5 = arith.cmpi eq, %arg1, %eq3A : i32
    %convert_element_type3A_6 = arith.extui %eq3A_5 : i1 to i32
    %cond3A_7 = arith.constant 0 : i32
    %cond3A_8 = arith.cmpi ne, %convert_element_type3A_6, %cond3A_7 : i32
    scf.if %cond3A_8 {
      "tpu.region"() ({
        %run_scoped3A = tpu.sem_alloc : memref<!tpu.dma_semaphore, #tpu.memory_space<semaphore_mem>>
        %dma_start3A = arith.constant 0 : i32
        %dma_start3A_25 = tpu.memref_slice %arg7[%multiple_of3A, %dma_start3A] : memref<10000x128xf32, #tpu.memory_space<vmem_shared>> -> memref<520x128xf32, #tpu.memory_space<vmem_shared>>
        %dma_start3A_26 = arith.constant 0 : i32
        %dma_start3A_27 = tpu.memref_slice %arg3[%multiple_of3A, %dma_start3A_26] : memref<10000x128xf32, #tpu.memory_space<hbm>> -> memref<520x128xf32, #tpu.memory_space<hbm>>
        tpu.enqueue_dma source(%dma_start3A_27 : memref<520x128xf32, #tpu.memory_space<hbm>>) target(%dma_start3A_25 : memref<520x128xf32, #tpu.memory_space<vmem_shared>>) target_semaphore(%run_scoped3A : memref<!tpu.dma_semaphore, #tpu.memory_space<semaphore_mem>>)
        %dma_wait3A = arith.constant 0 : i32
        %dma_wait3A_28 = tpu.memref_slice %arg7[%multiple_of3A, %dma_wait3A] : memref<10000x128xf32, #tpu.memory_space<vmem_shared>> -> memref<520x128xf32, #tpu.memory_space<vmem_shared>>
        %dma_wait3A_29 = arith.constant 0 : i32
        %dma_wait3A_30 = tpu.memref_slice %arg3[%multiple_of3A, %dma_wait3A_29] : memref<10000x128xf32, #tpu.memory_space<hbm>> -> memref<520x128xf32, #tpu.memory_space<hbm>>
        tpu.wait_dma2 semaphore(%run_scoped3A : memref<!tpu.dma_semaphore, #tpu.memory_space<semaphore_mem>>) src(%dma_wait3A_30 : memref<520x128xf32, #tpu.memory_space<hbm>>) dst(%dma_wait3A_28 : memref<520x128xf32, #tpu.memory_space<vmem_shared>>)
        tpu.yield
      }) : () -> ()
    } else {
    }
    %barrier3A = arith.constant 0 : index
    tpu.barrier barrier_id(%barrier3A)
    %scan3A = arith.constant 0 : i32
    %scan3A_9 = arith.constant 0 : i32
    %scan3A_10 = arith.constant 125 : i32
    %scan3A_11 = arith.addi %scan3A_9, %scan3A_10 : i32
    %scan3A_12 = arith.constant 1 : i32
    scf.for %scan3A_25 = %scan3A_9 to %scan3A_11 step %scan3A_12  : i32 {
      %mul3A_26 = arith.constant 10000 : i32
      %mul3A_27 = arith.muli %add3A, %mul3A_26 : i32
      %mul3A_28 = arith.constant 80 : i32
      %mul3A_29 = arith.muli %scan3A_25, %mul3A_28 : i32
      %add3A_30 = arith.addi %mul3A_27, %mul3A_29 : i32
      "tpu.region"() ({
        %run_scoped3A = tpu.sem_alloc : memref<!tpu.dma_semaphore, #tpu.memory_space<semaphore_mem>>
        %dma_start3A_35 = tpu.memref_slice %arg4[%add3A_30] : memref<320000xi32, #tpu.memory_space<hbm>> -> memref<80xi32, #tpu.memory_space<hbm>>
        %dma_start3A_36 = tpu.memref_slice %arg4[%add3A_30] : memref<320000xi32, #tpu.memory_space<hbm>> -> memref<80xi32, #tpu.memory_space<hbm>>
        tpu.enqueue_dma source(%dma_start3A_36 : memref<80xi32, #tpu.memory_space<hbm>>) target(%arg8 : memref<80xi32, #tpu.memory_space<vmem>>) target_semaphore(%run_scoped3A : memref<!tpu.dma_semaphore, #tpu.memory_space<semaphore_mem>>)
        %dma_wait3A_37 = tpu.memref_slice %arg4[%add3A_30] : memref<320000xi32, #tpu.memory_space<hbm>> -> memref<80xi32, #tpu.memory_space<hbm>>
        %dma_wait3A_38 = tpu.memref_slice %arg4[%add3A_30] : memref<320000xi32, #tpu.memory_space<hbm>> -> memref<80xi32, #tpu.memory_space<hbm>>
        tpu.wait_dma2 semaphore(%run_scoped3A : memref<!tpu.dma_semaphore, #tpu.memory_space<semaphore_mem>>) src(%dma_wait3A_38 : memref<80xi32, #tpu.memory_space<hbm>>) dst(%arg8 : memref<80xi32, #tpu.memory_space<vmem>>)
        tpu.yield
      }) : () -> ()
      "tpu.region"() ({
        %run_scoped3A = tpu.sem_alloc : memref<!tpu.dma_semaphore, #tpu.memory_space<semaphore_mem>>
        %dma_start3A_35 = tpu.memref_slice %arg5[%add3A_30] : memref<320000xi32, #tpu.memory_space<hbm>> -> memref<80xi32, #tpu.memory_space<hbm>>
        %dma_start3A_36 = tpu.memref_slice %arg5[%add3A_30] : memref<320000xi32, #tpu.memory_space<hbm>> -> memref<80xi32, #tpu.memory_space<hbm>>
        tpu.enqueue_dma source(%dma_start3A_36 : memref<80xi32, #tpu.memory_space<hbm>>) target(%arg9 : memref<80xi32, #tpu.memory_space<vmem>>) target_semaphore(%run_scoped3A : memref<!tpu.dma_semaphore, #tpu.memory_space<semaphore_mem>>)
        %dma_wait3A_37 = tpu.memref_slice %arg5[%add3A_30] : memref<320000xi32, #tpu.memory_space<hbm>> -> memref<80xi32, #tpu.memory_space<hbm>>
        %dma_wait3A_38 = tpu.memref_slice %arg5[%add3A_30] : memref<320000xi32, #tpu.memory_space<hbm>> -> memref<80xi32, #tpu.memory_space<hbm>>
        tpu.wait_dma2 semaphore(%run_scoped3A : memref<!tpu.dma_semaphore, #tpu.memory_space<semaphore_mem>>) src(%dma_wait3A_38 : memref<80xi32, #tpu.memory_space<hbm>>) dst(%arg9 : memref<80xi32, #tpu.memory_space<vmem>>)
        tpu.yield
      }) : () -> ()
      %dma_start3A = arith.constant 0 : i32
      %dma_start3A_31 = arith.constant 0 : i32
      %dma_start3A_32 = tpu.memref_slice %arg2[%dma_start3A, %dma_start3A_31] : memref<10000x128xf32, #tpu.memory_space<hbm>> -> memref<10000x128xf32, #tpu.memory_space<hbm>>
      tpu.enqueue_indirect_dma source(%dma_start3A_32 : memref<10000x128xf32, #tpu.memory_space<hbm>>) target(%arg10 : memref<80x128xf32, #tpu.memory_space<vmem>>) offsets(%arg8 : memref<80xi32, #tpu.memory_space<vmem>>) semaphore(%arg11 : memref<!tpu.dma_semaphore, #tpu.memory_space<semaphore_mem>>)
      %dma_wait3A = arith.constant 0 : i32
      %dma_wait3A_33 = arith.constant 0 : i32
      %dma_wait3A_34 = tpu.memref_slice %arg2[%dma_wait3A, %dma_wait3A_33] : memref<10000x128xf32, #tpu.memory_space<hbm>> -> memref<10000x128xf32, #tpu.memory_space<hbm>>
      tpu.wait_indirect_dma semaphore(%arg11 : memref<!tpu.dma_semaphore, #tpu.memory_space<semaphore_mem>>) src(%dma_wait3A_34 : memref<10000x128xf32, #tpu.memory_space<hbm>>) dst(%arg10 : memref<80x128xf32, #tpu.memory_space<vmem>>)
      "tpu.region"() ({
        %run_scoped3A = tpu.sem_alloc : memref<!tpu.dma_semaphore, #tpu.memory_space<semaphore_mem>>
        %dma_start3A_35 = arith.constant 0 : i32
        %dma_start3A_36 = arith.constant 0 : i32
        %dma_start3A_37 = tpu.memref_slice %arg7[%dma_start3A_35, %dma_start3A_36] : memref<10000x128xf32, #tpu.memory_space<vmem_shared>> -> memref<10000x128xf32, #tpu.memory_space<vmem_shared>>
        tpu.enqueue_indirect_dma source(%arg10 : memref<80x128xf32, #tpu.memory_space<vmem>>) target(%dma_start3A_37 : memref<10000x128xf32, #tpu.memory_space<vmem_shared>>) offsets(%arg9 : memref<80xi32, #tpu.memory_space<vmem>>) semaphore(%run_scoped3A : memref<!tpu.dma_semaphore, #tpu.memory_space<semaphore_mem>>) {add = true}
        %dma_wait3A_38 = arith.constant 0 : i32
        %dma_wait3A_39 = arith.constant 0 : i32
        %dma_wait3A_40 = tpu.memref_slice %arg7[%dma_wait3A_38, %dma_wait3A_39] : memref<10000x128xf32, #tpu.memory_space<vmem_shared>> -> memref<10000x128xf32, #tpu.memory_space<vmem_shared>>
        tpu.wait_indirect_dma semaphore(%run_scoped3A : memref<!tpu.dma_semaphore, #tpu.memory_space<semaphore_mem>>) src(%arg10 : memref<80x128xf32, #tpu.memory_space<vmem>>) dst(%dma_wait3A_40 : memref<10000x128xf32, #tpu.memory_space<vmem_shared>>)
        tpu.yield
      }) : () -> ()
    }
    %scan3A_13 = arith.constant 125 : i32
    %barrier3A_14 = arith.constant 0 : index
    tpu.barrier barrier_id(%barrier3A_14)
    %lt3A_15 = arith.constant 15 : i32
    %lt3A_16 = arith.cmpi slt, %arg1, %lt3A_15 : i32
    %convert_element_type3A_17 = arith.extui %lt3A_16 : i1 to i32
    %cond3A_18 = arith.constant 0 : i32
    %cond3A_19 = arith.cmpi ne, %convert_element_type3A_17, %cond3A_18 : i32
    scf.if %cond3A_19 {
      "tpu.region"() ({
        %run_scoped3A = tpu.sem_alloc : memref<!tpu.dma_semaphore, #tpu.memory_space<semaphore_mem>>
        %dma_start3A = arith.constant 0 : i32
        %dma_start3A_25 = tpu.memref_slice %arg6[%arg0, %multiple_of3A, %dma_start3A] : memref<2x10000x128xf32, #tpu.memory_space<hbm>> -> memref<1x632x128xf32, #tpu.memory_space<hbm>>
        %dma_start3A_26 = tpu.memref_squeeze %dma_start3A_25 : memref<1x632x128xf32, #tpu.memory_space<hbm>> -> memref<632x128xf32, #tpu.memory_space<hbm>>
        %dma_start3A_27 = arith.constant 0 : i32
        %dma_start3A_28 = tpu.memref_slice %arg7[%multiple_of3A, %dma_start3A_27] : memref<10000x128xf32, #tpu.memory_space<vmem_shared>> -> memref<632x128xf32, #tpu.memory_space<vmem_shared>>
        tpu.enqueue_dma source(%dma_start3A_28 : memref<632x128xf32, #tpu.memory_space<vmem_shared>>) target(%dma_start3A_26 : memref<632x128xf32, #tpu.memory_space<hbm>>) target_semaphore(%run_scoped3A : memref<!tpu.dma_semaphore, #tpu.memory_space<semaphore_mem>>)
        %dma_wait3A = arith.constant 0 : i32
        %dma_wait3A_29 = tpu.memref_slice %arg6[%arg0, %multiple_of3A, %dma_wait3A] : memref<2x10000x128xf32, #tpu.memory_space<hbm>> -> memref<1x632x128xf32, #tpu.memory_space<hbm>>
        %dma_wait3A_30 = tpu.memref_squeeze %dma_wait3A_29 : memref<1x632x128xf32, #tpu.memory_space<hbm>> -> memref<632x128xf32, #tpu.memory_space<hbm>>
        %dma_wait3A_31 = arith.constant 0 : i32
        %dma_wait3A_32 = tpu.memref_slice %arg7[%multiple_of3A, %dma_wait3A_31] : memref<10000x128xf32, #tpu.memory_space<vmem_shared>> -> memref<632x128xf32, #tpu.memory_space<vmem_shared>>
        tpu.wait_dma2 semaphore(%run_scoped3A : memref<!tpu.dma_semaphore, #tpu.memory_space<semaphore_mem>>) src(%dma_wait3A_32 : memref<632x128xf32, #tpu.memory_space<vmem_shared>>) dst(%dma_wait3A_30 : memref<632x128xf32, #tpu.memory_space<hbm>>)
        tpu.yield
      }) : () -> ()
    } else {
    }
    %eq3A_20 = arith.constant 15 : i32
    %eq3A_21 = arith.cmpi eq, %arg1, %eq3A_20 : i32
    %convert_element_type3A_22 = arith.extui %eq3A_21 : i1 to i32
    %cond3A_23 = arith.constant 0 : i32
    %cond3A_24 = arith.cmpi ne, %convert_element_type3A_22, %cond3A_23 : i32
    scf.if %cond3A_24 {
      "tpu.region"() ({
        %run_scoped3A = tpu.sem_alloc : memref<!tpu.dma_semaphore, #tpu.memory_space<semaphore_mem>>
        %dma_start3A = arith.constant 0 : i32
        %dma_start3A_25 = tpu.memref_slice %arg6[%arg0, %multiple_of3A, %dma_start3A] : memref<2x10000x128xf32, #tpu.memory_space<hbm>> -> memref<1x520x128xf32, #tpu.memory_space<hbm>>
        %dma_start3A_26 = tpu.memref_squeeze %dma_start3A_25 : memref<1x520x128xf32, #tpu.memory_space<hbm>> -> memref<520x128xf32, #tpu.memory_space<hbm>>
        %dma_start3A_27 = arith.constant 0 : i32
        %dma_start3A_28 = tpu.memref_slice %arg7[%multiple_of3A, %dma_start3A_27] : memref<10000x128xf32, #tpu.memory_space<vmem_shared>> -> memref<520x128xf32, #tpu.memory_space<vmem_shared>>
        tpu.enqueue_dma source(%dma_start3A_28 : memref<520x128xf32, #tpu.memory_space<vmem_shared>>) target(%dma_start3A_26 : memref<520x128xf32, #tpu.memory_space<hbm>>) target_semaphore(%run_scoped3A : memref<!tpu.dma_semaphore, #tpu.memory_space<semaphore_mem>>)
        %dma_wait3A = arith.constant 0 : i32
        %dma_wait3A_29 = tpu.memref_slice %arg6[%arg0, %multiple_of3A, %dma_wait3A] : memref<2x10000x128xf32, #tpu.memory_space<hbm>> -> memref<1x520x128xf32, #tpu.memory_space<hbm>>
        %dma_wait3A_30 = tpu.memref_squeeze %dma_wait3A_29 : memref<1x520x128xf32, #tpu.memory_space<hbm>> -> memref<520x128xf32, #tpu.memory_space<hbm>>
        %dma_wait3A_31 = arith.constant 0 : i32
        %dma_wait3A_32 = tpu.memref_slice %arg7[%multiple_of3A, %dma_wait3A_31] : memref<10000x128xf32, #tpu.memory_space<vmem_shared>> -> memref<520x128xf32, #tpu.memory_space<vmem_shared>>
        tpu.wait_dma2 semaphore(%run_scoped3A : memref<!tpu.dma_semaphore, #tpu.memory_space<semaphore_mem>>) src(%dma_wait3A_32 : memref<520x128xf32, #tpu.memory_space<vmem_shared>>) dst(%dma_wait3A_30 : memref<520x128xf32, #tpu.memory_space<hbm>>)
        tpu.yield
      }) : () -> ()
    } else {
    }
    return
  }
}

#map = affine_map<(d0, d1) -> (0, 0)>
#map1 = affine_map<(d0, d1) -> (0)>
#map2 = affine_map<(d0, d1) -> (0, 0, 0)>
module attributes {stable_mosaic.version = 14 : i64} {
  func.func @body_fn(%arg0: i32, %arg1: i32, %arg2: memref<10000x128xf32, #tpu.memory_space<hbm>>, %arg3: memref<10000x128xf32, #tpu.memory_space<hbm>>, %arg4: memref<320000xi32, #tpu.memory_space<hbm>>, %arg5: memref<320000xi32, #tpu.memory_space<hbm>>, %arg6: memref<2x10000x128xf32, #tpu.memory_space<hbm>>, %arg7: memref<10000x128xf32, #tpu.memory_space<vmem_shared>>, %arg8: memref<80xi32, #tpu.memory_space<vmem>>, %arg9: memref<80xi32, #tpu.memory_space<vmem>>, %arg10: memref<80x128xf32, #tpu.memory_space<vmem>>, %arg11: memref<!tpu.dma_semaphore, #tpu.memory_space<semaphore_mem>>) attributes {dimension_semantics = [#tpu.dimension_semantics<core_parallel>, #tpu.dimension_semantics<subcore_parallel>], iteration_bounds = array<i64: 2, 16>, scalar_prefetch = 0 : i64, scratch_operands = 5 : i64, tpu.core_type = #tpu.core_type<sc_vector_subcore>, window_params = [{transform_indices = #map}, {transform_indices = #map}, {transform_indices = #map1}, {transform_indices = #map1}, {transform_indices = #map2}]} {
    %mul3A = arith.constant 16 : i32
    %mul3A_0 = arith.muli %arg0, %mul3A : i32
    %add3A = arith.addi %mul3A_0, %arg1 : i32
    %mul3A_1 = arith.constant 632 : i32
    %mul3A_2 = arith.muli %arg1, %mul3A_1 : i32
    %multiple_of3A = tpu.assume_multiple %mul3A_2, 8 : i32
    %lt3A = arith.constant 15 : i32
    %lt3A_3 = arith.cmpi slt, %arg1, %lt3A : i32
    %convert_element_type3A = arith.extui %lt3A_3 : i1 to i32
    %cond3A = arith.constant 0 : i32
    %cond3A_4 = arith.cmpi ne, %convert_element_type3A, %cond3A : i32
    scf.if %cond3A_4 {
      "tpu.region"() ({
        %run_scoped3A = tpu.sem_alloc : memref<!tpu.dma_semaphore, #tpu.memory_space<semaphore_mem>>
        %dma_start3A = arith.constant 0 : i32
        %dma_start3A_25 = tpu.memref_slice %arg7[%multiple_of3A, %dma_start3A] : memref<10000x128xf32, #tpu.memory_space<vmem_shared>> -> memref<632x128xf32, #tpu.memory_space<vmem_shared>>
        %dma_start3A_26 = arith.constant 0 : i32
        %dma_start3A_27 = tpu.memref_slice %arg3[%multiple_of3A, %dma_start3A_26] : memref<10000x128xf32, #tpu.memory_space<hbm>> -> memref<632x128xf32, #tpu.memory_space<hbm>>
        tpu.enqueue_dma source(%dma_start3A_27 : memref<632x128xf32, #tpu.memory_space<hbm>>) target(%dma_start3A_25 : memref<632x128xf32, #tpu.memory_space<vmem_shared>>) target_semaphore(%run_scoped3A : memref<!tpu.dma_semaphore, #tpu.memory_space<semaphore_mem>>)
        %dma_wait3A = arith.constant 0 : i32
        %dma_wait3A_28 = tpu.memref_slice %arg7[%multiple_of3A, %dma_wait3A] : memref<10000x128xf32, #tpu.memory_space<vmem_shared>> -> memref<632x128xf32, #tpu.memory_space<vmem_shared>>
        %dma_wait3A_29 = arith.constant 0 : i32
        %dma_wait3A_30 = tpu.memref_slice %arg3[%multiple_of3A, %dma_wait3A_29] : memref<10000x128xf32, #tpu.memory_space<hbm>> -> memref<632x128xf32, #tpu.memory_space<hbm>>
        tpu.wait_dma2 semaphore(%run_scoped3A : memref<!tpu.dma_semaphore, #tpu.memory_space<semaphore_mem>>) src(%dma_wait3A_30 : memref<632x128xf32, #tpu.memory_space<hbm>>) dst(%dma_wait3A_28 : memref<632x128xf32, #tpu.memory_space<vmem_shared>>)
        tpu.yield
      }) : () -> ()
    } else {
    }
    %eq3A = arith.constant 15 : i32
    %eq3A_5 = arith.cmpi eq, %arg1, %eq3A : i32
    %convert_element_type3A_6 = arith.extui %eq3A_5 : i1 to i32
    %cond3A_7 = arith.constant 0 : i32
    %cond3A_8 = arith.cmpi ne, %convert_element_type3A_6, %cond3A_7 : i32
    scf.if %cond3A_8 {
      "tpu.region"() ({
        %run_scoped3A = tpu.sem_alloc : memref<!tpu.dma_semaphore, #tpu.memory_space<semaphore_mem>>
        %dma_start3A = arith.constant 0 : i32
        %dma_start3A_25 = tpu.memref_slice %arg7[%multiple_of3A, %dma_start3A] : memref<10000x128xf32, #tpu.memory_space<vmem_shared>> -> memref<520x128xf32, #tpu.memory_space<vmem_shared>>
        %dma_start3A_26 = arith.constant 0 : i32
        %dma_start3A_27 = tpu.memref_slice %arg3[%multiple_of3A, %dma_start3A_26] : memref<10000x128xf32, #tpu.memory_space<hbm>> -> memref<520x128xf32, #tpu.memory_space<hbm>>
        tpu.enqueue_dma source(%dma_start3A_27 : memref<520x128xf32, #tpu.memory_space<hbm>>) target(%dma_start3A_25 : memref<520x128xf32, #tpu.memory_space<vmem_shared>>) target_semaphore(%run_scoped3A : memref<!tpu.dma_semaphore, #tpu.memory_space<semaphore_mem>>)
        %dma_wait3A = arith.constant 0 : i32
        %dma_wait3A_28 = tpu.memref_slice %arg7[%multiple_of3A, %dma_wait3A] : memref<10000x128xf32, #tpu.memory_space<vmem_shared>> -> memref<520x128xf32, #tpu.memory_space<vmem_shared>>
        %dma_wait3A_29 = arith.constant 0 : i32
        %dma_wait3A_30 = tpu.memref_slice %arg3[%multiple_of3A, %dma_wait3A_29] : memref<10000x128xf32, #tpu.memory_space<hbm>> -> memref<520x128xf32, #tpu.memory_space<hbm>>
        tpu.wait_dma2 semaphore(%run_scoped3A : memref<!tpu.dma_semaphore, #tpu.memory_space<semaphore_mem>>) src(%dma_wait3A_30 : memref<520x128xf32, #tpu.memory_space<hbm>>) dst(%dma_wait3A_28 : memref<520x128xf32, #tpu.memory_space<vmem_shared>>)
        tpu.yield
      }) : () -> ()
    } else {
    }
    %barrier3A = arith.constant 0 : index
    tpu.barrier barrier_id(%barrier3A)
    %scan3A = arith.constant 0 : i32
    %scan3A_9 = arith.constant 0 : i32
    %scan3A_10 = arith.constant 125 : i32
    %scan3A_11 = arith.addi %scan3A_9, %scan3A_10 : i32
    %scan3A_12 = arith.constant 1 : i32
    scf.for %scan3A_25 = %scan3A_9 to %scan3A_11 step %scan3A_12  : i32 {
      %mul3A_26 = arith.constant 10000 : i32
      %mul3A_27 = arith.muli %add3A, %mul3A_26 : i32
      %mul3A_28 = arith.constant 80 : i32
      %mul3A_29 = arith.muli %scan3A_25, %mul3A_28 : i32
      %add3A_30 = arith.addi %mul3A_27, %mul3A_29 : i32
      "tpu.region"() ({
        %run_scoped3A = tpu.sem_alloc : memref<!tpu.dma_semaphore, #tpu.memory_space<semaphore_mem>>
        %dma_start3A_35 = tpu.memref_slice %arg4[%add3A_30] : memref<320000xi32, #tpu.memory_space<hbm>> -> memref<80xi32, #tpu.memory_space<hbm>>
        %dma_start3A_36 = tpu.memref_slice %arg4[%add3A_30] : memref<320000xi32, #tpu.memory_space<hbm>> -> memref<80xi32, #tpu.memory_space<hbm>>
        tpu.enqueue_dma source(%dma_start3A_36 : memref<80xi32, #tpu.memory_space<hbm>>) target(%arg8 : memref<80xi32, #tpu.memory_space<vmem>>) target_semaphore(%run_scoped3A : memref<!tpu.dma_semaphore, #tpu.memory_space<semaphore_mem>>)
        %dma_wait3A_37 = tpu.memref_slice %arg4[%add3A_30] : memref<320000xi32, #tpu.memory_space<hbm>> -> memref<80xi32, #tpu.memory_space<hbm>>
        %dma_wait3A_38 = tpu.memref_slice %arg4[%add3A_30] : memref<320000xi32, #tpu.memory_space<hbm>> -> memref<80xi32, #tpu.memory_space<hbm>>
        tpu.wait_dma2 semaphore(%run_scoped3A : memref<!tpu.dma_semaphore, #tpu.memory_space<semaphore_mem>>) src(%dma_wait3A_38 : memref<80xi32, #tpu.memory_space<hbm>>) dst(%arg8 : memref<80xi32, #tpu.memory_space<vmem>>)
        tpu.yield
      }) : () -> ()
      "tpu.region"() ({
        %run_scoped3A = tpu.sem_alloc : memref<!tpu.dma_semaphore, #tpu.memory_space<semaphore_mem>>
        %dma_start3A_35 = tpu.memref_slice %arg5[%add3A_30] : memref<320000xi32, #tpu.memory_space<hbm>> -> memref<80xi32, #tpu.memory_space<hbm>>
        %dma_start3A_36 = tpu.memref_slice %arg5[%add3A_30] : memref<320000xi32, #tpu.memory_space<hbm>> -> memref<80xi32, #tpu.memory_space<hbm>>
        tpu.enqueue_dma source(%dma_start3A_36 : memref<80xi32, #tpu.memory_space<hbm>>) target(%arg9 : memref<80xi32, #tpu.memory_space<vmem>>) target_semaphore(%run_scoped3A : memref<!tpu.dma_semaphore, #tpu.memory_space<semaphore_mem>>)
        %dma_wait3A_37 = tpu.memref_slice %arg5[%add3A_30] : memref<320000xi32, #tpu.memory_space<hbm>> -> memref<80xi32, #tpu.memory_space<hbm>>
        %dma_wait3A_38 = tpu.memref_slice %arg5[%add3A_30] : memref<320000xi32, #tpu.memory_space<hbm>> -> memref<80xi32, #tpu.memory_space<hbm>>
        tpu.wait_dma2 semaphore(%run_scoped3A : memref<!tpu.dma_semaphore, #tpu.memory_space<semaphore_mem>>) src(%dma_wait3A_38 : memref<80xi32, #tpu.memory_space<hbm>>) dst(%arg9 : memref<80xi32, #tpu.memory_space<vmem>>)
        tpu.yield
      }) : () -> ()
      %dma_start3A = arith.constant 0 : i32
      %dma_start3A_31 = arith.constant 0 : i32
      %dma_start3A_32 = tpu.memref_slice %arg2[%dma_start3A, %dma_start3A_31] : memref<10000x128xf32, #tpu.memory_space<hbm>> -> memref<10000x128xf32, #tpu.memory_space<hbm>>
      tpu.enqueue_indirect_dma source(%dma_start3A_32 : memref<10000x128xf32, #tpu.memory_space<hbm>>) target(%arg10 : memref<80x128xf32, #tpu.memory_space<vmem>>) offsets(%arg8 : memref<80xi32, #tpu.memory_space<vmem>>) semaphore(%arg11 : memref<!tpu.dma_semaphore, #tpu.memory_space<semaphore_mem>>)
      %dma_wait3A = arith.constant 0 : i32
      %dma_wait3A_33 = arith.constant 0 : i32
      %dma_wait3A_34 = tpu.memref_slice %arg2[%dma_wait3A, %dma_wait3A_33] : memref<10000x128xf32, #tpu.memory_space<hbm>> -> memref<10000x128xf32, #tpu.memory_space<hbm>>
      tpu.wait_indirect_dma semaphore(%arg11 : memref<!tpu.dma_semaphore, #tpu.memory_space<semaphore_mem>>) src(%dma_wait3A_34 : memref<10000x128xf32, #tpu.memory_space<hbm>>) dst(%arg10 : memref<80x128xf32, #tpu.memory_space<vmem>>)
      "tpu.region"() ({
        %run_scoped3A = tpu.sem_alloc : memref<!tpu.dma_semaphore, #tpu.memory_space<semaphore_mem>>
        %dma_start3A_35 = arith.constant 0 : i32
        %dma_start3A_36 = arith.constant 0 : i32
        %dma_start3A_37 = tpu.memref_slice %arg7[%dma_start3A_35, %dma_start3A_36] : memref<10000x128xf32, #tpu.memory_space<vmem_shared>> -> memref<10000x128xf32, #tpu.memory_space<vmem_shared>>
        tpu.enqueue_indirect_dma source(%arg10 : memref<80x128xf32, #tpu.memory_space<vmem>>) target(%dma_start3A_37 : memref<10000x128xf32, #tpu.memory_space<vmem_shared>>) offsets(%arg9 : memref<80xi32, #tpu.memory_space<vmem>>) semaphore(%run_scoped3A : memref<!tpu.dma_semaphore, #tpu.memory_space<semaphore_mem>>) {add = true}
        %dma_wait3A_38 = arith.constant 0 : i32
        %dma_wait3A_39 = arith.constant 0 : i32
        %dma_wait3A_40 = tpu.memref_slice %arg7[%dma_wait3A_38, %dma_wait3A_39] : memref<10000x128xf32, #tpu.memory_space<vmem_shared>> -> memref<10000x128xf32, #tpu.memory_space<vmem_shared>>
        tpu.wait_indirect_dma semaphore(%run_scoped3A : memref<!tpu.dma_semaphore, #tpu.memory_space<semaphore_mem>>) src(%arg10 : memref<80x128xf32, #tpu.memory_space<vmem>>) dst(%dma_wait3A_40 : memref<10000x128xf32, #tpu.memory_space<vmem_shared>>)
        tpu.yield
      }) : () -> ()
    }
    %scan3A_13 = arith.constant 125 : i32
    %barrier3A_14 = arith.constant 0 : index
    tpu.barrier barrier_id(%barrier3A_14)
    %lt3A_15 = arith.constant 15 : i32
    %lt3A_16 = arith.cmpi slt, %arg1, %lt3A_15 : i32
    %convert_element_type3A_17 = arith.extui %lt3A_16 : i1 to i32
    %cond3A_18 = arith.constant 0 : i32
    %cond3A_19 = arith.cmpi ne, %convert_element_type3A_17, %cond3A_18 : i32
    scf.if %cond3A_19 {
      "tpu.region"() ({
        %run_scoped3A = tpu.sem_alloc : memref<!tpu.dma_semaphore, #tpu.memory_space<semaphore_mem>>
        %dma_start3A = arith.constant 0 : i32
        %dma_start3A_25 = tpu.memref_slice %arg6[%arg0, %multiple_of3A, %dma_start3A] : memref<2x10000x128xf32, #tpu.memory_space<hbm>> -> memref<1x632x128xf32, #tpu.memory_space<hbm>>
        %dma_start3A_26 = tpu.memref_squeeze %dma_start3A_25 : memref<1x632x128xf32, #tpu.memory_space<hbm>> -> memref<632x128xf32, #tpu.memory_space<hbm>>
        %dma_start3A_27 = arith.constant 0 : i32
        %dma_start3A_28 = tpu.memref_slice %arg7[%multiple_of3A, %dma_start3A_27] : memref<10000x128xf32, #tpu.memory_space<vmem_shared>> -> memref<632x128xf32, #tpu.memory_space<vmem_shared>>
        tpu.enqueue_dma source(%dma_start3A_28 : memref<632x128xf32, #tpu.memory_space<vmem_shared>>) target(%dma_start3A_26 : memref<632x128xf32, #tpu.memory_space<hbm>>) target_semaphore(%run_scoped3A : memref<!tpu.dma_semaphore, #tpu.memory_space<semaphore_mem>>)
        %dma_wait3A = arith.constant 0 : i32
        %dma_wait3A_29 = tpu.memref_slice %arg6[%arg0, %multiple_of3A, %dma_wait3A] : memref<2x10000x128xf32, #tpu.memory_space<hbm>> -> memref<1x632x128xf32, #tpu.memory_space<hbm>>
        %dma_wait3A_30 = tpu.memref_squeeze %dma_wait3A_29 : memref<1x632x128xf32, #tpu.memory_space<hbm>> -> memref<632x128xf32, #tpu.memory_space<hbm>>
        %dma_wait3A_31 = arith.constant 0 : i32
        %dma_wait3A_32 = tpu.memref_slice %arg7[%multiple_of3A, %dma_wait3A_31] : memref<10000x128xf32, #tpu.memory_space<vmem_shared>> -> memref<632x128xf32, #tpu.memory_space<vmem_shared>>
        tpu.wait_dma2 semaphore(%run_scoped3A : memref<!tpu.dma_semaphore, #tpu.memory_space<semaphore_mem>>) src(%dma_wait3A_32 : memref<632x128xf32, #tpu.memory_space<vmem_shared>>) dst(%dma_wait3A_30 : memref<632x128xf32, #tpu.memory_space<hbm>>)
        tpu.yield
      }) : () -> ()
    } else {
    }
    %eq3A_20 = arith.constant 15 : i32
    %eq3A_21 = arith.cmpi eq, %arg1, %eq3A_20 : i32
    %convert_element_type3A_22 = arith.extui %eq3A_21 : i1 to i32
    %cond3A_23 = arith.constant 0 : i32
    %cond3A_24 = arith.cmpi ne, %convert_element_type3A_22, %cond3A_23 : i32
    scf.if %cond3A_24 {
      "tpu.region"() ({
        %run_scoped3A = tpu.sem_alloc : memref<!tpu.dma_semaphore, #tpu.memory_space<semaphore_mem>>
        %dma_start3A = arith.constant 0 : i32
        %dma_start3A_25 = tpu.memref_slice %arg6[%arg0, %multiple_of3A, %dma_start3A] : memref<2x10000x128xf32, #tpu.memory_space<hbm>> -> memref<1x520x128xf32, #tpu.memory_space<hbm>>
        %dma_start3A_26 = tpu.memref_squeeze %dma_start3A_25 : memref<1x520x128xf32, #tpu.memory_space<hbm>> -> memref<520x128xf32, #tpu.memory_space<hbm>>
        %dma_start3A_27 = arith.constant 0 : i32
        %dma_start3A_28 = tpu.memref_slice %arg7[%multiple_of3A, %dma_start3A_27] : memref<10000x128xf32, #tpu.memory_space<vmem_shared>> -> memref<520x128xf32, #tpu.memory_space<vmem_shared>>
        tpu.enqueue_dma source(%dma_start3A_28 : memref<520x128xf32, #tpu.memory_space<vmem_shared>>) target(%dma_start3A_26 : memref<520x128xf32, #tpu.memory_space<hbm>>) target_semaphore(%run_scoped3A : memref<!tpu.dma_semaphore, #tpu.memory_space<semaphore_mem>>)
        %dma_wait3A = arith.constant 0 : i32
        %dma_wait3A_29 = tpu.memref_slice %arg6[%arg0, %multiple_of3A, %dma_wait3A] : memref<2x10000x128xf32, #tpu.memory_space<hbm>> -> memref<1x520x128xf32, #tpu.memory_space<hbm>>
        %dma_wait3A_30 = tpu.memref_squeeze %dma_wait3A_29 : memref<1x520x128xf32, #tpu.memory_space<hbm>> -> memref<520x128xf32, #tpu.memory_space<hbm>>
        %dma_wait3A_31 = arith.constant 0 : i32
        %dma_wait3A_32 = tpu.memref_slice %arg7[%multiple_of3A, %dma_wait3A_31] : memref<10000x128xf32, #tpu.memory_space<vmem_shared>> -> memref<520x128xf32, #tpu.memory_space<vmem_shared>>
        tpu.wait_dma2 semaphore(%run_scoped3A : memref<!tpu.dma_semaphore, #tpu.memory_space<semaphore_mem>>) src(%dma_wait3A_32 : memref<520x128xf32, #tpu.memory_space<vmem_shared>>) dst(%dma_wait3A_30 : memref<520x128xf32, #tpu.memory_space<hbm>>)
        tpu.yield
      }) : () -> ()
    } else {
    }
    return
  }
}

#map = affine_map<(d0, d1) -> (0, 0)>
#map1 = affine_map<(d0, d1) -> (0)>
#map2 = affine_map<(d0, d1) -> (0, 0, 0)>
module attributes {stable_mosaic.version = 14 : i64} {
  func.func @body_fn(%arg0: i32, %arg1: i32, %arg2: memref<10000x128xf32, #tpu.memory_space<hbm>>, %arg3: memref<10000x128xf32, #tpu.memory_space<hbm>>, %arg4: memref<320000xi32, #tpu.memory_space<hbm>>, %arg5: memref<320000xi32, #tpu.memory_space<hbm>>, %arg6: memref<2x10000x128xf32, #tpu.memory_space<hbm>>, %arg7: memref<10000x128xf32, #tpu.memory_space<vmem_shared>>, %arg8: memref<80xi32, #tpu.memory_space<vmem>>, %arg9: memref<80xi32, #tpu.memory_space<vmem>>, %arg10: memref<80x128xf32, #tpu.memory_space<vmem>>, %arg11: memref<!tpu.dma_semaphore, #tpu.memory_space<semaphore_mem>>) attributes {dimension_semantics = [#tpu.dimension_semantics<core_parallel>, #tpu.dimension_semantics<subcore_parallel>], iteration_bounds = array<i64: 2, 16>, scalar_prefetch = 0 : i64, scratch_operands = 5 : i64, tpu.core_type = #tpu.core_type<sc_vector_subcore>, window_params = [{transform_indices = #map}, {transform_indices = #map}, {transform_indices = #map1}, {transform_indices = #map1}, {transform_indices = #map2}]} {
    %mul3A = arith.constant 16 : i32
    %mul3A_0 = arith.muli %arg0, %mul3A : i32
    %add3A = arith.addi %mul3A_0, %arg1 : i32
    %mul3A_1 = arith.constant 632 : i32
    %mul3A_2 = arith.muli %arg1, %mul3A_1 : i32
    %multiple_of3A = tpu.assume_multiple %mul3A_2, 8 : i32
    %lt3A = arith.constant 15 : i32
    %lt3A_3 = arith.cmpi slt, %arg1, %lt3A : i32
    %convert_element_type3A = arith.extui %lt3A_3 : i1 to i32
    %cond3A = arith.constant 0 : i32
    %cond3A_4 = arith.cmpi ne, %convert_element_type3A, %cond3A : i32
    scf.if %cond3A_4 {
      "tpu.region"() ({
        %run_scoped3A = tpu.sem_alloc : memref<!tpu.dma_semaphore, #tpu.memory_space<semaphore_mem>>
        %dma_start3A = arith.constant 0 : i32
        %dma_start3A_25 = tpu.memref_slice %arg7[%multiple_of3A, %dma_start3A] : memref<10000x128xf32, #tpu.memory_space<vmem_shared>> -> memref<632x128xf32, #tpu.memory_space<vmem_shared>>
        %dma_start3A_26 = arith.constant 0 : i32
        %dma_start3A_27 = tpu.memref_slice %arg3[%multiple_of3A, %dma_start3A_26] : memref<10000x128xf32, #tpu.memory_space<hbm>> -> memref<632x128xf32, #tpu.memory_space<hbm>>
        tpu.enqueue_dma source(%dma_start3A_27 : memref<632x128xf32, #tpu.memory_space<hbm>>) target(%dma_start3A_25 : memref<632x128xf32, #tpu.memory_space<vmem_shared>>) target_semaphore(%run_scoped3A : memref<!tpu.dma_semaphore, #tpu.memory_space<semaphore_mem>>)
        %dma_wait3A = arith.constant 0 : i32
        %dma_wait3A_28 = tpu.memref_slice %arg7[%multiple_of3A, %dma_wait3A] : memref<10000x128xf32, #tpu.memory_space<vmem_shared>> -> memref<632x128xf32, #tpu.memory_space<vmem_shared>>
        %dma_wait3A_29 = arith.constant 0 : i32
        %dma_wait3A_30 = tpu.memref_slice %arg3[%multiple_of3A, %dma_wait3A_29] : memref<10000x128xf32, #tpu.memory_space<hbm>> -> memref<632x128xf32, #tpu.memory_space<hbm>>
        tpu.wait_dma2 semaphore(%run_scoped3A : memref<!tpu.dma_semaphore, #tpu.memory_space<semaphore_mem>>) src(%dma_wait3A_30 : memref<632x128xf32, #tpu.memory_space<hbm>>) dst(%dma_wait3A_28 : memref<632x128xf32, #tpu.memory_space<vmem_shared>>)
        tpu.yield
      }) : () -> ()
    } else {
    }
    %eq3A = arith.constant 15 : i32
    %eq3A_5 = arith.cmpi eq, %arg1, %eq3A : i32
    %convert_element_type3A_6 = arith.extui %eq3A_5 : i1 to i32
    %cond3A_7 = arith.constant 0 : i32
    %cond3A_8 = arith.cmpi ne, %convert_element_type3A_6, %cond3A_7 : i32
    scf.if %cond3A_8 {
      "tpu.region"() ({
        %run_scoped3A = tpu.sem_alloc : memref<!tpu.dma_semaphore, #tpu.memory_space<semaphore_mem>>
        %dma_start3A = arith.constant 0 : i32
        %dma_start3A_25 = tpu.memref_slice %arg7[%multiple_of3A, %dma_start3A] : memref<10000x128xf32, #tpu.memory_space<vmem_shared>> -> memref<520x128xf32, #tpu.memory_space<vmem_shared>>
        %dma_start3A_26 = arith.constant 0 : i32
        %dma_start3A_27 = tpu.memref_slice %arg3[%multiple_of3A, %dma_start3A_26] : memref<10000x128xf32, #tpu.memory_space<hbm>> -> memref<520x128xf32, #tpu.memory_space<hbm>>
        tpu.enqueue_dma source(%dma_start3A_27 : memref<520x128xf32, #tpu.memory_space<hbm>>) target(%dma_start3A_25 : memref<520x128xf32, #tpu.memory_space<vmem_shared>>) target_semaphore(%run_scoped3A : memref<!tpu.dma_semaphore, #tpu.memory_space<semaphore_mem>>)
        %dma_wait3A = arith.constant 0 : i32
        %dma_wait3A_28 = tpu.memref_slice %arg7[%multiple_of3A, %dma_wait3A] : memref<10000x128xf32, #tpu.memory_space<vmem_shared>> -> memref<520x128xf32, #tpu.memory_space<vmem_shared>>
        %dma_wait3A_29 = arith.constant 0 : i32
        %dma_wait3A_30 = tpu.memref_slice %arg3[%multiple_of3A, %dma_wait3A_29] : memref<10000x128xf32, #tpu.memory_space<hbm>> -> memref<520x128xf32, #tpu.memory_space<hbm>>
        tpu.wait_dma2 semaphore(%run_scoped3A : memref<!tpu.dma_semaphore, #tpu.memory_space<semaphore_mem>>) src(%dma_wait3A_30 : memref<520x128xf32, #tpu.memory_space<hbm>>) dst(%dma_wait3A_28 : memref<520x128xf32, #tpu.memory_space<vmem_shared>>)
        tpu.yield
      }) : () -> ()
    } else {
    }
    %barrier3A = arith.constant 0 : index
    tpu.barrier barrier_id(%barrier3A)
    %scan3A = arith.constant 0 : i32
    %scan3A_9 = arith.constant 0 : i32
    %scan3A_10 = arith.constant 125 : i32
    %scan3A_11 = arith.addi %scan3A_9, %scan3A_10 : i32
    %scan3A_12 = arith.constant 1 : i32
    scf.for %scan3A_25 = %scan3A_9 to %scan3A_11 step %scan3A_12  : i32 {
      %mul3A_26 = arith.constant 10000 : i32
      %mul3A_27 = arith.muli %add3A, %mul3A_26 : i32
      %mul3A_28 = arith.constant 80 : i32
      %mul3A_29 = arith.muli %scan3A_25, %mul3A_28 : i32
      %add3A_30 = arith.addi %mul3A_27, %mul3A_29 : i32
      "tpu.region"() ({
        %run_scoped3A = tpu.sem_alloc : memref<!tpu.dma_semaphore, #tpu.memory_space<semaphore_mem>>
        %dma_start3A_35 = tpu.memref_slice %arg4[%add3A_30] : memref<320000xi32, #tpu.memory_space<hbm>> -> memref<80xi32, #tpu.memory_space<hbm>>
        %dma_start3A_36 = tpu.memref_slice %arg4[%add3A_30] : memref<320000xi32, #tpu.memory_space<hbm>> -> memref<80xi32, #tpu.memory_space<hbm>>
        tpu.enqueue_dma source(%dma_start3A_36 : memref<80xi32, #tpu.memory_space<hbm>>) target(%arg8 : memref<80xi32, #tpu.memory_space<vmem>>) target_semaphore(%run_scoped3A : memref<!tpu.dma_semaphore, #tpu.memory_space<semaphore_mem>>)
        %dma_wait3A_37 = tpu.memref_slice %arg4[%add3A_30] : memref<320000xi32, #tpu.memory_space<hbm>> -> memref<80xi32, #tpu.memory_space<hbm>>
        %dma_wait3A_38 = tpu.memref_slice %arg4[%add3A_30] : memref<320000xi32, #tpu.memory_space<hbm>> -> memref<80xi32, #tpu.memory_space<hbm>>
        tpu.wait_dma2 semaphore(%run_scoped3A : memref<!tpu.dma_semaphore, #tpu.memory_space<semaphore_mem>>) src(%dma_wait3A_38 : memref<80xi32, #tpu.memory_space<hbm>>) dst(%arg8 : memref<80xi32, #tpu.memory_space<vmem>>)
        tpu.yield
      }) : () -> ()
      "tpu.region"() ({
        %run_scoped3A = tpu.sem_alloc : memref<!tpu.dma_semaphore, #tpu.memory_space<semaphore_mem>>
        %dma_start3A_35 = tpu.memref_slice %arg5[%add3A_30] : memref<320000xi32, #tpu.memory_space<hbm>> -> memref<80xi32, #tpu.memory_space<hbm>>
        %dma_start3A_36 = tpu.memref_slice %arg5[%add3A_30] : memref<320000xi32, #tpu.memory_space<hbm>> -> memref<80xi32, #tpu.memory_space<hbm>>
        tpu.enqueue_dma source(%dma_start3A_36 : memref<80xi32, #tpu.memory_space<hbm>>) target(%arg9 : memref<80xi32, #tpu.memory_space<vmem>>) target_semaphore(%run_scoped3A : memref<!tpu.dma_semaphore, #tpu.memory_space<semaphore_mem>>)
        %dma_wait3A_37 = tpu.memref_slice %arg5[%add3A_30] : memref<320000xi32, #tpu.memory_space<hbm>> -> memref<80xi32, #tpu.memory_space<hbm>>
        %dma_wait3A_38 = tpu.memref_slice %arg5[%add3A_30] : memref<320000xi32, #tpu.memory_space<hbm>> -> memref<80xi32, #tpu.memory_space<hbm>>
        tpu.wait_dma2 semaphore(%run_scoped3A : memref<!tpu.dma_semaphore, #tpu.memory_space<semaphore_mem>>) src(%dma_wait3A_38 : memref<80xi32, #tpu.memory_space<hbm>>) dst(%arg9 : memref<80xi32, #tpu.memory_space<vmem>>)
        tpu.yield
      }) : () -> ()
      %dma_start3A = arith.constant 0 : i32
      %dma_start3A_31 = arith.constant 0 : i32
      %dma_start3A_32 = tpu.memref_slice %arg2[%dma_start3A, %dma_start3A_31] : memref<10000x128xf32, #tpu.memory_space<hbm>> -> memref<10000x128xf32, #tpu.memory_space<hbm>>
      tpu.enqueue_indirect_dma source(%dma_start3A_32 : memref<10000x128xf32, #tpu.memory_space<hbm>>) target(%arg10 : memref<80x128xf32, #tpu.memory_space<vmem>>) offsets(%arg8 : memref<80xi32, #tpu.memory_space<vmem>>) semaphore(%arg11 : memref<!tpu.dma_semaphore, #tpu.memory_space<semaphore_mem>>)
      %dma_wait3A = arith.constant 0 : i32
      %dma_wait3A_33 = arith.constant 0 : i32
      %dma_wait3A_34 = tpu.memref_slice %arg2[%dma_wait3A, %dma_wait3A_33] : memref<10000x128xf32, #tpu.memory_space<hbm>> -> memref<10000x128xf32, #tpu.memory_space<hbm>>
      tpu.wait_indirect_dma semaphore(%arg11 : memref<!tpu.dma_semaphore, #tpu.memory_space<semaphore_mem>>) src(%dma_wait3A_34 : memref<10000x128xf32, #tpu.memory_space<hbm>>) dst(%arg10 : memref<80x128xf32, #tpu.memory_space<vmem>>)
      "tpu.region"() ({
        %run_scoped3A = tpu.sem_alloc : memref<!tpu.dma_semaphore, #tpu.memory_space<semaphore_mem>>
        %dma_start3A_35 = arith.constant 0 : i32
        %dma_start3A_36 = arith.constant 0 : i32
        %dma_start3A_37 = tpu.memref_slice %arg7[%dma_start3A_35, %dma_start3A_36] : memref<10000x128xf32, #tpu.memory_space<vmem_shared>> -> memref<10000x128xf32, #tpu.memory_space<vmem_shared>>
        tpu.enqueue_indirect_dma source(%arg10 : memref<80x128xf32, #tpu.memory_space<vmem>>) target(%dma_start3A_37 : memref<10000x128xf32, #tpu.memory_space<vmem_shared>>) offsets(%arg9 : memref<80xi32, #tpu.memory_space<vmem>>) semaphore(%run_scoped3A : memref<!tpu.dma_semaphore, #tpu.memory_space<semaphore_mem>>) {add = true}
        %dma_wait3A_38 = arith.constant 0 : i32
        %dma_wait3A_39 = arith.constant 0 : i32
        %dma_wait3A_40 = tpu.memref_slice %arg7[%dma_wait3A_38, %dma_wait3A_39] : memref<10000x128xf32, #tpu.memory_space<vmem_shared>> -> memref<10000x128xf32, #tpu.memory_space<vmem_shared>>
        tpu.wait_indirect_dma semaphore(%run_scoped3A : memref<!tpu.dma_semaphore, #tpu.memory_space<semaphore_mem>>) src(%arg10 : memref<80x128xf32, #tpu.memory_space<vmem>>) dst(%dma_wait3A_40 : memref<10000x128xf32, #tpu.memory_space<vmem_shared>>)
        tpu.yield
      }) : () -> ()
    }
    %scan3A_13 = arith.constant 125 : i32
    %barrier3A_14 = arith.constant 0 : index
    tpu.barrier barrier_id(%barrier3A_14)
    %lt3A_15 = arith.constant 15 : i32
    %lt3A_16 = arith.cmpi slt, %arg1, %lt3A_15 : i32
    %convert_element_type3A_17 = arith.extui %lt3A_16 : i1 to i32
    %cond3A_18 = arith.constant 0 : i32
    %cond3A_19 = arith.cmpi ne, %convert_element_type3A_17, %cond3A_18 : i32
    scf.if %cond3A_19 {
      "tpu.region"() ({
        %run_scoped3A = tpu.sem_alloc : memref<!tpu.dma_semaphore, #tpu.memory_space<semaphore_mem>>
        %dma_start3A = arith.constant 0 : i32
        %dma_start3A_25 = tpu.memref_slice %arg6[%arg0, %multiple_of3A, %dma_start3A] : memref<2x10000x128xf32, #tpu.memory_space<hbm>> -> memref<1x632x128xf32, #tpu.memory_space<hbm>>
        %dma_start3A_26 = tpu.memref_squeeze %dma_start3A_25 : memref<1x632x128xf32, #tpu.memory_space<hbm>> -> memref<632x128xf32, #tpu.memory_space<hbm>>
        %dma_start3A_27 = arith.constant 0 : i32
        %dma_start3A_28 = tpu.memref_slice %arg7[%multiple_of3A, %dma_start3A_27] : memref<10000x128xf32, #tpu.memory_space<vmem_shared>> -> memref<632x128xf32, #tpu.memory_space<vmem_shared>>
        tpu.enqueue_dma source(%dma_start3A_28 : memref<632x128xf32, #tpu.memory_space<vmem_shared>>) target(%dma_start3A_26 : memref<632x128xf32, #tpu.memory_space<hbm>>) target_semaphore(%run_scoped3A : memref<!tpu.dma_semaphore, #tpu.memory_space<semaphore_mem>>)
        %dma_wait3A = arith.constant 0 : i32
        %dma_wait3A_29 = tpu.memref_slice %arg6[%arg0, %multiple_of3A, %dma_wait3A] : memref<2x10000x128xf32, #tpu.memory_space<hbm>> -> memref<1x632x128xf32, #tpu.memory_space<hbm>>
        %dma_wait3A_30 = tpu.memref_squeeze %dma_wait3A_29 : memref<1x632x128xf32, #tpu.memory_space<hbm>> -> memref<632x128xf32, #tpu.memory_space<hbm>>
        %dma_wait3A_31 = arith.constant 0 : i32
        %dma_wait3A_32 = tpu.memref_slice %arg7[%multiple_of3A, %dma_wait3A_31] : memref<10000x128xf32, #tpu.memory_space<vmem_shared>> -> memref<632x128xf32, #tpu.memory_space<vmem_shared>>
        tpu.wait_dma2 semaphore(%run_scoped3A : memref<!tpu.dma_semaphore, #tpu.memory_space<semaphore_mem>>) src(%dma_wait3A_32 : memref<632x128xf32, #tpu.memory_space<vmem_shared>>) dst(%dma_wait3A_30 : memref<632x128xf32, #tpu.memory_space<hbm>>)
        tpu.yield
      }) : () -> ()
    } else {
    }
    %eq3A_20 = arith.constant 15 : i32
    %eq3A_21 = arith.cmpi eq, %arg1, %eq3A_20 : i32
    %convert_element_type3A_22 = arith.extui %eq3A_21 : i1 to i32
    %cond3A_23 = arith.constant 0 : i32
    %cond3A_24 = arith.cmpi ne, %convert_element_type3A_22, %cond3A_23 : i32
    scf.if %cond3A_24 {
      "tpu.region"() ({
        %run_scoped3A = tpu.sem_alloc : memref<!tpu.dma_semaphore, #tpu.memory_space<semaphore_mem>>
        %dma_start3A = arith.constant 0 : i32
        %dma_start3A_25 = tpu.memref_slice %arg6[%arg0, %multiple_of3A, %dma_start3A] : memref<2x10000x128xf32, #tpu.memory_space<hbm>> -> memref<1x520x128xf32, #tpu.memory_space<hbm>>
        %dma_start3A_26 = tpu.memref_squeeze %dma_start3A_25 : memref<1x520x128xf32, #tpu.memory_space<hbm>> -> memref<520x128xf32, #tpu.memory_space<hbm>>
        %dma_start3A_27 = arith.constant 0 : i32
        %dma_start3A_28 = tpu.memref_slice %arg7[%multiple_of3A, %dma_start3A_27] : memref<10000x128xf32, #tpu.memory_space<vmem_shared>> -> memref<520x128xf32, #tpu.memory_space<vmem_shared>>
        tpu.enqueue_dma source(%dma_start3A_28 : memref<520x128xf32, #tpu.memory_space<vmem_shared>>) target(%dma_start3A_26 : memref<520x128xf32, #tpu.memory_space<hbm>>) target_semaphore(%run_scoped3A : memref<!tpu.dma_semaphore, #tpu.memory_space<semaphore_mem>>)
        %dma_wait3A = arith.constant 0 : i32
        %dma_wait3A_29 = tpu.memref_slice %arg6[%arg0, %multiple_of3A, %dma_wait3A] : memref<2x10000x128xf32, #tpu.memory_space<hbm>> -> memref<1x520x128xf32, #tpu.memory_space<hbm>>
        %dma_wait3A_30 = tpu.memref_squeeze %dma_wait3A_29 : memref<1x520x128xf32, #tpu.memory_space<hbm>> -> memref<520x128xf32, #tpu.memory_space<hbm>>
        %dma_wait3A_31 = arith.constant 0 : i32
        %dma_wait3A_32 = tpu.memref_slice %arg7[%multiple_of3A, %dma_wait3A_31] : memref<10000x128xf32, #tpu.memory_space<vmem_shared>> -> memref<520x128xf32, #tpu.memory_space<vmem_shared>>
        tpu.wait_dma2 semaphore(%run_scoped3A : memref<!tpu.dma_semaphore, #tpu.memory_space<semaphore_mem>>) src(%dma_wait3A_32 : memref<520x128xf32, #tpu.memory_space<vmem_shared>>) dst(%dma_wait3A_30 : memref<520x128xf32, #tpu.memory_space<hbm>>)
        tpu.yield
      }) : () -> ()
    } else {
    }
    return
  }
}

module attributes {stable_mosaic.version = 14 : i64} {
  func.func @_stage2_body(%arg0: i32, %arg1: memref<2000x128xf32, #tpu.memory_space<vmem>>, %arg2: memref<1x128xf32, #tpu.memory_space<vmem>>, %arg3: memref<1x128xf32, #tpu.memory_space<vmem>>, %arg4: memref<1x128xf32, #tpu.memory_space<vmem>>, %arg5: memref<1x128xf32, #tpu.memory_space<vmem>>, %arg6: memref<128x128xf32, #tpu.memory_space<vmem>>, %arg7: memref<2000x128xf32, #tpu.memory_space<vmem>>, %arg8: memref<1x128xf32, #tpu.memory_space<vmem>>, %arg9: memref<1x128xf32, #tpu.memory_space<vmem>>) attributes {dimension_semantics = [#tpu.dimension_semantics<arbitrary>], iteration_bounds = array<i64: 5>, scalar_prefetch = 0 : i64, scratch_operands = 0 : i64, tpu.core_type = #tpu.core_type<tc>, window_params = [{transform_indices = @transform_0, window_bounds = array<i64: 2000, 128>}, {pipeline_mode = #tpu.pipeline_mode<synchronous>, transform_indices = @transform_1, window_bounds = array<i64: 1, 128>}, {pipeline_mode = #tpu.pipeline_mode<synchronous>, transform_indices = @transform_2, window_bounds = array<i64: 1, 128>}, {pipeline_mode = #tpu.pipeline_mode<synchronous>, transform_indices = @transform_3, window_bounds = array<i64: 1, 128>}, {pipeline_mode = #tpu.pipeline_mode<synchronous>, transform_indices = @transform_4, window_bounds = array<i64: 1, 128>}, {pipeline_mode = #tpu.pipeline_mode<synchronous>, transform_indices = @transform_5, window_bounds = array<i64: 128, 128>}, {transform_indices = @transform_6, window_bounds = array<i64: 2000, 128>}, {pipeline_mode = #tpu.pipeline_mode<synchronous>, transform_indices = @transform_7, window_bounds = array<i64: 1, 128>}, {pipeline_mode = #tpu.pipeline_mode<synchronous>, transform_indices = @transform_8, window_bounds = array<i64: 1, 128>}]} {
    %get3A = arith.constant 0 : index
    %get3A_0 = arith.constant 0 : index
    %get3A_1 = vector.load %arg2[%get3A, %get3A_0] : memref<1x128xf32, #tpu.memory_space<vmem>>, vector<1x128xf32>
    %div3A = arith.constant 1.000000e+04 : f32
    %div3A_2 = vector.broadcast %div3A : f32 to vector<1x128xf32>
    %div3A_3 = arith.divf %get3A_1, %div3A_2 : vector<1x128xf32>
    %get3A_4 = arith.constant 0 : index
    %get3A_5 = arith.constant 0 : index
    %get3A_6 = vector.load %arg3[%get3A_4, %get3A_5] : memref<1x128xf32, #tpu.memory_space<vmem>>, vector<1x128xf32>
    %div3A_7 = arith.constant 1.000000e+04 : f32
    %div3A_8 = vector.broadcast %div3A_7 : f32 to vector<1x128xf32>
    %div3A_9 = arith.divf %get3A_6, %div3A_8 : vector<1x128xf32>
    %mul3A = arith.mulf %div3A_3, %div3A_3 : vector<1x128xf32>
    %sub3A = arith.subf %div3A_9, %mul3A : vector<1x128xf32>
    %add3A = arith.constant 9.99999974E-6 : f32
    %add3A_10 = vector.broadcast %add3A : f32 to vector<1x128xf32>
    %add3A_11 = arith.addf %sub3A, %add3A_10 : vector<1x128xf32>
    %rsqrt3A = math.rsqrt %add3A_11 : vector<1x128xf32>
    %get3A_12 = arith.constant 0 : index
    %get3A_13 = arith.constant 0 : index
    %get3A_14 = vector.load %arg4[%get3A_12, %get3A_13] : memref<1x128xf32, #tpu.memory_space<vmem>>, vector<1x128xf32>
    %mul3A_15 = arith.mulf %rsqrt3A, %get3A_14 : vector<1x128xf32>
    %get3A_16 = arith.constant 0 : index
    %get3A_17 = arith.constant 0 : index
    %get3A_18 = vector.load %arg1[%get3A_16, %get3A_17] : memref<2000x128xf32, #tpu.memory_space<vmem>>, vector<2000x128xf32>
    %sub3A_19 = vector.broadcast %div3A_3 : vector<1x128xf32> to vector<2000x128xf32>
    %sub3A_20 = arith.subf %get3A_18, %sub3A_19 : vector<2000x128xf32>
    %mul3A_21 = vector.broadcast %mul3A_15 : vector<1x128xf32> to vector<2000x128xf32>
    %mul3A_22 = arith.mulf %sub3A_20, %mul3A_21 : vector<2000x128xf32>
    %get3A_23 = arith.constant 0 : index
    %get3A_24 = arith.constant 0 : index
    %get3A_25 = vector.load %arg5[%get3A_23, %get3A_24] : memref<1x128xf32, #tpu.memory_space<vmem>>, vector<1x128xf32>
    %add3A_26 = vector.broadcast %get3A_25 : vector<1x128xf32> to vector<2000x128xf32>
    %add3A_27 = arith.addf %mul3A_22, %add3A_26 : vector<2000x128xf32>
    %max3A = arith.constant 0.000000e+00 : f32
    %max3A_28 = vector.broadcast %max3A : f32 to vector<2000x128xf32>
    %max3A_29 = arith.maximumf %add3A_27, %max3A_28 : vector<2000x128xf32>
    %get3A_30 = arith.constant 0 : index
    %get3A_31 = arith.constant 0 : index
    %get3A_32 = vector.load %arg6[%get3A_30, %get3A_31] : memref<128x128xf32, #tpu.memory_space<vmem>>, vector<128x128xf32>
    %dot_general3A = arith.constant dense<0.000000e+00> : vector<2000x128xf32>
    %dot_general3A_33 = tpu.matmul %max3A_29, %get3A_32, %dot_general3A {dimension_numbers = #tpu.dot_dimension_numbers<[1], [0], [0], [1], [0, 0, 1, 1], [], []>, precision = #tpu.contract_precision<fp32>, transpose_lhs_hint = false} : vector<2000x128xf32>, vector<128x128xf32>, vector<2000x128xf32> -> vector<2000x128xf32>
    %swap3A = arith.constant 0 : index
    %swap3A_34 = arith.constant 0 : index
    %swap3A_35 = vector.load %arg7[%swap3A, %swap3A_34] : memref<2000x128xf32, #tpu.memory_space<vmem>>, vector<2000x128xf32>
    tpu.vector_store %arg7[%swap3A, %swap3A_34], %dot_general3A_33 {strides = array<i32>} : memref<2000x128xf32, #tpu.memory_space<vmem>>, vector<2000x128xf32>,
    %eq3A = arith.constant 0 : i32
    %eq3A_36 = arith.cmpi eq, %arg0, %eq3A : i32
    %convert_element_type3A = arith.extui %eq3A_36 : i1 to i32
    %cond3A = arith.constant 0 : i32
    %cond3A_37 = arith.cmpi ne, %convert_element_type3A, %cond3A : i32
    scf.if %cond3A_37 {
      %broadcast_in_dim3A_57 = arith.constant 0.000000e+00 : f32
      %broadcast_in_dim3A_58 = vector.broadcast %broadcast_in_dim3A_57 : f32 to vector<1x128xf32>
      %swap3A_59 = arith.constant 0 : index
      %swap3A_60 = arith.constant 0 : index
      %swap3A_61 = vector.load %arg8[%swap3A_59, %swap3A_60] : memref<1x128xf32, #tpu.memory_space<vmem>>, vector<1x128xf32>
      tpu.vector_store %arg8[%swap3A_59, %swap3A_60], %broadcast_in_dim3A_58 {strides = array<i32>} : memref<1x128xf32, #tpu.memory_space<vmem>>, vector<1x128xf32>,
      %broadcast_in_dim3A_62 = arith.constant 0.000000e+00 : f32
      %broadcast_in_dim3A_63 = vector.broadcast %broadcast_in_dim3A_62 : f32 to vector<1x128xf32>
      %swap3A_64 = arith.constant 0 : index
      %swap3A_65 = arith.constant 0 : index
      %swap3A_66 = vector.load %arg9[%swap3A_64, %swap3A_65] : memref<1x128xf32, #tpu.memory_space<vmem>>, vector<1x128xf32>
      tpu.vector_store %arg9[%swap3A_64, %swap3A_65], %broadcast_in_dim3A_63 {strides = array<i32>} : memref<1x128xf32, #tpu.memory_space<vmem>>, vector<1x128xf32>,
    } else {
    }
    %get3A_38 = arith.constant 0 : index
    %get3A_39 = arith.constant 0 : index
    %get3A_40 = vector.load %arg8[%get3A_38, %get3A_39] : memref<1x128xf32, #tpu.memory_space<vmem>>, vector<1x128xf32>
    %reduce_sum3A = arith.constant dense<0.000000e+00> : vector<128xf32>
    %reduce_sum3A_41 = vector.multi_reduction <add>, %dot_general3A_33, %reduce_sum3A [0] : vector<2000x128xf32> to vector<128xf32>
    %broadcast_in_dim3A = vector.shape_cast %reduce_sum3A_41 : vector<128xf32> to vector<1x128xf32>
    %add3A_42 = arith.addf %get3A_40, %broadcast_in_dim3A : vector<1x128xf32>
    %swap3A_43 = arith.constant 0 : index
    %swap3A_44 = arith.constant 0 : index
    %swap3A_45 = vector.load %arg8[%swap3A_43, %swap3A_44] : memref<1x128xf32, #tpu.memory_space<vmem>>, vector<1x128xf32>
    tpu.vector_store %arg8[%swap3A_43, %swap3A_44], %add3A_42 {strides = array<i32>} : memref<1x128xf32, #tpu.memory_space<vmem>>, vector<1x128xf32>,
    %get3A_46 = arith.constant 0 : index
    %get3A_47 = arith.constant 0 : index
    %get3A_48 = vector.load %arg9[%get3A_46, %get3A_47] : memref<1x128xf32, #tpu.memory_space<vmem>>, vector<1x128xf32>
    %mul3A_49 = arith.mulf %dot_general3A_33, %dot_general3A_33 : vector<2000x128xf32>
    %reduce_sum3A_50 = arith.constant dense<0.000000e+00> : vector<128xf32>
    %reduce_sum3A_51 = vector.multi_reduction <add>, %mul3A_49, %reduce_sum3A_50 [0] : vector<2000x128xf32> to vector<128xf32>
    %broadcast_in_dim3A_52 = vector.shape_cast %reduce_sum3A_51 : vector<128xf32> to vector<1x128xf32>
    %add3A_53 = arith.addf %get3A_48, %broadcast_in_dim3A_52 : vector<1x128xf32>
    %swap3A_54 = arith.constant 0 : index
    %swap3A_55 = arith.constant 0 : index
    %swap3A_56 = vector.load %arg9[%swap3A_54, %swap3A_55] : memref<1x128xf32, #tpu.memory_space<vmem>>, vector<1x128xf32>
    tpu.vector_store %arg9[%swap3A_54, %swap3A_55], %add3A_53 {strides = array<i32>} : memref<1x128xf32, #tpu.memory_space<vmem>>, vector<1x128xf32>,
    return
  }
  func.func @transform_0(%arg0: i32) -> (i32, i32) {
    %c0_i32 = arith.constant 0 : i32
    %c0_i32_0 = arith.constant 0 : i32
    return %arg0, %c0_i32 : i32, i32
  }
  func.func @transform_1(%arg0: i32) -> (i32, i32) {
    %c0_i32 = arith.constant 0 : i32
    %c0_i32_0 = arith.constant 0 : i32
    %c0_i32_1 = arith.constant 0 : i32
    return %c0_i32, %c0_i32_0 : i32, i32
  }
  func.func @transform_2(%arg0: i32) -> (i32, i32) {
    %c0_i32 = arith.constant 0 : i32
    %c0_i32_0 = arith.constant 0 : i32
    %c0_i32_1 = arith.constant 0 : i32
    return %c0_i32, %c0_i32_0 : i32, i32
  }
  func.func @transform_3(%arg0: i32) -> (i32, i32) {
    %c0_i32 = arith.constant 0 : i32
    %c0_i32_0 = arith.constant 0 : i32
    %c0_i32_1 = arith.constant 0 : i32
    return %c0_i32, %c0_i32_0 : i32, i32
  }
  func.func @transform_4(%arg0: i32) -> (i32, i32) {
    %c0_i32 = arith.constant 0 : i32
    %c0_i32_0 = arith.constant 0 : i32
    %c0_i32_1 = arith.constant 0 : i32
    return %c0_i32, %c0_i32_0 : i32, i32
  }
  func.func @transform_5(%arg0: i32) -> (i32, i32) {
    %c0_i32 = arith.constant 0 : i32
    %c0_i32_0 = arith.constant 0 : i32
    %c0_i32_1 = arith.constant 0 : i32
    return %c0_i32, %c0_i32_0 : i32, i32
  }
  func.func @transform_6(%arg0: i32) -> (i32, i32) {
    %c0_i32 = arith.constant 0 : i32
    %c0_i32_0 = arith.constant 0 : i32
    return %arg0, %c0_i32 : i32, i32
  }
  func.func @transform_7(%arg0: i32) -> (i32, i32) {
    %c0_i32 = arith.constant 0 : i32
    %c0_i32_0 = arith.constant 0 : i32
    %c0_i32_1 = arith.constant 0 : i32
    return %c0_i32, %c0_i32_0 : i32, i32
  }
  func.func @transform_8(%arg0: i32) -> (i32, i32) {
    %c0_i32 = arith.constant 0 : i32
    %c0_i32_0 = arith.constant 0 : i32
    %c0_i32_1 = arith.constant 0 : i32
    return %c0_i32, %c0_i32_0 : i32, i32
  }
}

module attributes {stable_mosaic.version = 14 : i64} {
  func.func @_stage1_body(%arg0: i32, %arg1: memref<2000x128xf32, #tpu.memory_space<vmem>>, %arg2: memref<2x2000x128xf32, #tpu.memory_space<vmem>>, %arg3: memref<128x128xf32, #tpu.memory_space<vmem>>, %arg4: memref<2000x128xf32, #tpu.memory_space<vmem>>, %arg5: memref<1x128xf32, #tpu.memory_space<vmem>>, %arg6: memref<1x128xf32, #tpu.memory_space<vmem>>) attributes {dimension_semantics = [#tpu.dimension_semantics<arbitrary>], iteration_bounds = array<i64: 5>, scalar_prefetch = 0 : i64, scratch_operands = 0 : i64, tpu.core_type = #tpu.core_type<tc>, window_params = [{transform_indices = @transform_0, window_bounds = array<i64: 2000, 128>}, {transform_indices = @transform_1, window_bounds = array<i64: 2, 2000, 128>}, {pipeline_mode = #tpu.pipeline_mode<synchronous>, transform_indices = @transform_2, window_bounds = array<i64: 128, 128>}, {transform_indices = @transform_3, window_bounds = array<i64: 2000, 128>}, {pipeline_mode = #tpu.pipeline_mode<synchronous>, transform_indices = @transform_4, window_bounds = array<i64: 1, 128>}, {pipeline_mode = #tpu.pipeline_mode<synchronous>, transform_indices = @transform_5, window_bounds = array<i64: 1, 128>}]} {
    %get3A = arith.constant 0 : index
    %get3A_0 = arith.constant 0 : index
    %get3A_1 = vector.load %arg1[%get3A, %get3A_0] : memref<2000x128xf32, #tpu.memory_space<vmem>>, vector<2000x128xf32>
    %get3A_2 = arith.constant 0 : index
    %get3A_3 = arith.constant 0 : index
    %get3A_4 = arith.constant 0 : index
    %get3A_5 = vector.load %arg2[%get3A_2, %get3A_3, %get3A_4] : memref<2x2000x128xf32, #tpu.memory_space<vmem>>, vector<1x2000x128xf32>
    %get3A_6 = vector.shape_cast %get3A_5 : vector<1x2000x128xf32> to vector<2000x128xf32>
    %add3A = arith.addf %get3A_1, %get3A_6 : vector<2000x128xf32>
    %get3A_7 = arith.constant 1 : index
    %get3A_8 = arith.constant 0 : index
    %get3A_9 = arith.constant 0 : index
    %get3A_10 = vector.load %arg2[%get3A_7, %get3A_8, %get3A_9] : memref<2x2000x128xf32, #tpu.memory_space<vmem>>, vector<1x2000x128xf32>
    %get3A_11 = vector.shape_cast %get3A_10 : vector<1x2000x128xf32> to vector<2000x128xf32>
    %add3A_12 = arith.addf %add3A, %get3A_11 : vector<2000x128xf32>
    %get3A_13 = arith.constant 0 : index
    %get3A_14 = arith.constant 0 : index
    %get3A_15 = vector.load %arg3[%get3A_13, %get3A_14] : memref<128x128xf32, #tpu.memory_space<vmem>>, vector<128x128xf32>
    %dot_general3A = arith.constant dense<0.000000e+00> : vector<2000x128xf32>
    %dot_general3A_16 = tpu.matmul %add3A_12, %get3A_15, %dot_general3A {dimension_numbers = #tpu.dot_dimension_numbers<[1], [0], [0], [1], [0, 0, 1, 1], [], []>, precision = #tpu.contract_precision<fp32>, transpose_lhs_hint = false} : vector<2000x128xf32>, vector<128x128xf32>, vector<2000x128xf32> -> vector<2000x128xf32>
    %swap3A = arith.constant 0 : index
    %swap3A_17 = arith.constant 0 : index
    %swap3A_18 = vector.load %arg4[%swap3A, %swap3A_17] : memref<2000x128xf32, #tpu.memory_space<vmem>>, vector<2000x128xf32>
    tpu.vector_store %arg4[%swap3A, %swap3A_17], %dot_general3A_16 {strides = array<i32>} : memref<2000x128xf32, #tpu.memory_space<vmem>>, vector<2000x128xf32>,
    %eq3A = arith.constant 0 : i32
    %eq3A_19 = arith.cmpi eq, %arg0, %eq3A : i32
    %convert_element_type3A = arith.extui %eq3A_19 : i1 to i32
    %cond3A = arith.constant 0 : i32
    %cond3A_20 = arith.cmpi ne, %convert_element_type3A, %cond3A : i32
    scf.if %cond3A_20 {
      %broadcast_in_dim3A_39 = arith.constant 0.000000e+00 : f32
      %broadcast_in_dim3A_40 = vector.broadcast %broadcast_in_dim3A_39 : f32 to vector<1x128xf32>
      %swap3A_41 = arith.constant 0 : index
      %swap3A_42 = arith.constant 0 : index
      %swap3A_43 = vector.load %arg5[%swap3A_41, %swap3A_42] : memref<1x128xf32, #tpu.memory_space<vmem>>, vector<1x128xf32>
      tpu.vector_store %arg5[%swap3A_41, %swap3A_42], %broadcast_in_dim3A_40 {strides = array<i32>} : memref<1x128xf32, #tpu.memory_space<vmem>>, vector<1x128xf32>,
      %broadcast_in_dim3A_44 = arith.constant 0.000000e+00 : f32
      %broadcast_in_dim3A_45 = vector.broadcast %broadcast_in_dim3A_44 : f32 to vector<1x128xf32>
      %swap3A_46 = arith.constant 0 : index
      %swap3A_47 = arith.constant 0 : index
      %swap3A_48 = vector.load %arg6[%swap3A_46, %swap3A_47] : memref<1x128xf32, #tpu.memory_space<vmem>>, vector<1x128xf32>
      tpu.vector_store %arg6[%swap3A_46, %swap3A_47], %broadcast_in_dim3A_45 {strides = array<i32>} : memref<1x128xf32, #tpu.memory_space<vmem>>, vector<1x128xf32>,
    } else {
    }
    %get3A_21 = arith.constant 0 : index
    %get3A_22 = arith.constant 0 : index
    %get3A_23 = vector.load %arg5[%get3A_21, %get3A_22] : memref<1x128xf32, #tpu.memory_space<vmem>>, vector<1x128xf32>
    %reduce_sum3A = arith.constant dense<0.000000e+00> : vector<128xf32>
    %reduce_sum3A_24 = vector.multi_reduction <add>, %dot_general3A_16, %reduce_sum3A [0] : vector<2000x128xf32> to vector<128xf32>
    %broadcast_in_dim3A = vector.shape_cast %reduce_sum3A_24 : vector<128xf32> to vector<1x128xf32>
    %add3A_25 = arith.addf %get3A_23, %broadcast_in_dim3A : vector<1x128xf32>
    %swap3A_26 = arith.constant 0 : index
    %swap3A_27 = arith.constant 0 : index
    %swap3A_28 = vector.load %arg5[%swap3A_26, %swap3A_27] : memref<1x128xf32, #tpu.memory_space<vmem>>, vector<1x128xf32>
    tpu.vector_store %arg5[%swap3A_26, %swap3A_27], %add3A_25 {strides = array<i32>} : memref<1x128xf32, #tpu.memory_space<vmem>>, vector<1x128xf32>,
    %get3A_29 = arith.constant 0 : index
    %get3A_30 = arith.constant 0 : index
    %get3A_31 = vector.load %arg6[%get3A_29, %get3A_30] : memref<1x128xf32, #tpu.memory_space<vmem>>, vector<1x128xf32>
    %mul3A = arith.mulf %dot_general3A_16, %dot_general3A_16 : vector<2000x128xf32>
    %reduce_sum3A_32 = arith.constant dense<0.000000e+00> : vector<128xf32>
    %reduce_sum3A_33 = vector.multi_reduction <add>, %mul3A, %reduce_sum3A_32 [0] : vector<2000x128xf32> to vector<128xf32>
    %broadcast_in_dim3A_34 = vector.shape_cast %reduce_sum3A_33 : vector<128xf32> to vector<1x128xf32>
    %add3A_35 = arith.addf %get3A_31, %broadcast_in_dim3A_34 : vector<1x128xf32>
    %swap3A_36 = arith.constant 0 : index
    %swap3A_37 = arith.constant 0 : index
    %swap3A_38 = vector.load %arg6[%swap3A_36, %swap3A_37] : memref<1x128xf32, #tpu.memory_space<vmem>>, vector<1x128xf32>
    tpu.vector_store %arg6[%swap3A_36, %swap3A_37], %add3A_35 {strides = array<i32>} : memref<1x128xf32, #tpu.memory_space<vmem>>, vector<1x128xf32>,
    return
  }
  func.func @transform_0(%arg0: i32) -> (i32, i32) {
    %c0_i32 = arith.constant 0 : i32
    %c0_i32_0 = arith.constant 0 : i32
    return %arg0, %c0_i32 : i32, i32
  }
  func.func @transform_1(%arg0: i32) -> (i32, i32, i32) {
    %c0_i32 = arith.constant 0 : i32
    %c0_i32_0 = arith.constant 0 : i32
    %c0_i32_1 = arith.constant 0 : i32
    return %c0_i32, %arg0, %c0_i32_0 : i32, i32, i32
  }
  func.func @transform_2(%arg0: i32) -> (i32, i32) {
    %c0_i32 = arith.constant 0 : i32
    %c0_i32_0 = arith.constant 0 : i32
    %c0_i32_1 = arith.constant 0 : i32
    return %c0_i32, %c0_i32_0 : i32, i32
  }
  func.func @transform_3(%arg0: i32) -> (i32, i32) {
    %c0_i32 = arith.constant 0 : i32
    %c0_i32_0 = arith.constant 0 : i32
    return %arg0, %c0_i32 : i32, i32
  }
  func.func @transform_4(%arg0: i32) -> (i32, i32) {
    %c0_i32 = arith.constant 0 : i32
    %c0_i32_0 = arith.constant 0 : i32
    %c0_i32_1 = arith.constant 0 : i32
    return %c0_i32, %c0_i32_0 : i32, i32
  }
  func.func @transform_5(%arg0: i32) -> (i32, i32) {
    %c0_i32 = arith.constant 0 : i32
    %c0_i32_0 = arith.constant 0 : i32
    %c0_i32_1 = arith.constant 0 : i32
    return %c0_i32, %c0_i32_0 : i32, i32
  }
}

module attributes {stable_mosaic.version = 14 : i64} {
  func.func @_stage3_body(%arg0: i32, %arg1: memref<2000x128xf32, #tpu.memory_space<vmem>>, %arg2: memref<1x128xf32, #tpu.memory_space<vmem>>, %arg3: memref<1x128xf32, #tpu.memory_space<vmem>>, %arg4: memref<1x128xf32, #tpu.memory_space<vmem>>, %arg5: memref<1x128xf32, #tpu.memory_space<vmem>>, %arg6: memref<2000x128xf32, #tpu.memory_space<vmem>>) attributes {dimension_semantics = [#tpu.dimension_semantics<arbitrary>], iteration_bounds = array<i64: 5>, scalar_prefetch = 0 : i64, scratch_operands = 0 : i64, tpu.core_type = #tpu.core_type<tc>, window_params = [{transform_indices = @transform_0, window_bounds = array<i64: 2000, 128>}, {pipeline_mode = #tpu.pipeline_mode<synchronous>, transform_indices = @transform_1, window_bounds = array<i64: 1, 128>}, {pipeline_mode = #tpu.pipeline_mode<synchronous>, transform_indices = @transform_2, window_bounds = array<i64: 1, 128>}, {pipeline_mode = #tpu.pipeline_mode<synchronous>, transform_indices = @transform_3, window_bounds = array<i64: 1, 128>}, {pipeline_mode = #tpu.pipeline_mode<synchronous>, transform_indices = @transform_4, window_bounds = array<i64: 1, 128>}, {transform_indices = @transform_5, window_bounds = array<i64: 2000, 128>}]} {
    %get3A = arith.constant 0 : index
    %get3A_0 = arith.constant 0 : index
    %get3A_1 = vector.load %arg2[%get3A, %get3A_0] : memref<1x128xf32, #tpu.memory_space<vmem>>, vector<1x128xf32>
    %div3A = arith.constant 1.000000e+04 : f32
    %div3A_2 = vector.broadcast %div3A : f32 to vector<1x128xf32>
    %div3A_3 = arith.divf %get3A_1, %div3A_2 : vector<1x128xf32>
    %get3A_4 = arith.constant 0 : index
    %get3A_5 = arith.constant 0 : index
    %get3A_6 = vector.load %arg3[%get3A_4, %get3A_5] : memref<1x128xf32, #tpu.memory_space<vmem>>, vector<1x128xf32>
    %div3A_7 = arith.constant 1.000000e+04 : f32
    %div3A_8 = vector.broadcast %div3A_7 : f32 to vector<1x128xf32>
    %div3A_9 = arith.divf %get3A_6, %div3A_8 : vector<1x128xf32>
    %mul3A = arith.mulf %div3A_3, %div3A_3 : vector<1x128xf32>
    %sub3A = arith.subf %div3A_9, %mul3A : vector<1x128xf32>
    %add3A = arith.constant 9.99999974E-6 : f32
    %add3A_10 = vector.broadcast %add3A : f32 to vector<1x128xf32>
    %add3A_11 = arith.addf %sub3A, %add3A_10 : vector<1x128xf32>
    %rsqrt3A = math.rsqrt %add3A_11 : vector<1x128xf32>
    %get3A_12 = arith.constant 0 : index
    %get3A_13 = arith.constant 0 : index
    %get3A_14 = vector.load %arg4[%get3A_12, %get3A_13] : memref<1x128xf32, #tpu.memory_space<vmem>>, vector<1x128xf32>
    %mul3A_15 = arith.mulf %rsqrt3A, %get3A_14 : vector<1x128xf32>
    %get3A_16 = arith.constant 0 : index
    %get3A_17 = arith.constant 0 : index
    %get3A_18 = vector.load %arg1[%get3A_16, %get3A_17] : memref<2000x128xf32, #tpu.memory_space<vmem>>, vector<2000x128xf32>
    %sub3A_19 = vector.broadcast %div3A_3 : vector<1x128xf32> to vector<2000x128xf32>
    %sub3A_20 = arith.subf %get3A_18, %sub3A_19 : vector<2000x128xf32>
    %mul3A_21 = vector.broadcast %mul3A_15 : vector<1x128xf32> to vector<2000x128xf32>
    %mul3A_22 = arith.mulf %sub3A_20, %mul3A_21 : vector<2000x128xf32>
    %get3A_23 = arith.constant 0 : index
    %get3A_24 = arith.constant 0 : index
    %get3A_25 = vector.load %arg5[%get3A_23, %get3A_24] : memref<1x128xf32, #tpu.memory_space<vmem>>, vector<1x128xf32>
    %add3A_26 = vector.broadcast %get3A_25 : vector<1x128xf32> to vector<2000x128xf32>
    %add3A_27 = arith.addf %mul3A_22, %add3A_26 : vector<2000x128xf32>
    %max3A = arith.constant 0.000000e+00 : f32
    %max3A_28 = vector.broadcast %max3A : f32 to vector<2000x128xf32>
    %max3A_29 = arith.maximumf %add3A_27, %max3A_28 : vector<2000x128xf32>
    %swap3A = arith.constant 0 : index
    %swap3A_30 = arith.constant 0 : index
    %swap3A_31 = vector.load %arg6[%swap3A, %swap3A_30] : memref<2000x128xf32, #tpu.memory_space<vmem>>, vector<2000x128xf32>
    tpu.vector_store %arg6[%swap3A, %swap3A_30], %max3A_29 {strides = array<i32>} : memref<2000x128xf32, #tpu.memory_space<vmem>>, vector<2000x128xf32>,
    return
  }
  func.func @transform_0(%arg0: i32) -> (i32, i32) {
    %c0_i32 = arith.constant 0 : i32
    %c0_i32_0 = arith.constant 0 : i32
    return %arg0, %c0_i32 : i32, i32
  }
  func.func @transform_1(%arg0: i32) -> (i32, i32) {
    %c0_i32 = arith.constant 0 : i32
    %c0_i32_0 = arith.constant 0 : i32
    %c0_i32_1 = arith.constant 0 : i32
    return %c0_i32, %c0_i32_0 : i32, i32
  }
  func.func @transform_2(%arg0: i32) -> (i32, i32) {
    %c0_i32 = arith.constant 0 : i32
    %c0_i32_0 = arith.constant 0 : i32
    %c0_i32_1 = arith.constant 0 : i32
    return %c0_i32, %c0_i32_0 : i32, i32
  }
  func.func @transform_3(%arg0: i32) -> (i32, i32) {
    %c0_i32 = arith.constant 0 : i32
    %c0_i32_0 = arith.constant 0 : i32
    %c0_i32_1 = arith.constant 0 : i32
    return %c0_i32, %c0_i32_0 : i32, i32
  }
  func.func @transform_4(%arg0: i32) -> (i32, i32) {
    %c0_i32 = arith.constant 0 : i32
    %c0_i32_0 = arith.constant 0 : i32
    %c0_i32_1 = arith.constant 0 : i32
    return %c0_i32, %c0_i32_0 : i32, i32
  }
  func.func @transform_5(%arg0: i32) -> (i32, i32) {
    %c0_i32 = arith.constant 0 : i32
    %c0_i32_0 = arith.constant 0 : i32
    return %arg0, %c0_i32 : i32, i32
  }
}

module attributes {stable_mosaic.version = 14 : i64} {
  func.func @_stage3cls_body(%arg0: i32, %arg1: memref<2000x128xf32, #tpu.memory_space<vmem>>, %arg2: memref<1x128xf32, #tpu.memory_space<vmem>>, %arg3: memref<1x128xf32, #tpu.memory_space<vmem>>, %arg4: memref<1x128xf32, #tpu.memory_space<vmem>>, %arg5: memref<1x128xf32, #tpu.memory_space<vmem>>, %arg6: memref<128x64xf32, #tpu.memory_space<vmem>>, %arg7: memref<1x64xf32, #tpu.memory_space<vmem>>, %arg8: memref<2000x64xf32, #tpu.memory_space<vmem>>) attributes {dimension_semantics = [#tpu.dimension_semantics<arbitrary>], iteration_bounds = array<i64: 5>, scalar_prefetch = 0 : i64, scratch_operands = 0 : i64, tpu.core_type = #tpu.core_type<tc>, window_params = [{transform_indices = @transform_0, window_bounds = array<i64: 2000, 128>}, {pipeline_mode = #tpu.pipeline_mode<synchronous>, transform_indices = @transform_1, window_bounds = array<i64: 1, 128>}, {pipeline_mode = #tpu.pipeline_mode<synchronous>, transform_indices = @transform_2, window_bounds = array<i64: 1, 128>}, {pipeline_mode = #tpu.pipeline_mode<synchronous>, transform_indices = @transform_3, window_bounds = array<i64: 1, 128>}, {pipeline_mode = #tpu.pipeline_mode<synchronous>, transform_indices = @transform_4, window_bounds = array<i64: 1, 128>}, {pipeline_mode = #tpu.pipeline_mode<synchronous>, transform_indices = @transform_5, window_bounds = array<i64: 128, 64>}, {pipeline_mode = #tpu.pipeline_mode<synchronous>, transform_indices = @transform_6, window_bounds = array<i64: 1, 64>}, {transform_indices = @transform_7, window_bounds = array<i64: 2000, 64>}]} {
    %get3A = arith.constant 0 : index
    %get3A_0 = arith.constant 0 : index
    %get3A_1 = vector.load %arg2[%get3A, %get3A_0] : memref<1x128xf32, #tpu.memory_space<vmem>>, vector<1x128xf32>
    %div3A = arith.constant 1.000000e+04 : f32
    %div3A_2 = vector.broadcast %div3A : f32 to vector<1x128xf32>
    %div3A_3 = arith.divf %get3A_1, %div3A_2 : vector<1x128xf32>
    %get3A_4 = arith.constant 0 : index
    %get3A_5 = arith.constant 0 : index
    %get3A_6 = vector.load %arg3[%get3A_4, %get3A_5] : memref<1x128xf32, #tpu.memory_space<vmem>>, vector<1x128xf32>
    %div3A_7 = arith.constant 1.000000e+04 : f32
    %div3A_8 = vector.broadcast %div3A_7 : f32 to vector<1x128xf32>
    %div3A_9 = arith.divf %get3A_6, %div3A_8 : vector<1x128xf32>
    %mul3A = arith.mulf %div3A_3, %div3A_3 : vector<1x128xf32>
    %sub3A = arith.subf %div3A_9, %mul3A : vector<1x128xf32>
    %add3A = arith.constant 9.99999974E-6 : f32
    %add3A_10 = vector.broadcast %add3A : f32 to vector<1x128xf32>
    %add3A_11 = arith.addf %sub3A, %add3A_10 : vector<1x128xf32>
    %rsqrt3A = math.rsqrt %add3A_11 : vector<1x128xf32>
    %get3A_12 = arith.constant 0 : index
    %get3A_13 = arith.constant 0 : index
    %get3A_14 = vector.load %arg4[%get3A_12, %get3A_13] : memref<1x128xf32, #tpu.memory_space<vmem>>, vector<1x128xf32>
    %mul3A_15 = arith.mulf %rsqrt3A, %get3A_14 : vector<1x128xf32>
    %get3A_16 = arith.constant 0 : index
    %get3A_17 = arith.constant 0 : index
    %get3A_18 = vector.load %arg1[%get3A_16, %get3A_17] : memref<2000x128xf32, #tpu.memory_space<vmem>>, vector<2000x128xf32>
    %sub3A_19 = vector.broadcast %div3A_3 : vector<1x128xf32> to vector<2000x128xf32>
    %sub3A_20 = arith.subf %get3A_18, %sub3A_19 : vector<2000x128xf32>
    %mul3A_21 = vector.broadcast %mul3A_15 : vector<1x128xf32> to vector<2000x128xf32>
    %mul3A_22 = arith.mulf %sub3A_20, %mul3A_21 : vector<2000x128xf32>
    %get3A_23 = arith.constant 0 : index
    %get3A_24 = arith.constant 0 : index
    %get3A_25 = vector.load %arg5[%get3A_23, %get3A_24] : memref<1x128xf32, #tpu.memory_space<vmem>>, vector<1x128xf32>
    %add3A_26 = vector.broadcast %get3A_25 : vector<1x128xf32> to vector<2000x128xf32>
    %add3A_27 = arith.addf %mul3A_22, %add3A_26 : vector<2000x128xf32>
    %max3A = arith.constant 0.000000e+00 : f32
    %max3A_28 = vector.broadcast %max3A : f32 to vector<2000x128xf32>
    %max3A_29 = arith.maximumf %add3A_27, %max3A_28 : vector<2000x128xf32>
    %get3A_30 = arith.constant 0 : index
    %get3A_31 = arith.constant 0 : index
    %get3A_32 = vector.load %arg6[%get3A_30, %get3A_31] : memref<128x64xf32, #tpu.memory_space<vmem>>, vector<128x64xf32>
    %dot_general3A = arith.constant dense<0.000000e+00> : vector<2000x64xf32>
    %dot_general3A_33 = tpu.matmul %max3A_29, %get3A_32, %dot_general3A {dimension_numbers = #tpu.dot_dimension_numbers<[1], [0], [0], [1], [0, 0, 1, 1], [], []>, precision = #tpu.contract_precision<fp32>, transpose_lhs_hint = false} : vector<2000x128xf32>, vector<128x64xf32>, vector<2000x64xf32> -> vector<2000x64xf32>
    %get3A_34 = arith.constant 0 : index
    %get3A_35 = arith.constant 0 : index
    %get3A_36 = vector.load %arg7[%get3A_34, %get3A_35] : memref<1x64xf32, #tpu.memory_space<vmem>>, vector<1x64xf32>
    %add3A_37 = vector.broadcast %get3A_36 : vector<1x64xf32> to vector<2000x64xf32>
    %add3A_38 = arith.addf %dot_general3A_33, %add3A_37 : vector<2000x64xf32>
    %swap3A = arith.constant 0 : index
    %swap3A_39 = arith.constant 0 : index
    %swap3A_40 = vector.load %arg8[%swap3A, %swap3A_39] : memref<2000x64xf32, #tpu.memory_space<vmem>>, vector<2000x64xf32>
    tpu.vector_store %arg8[%swap3A, %swap3A_39], %add3A_38 {strides = array<i32>} : memref<2000x64xf32, #tpu.memory_space<vmem>>, vector<2000x64xf32>,
    return
  }
  func.func @transform_0(%arg0: i32) -> (i32, i32) {
    %c0_i32 = arith.constant 0 : i32
    %c0_i32_0 = arith.constant 0 : i32
    return %arg0, %c0_i32 : i32, i32
  }
  func.func @transform_1(%arg0: i32) -> (i32, i32) {
    %c0_i32 = arith.constant 0 : i32
    %c0_i32_0 = arith.constant 0 : i32
    %c0_i32_1 = arith.constant 0 : i32
    return %c0_i32, %c0_i32_0 : i32, i32
  }
  func.func @transform_2(%arg0: i32) -> (i32, i32) {
    %c0_i32 = arith.constant 0 : i32
    %c0_i32_0 = arith.constant 0 : i32
    %c0_i32_1 = arith.constant 0 : i32
    return %c0_i32, %c0_i32_0 : i32, i32
  }
  func.func @transform_3(%arg0: i32) -> (i32, i32) {
    %c0_i32 = arith.constant 0 : i32
    %c0_i32_0 = arith.constant 0 : i32
    %c0_i32_1 = arith.constant 0 : i32
    return %c0_i32, %c0_i32_0 : i32, i32
  }
  func.func @transform_4(%arg0: i32) -> (i32, i32) {
    %c0_i32 = arith.constant 0 : i32
    %c0_i32_0 = arith.constant 0 : i32
    %c0_i32_1 = arith.constant 0 : i32
    return %c0_i32, %c0_i32_0 : i32, i32
  }
  func.func @transform_5(%arg0: i32) -> (i32, i32) {
    %c0_i32 = arith.constant 0 : i32
    %c0_i32_0 = arith.constant 0 : i32
    %c0_i32_1 = arith.constant 0 : i32
    return %c0_i32, %c0_i32_0 : i32, i32
  }
  func.func @transform_6(%arg0: i32) -> (i32, i32) {
    %c0_i32 = arith.constant 0 : i32
    %c0_i32_0 = arith.constant 0 : i32
    %c0_i32_1 = arith.constant 0 : i32
    return %c0_i32, %c0_i32_0 : i32, i32
  }
  func.func @transform_7(%arg0: i32) -> (i32, i32) {
    %c0_i32 = arith.constant 0 : i32
    %c0_i32_0 = arith.constant 0 : i32
    return %arg0, %c0_i32 : i32, i32
  }
}

</mosaic_0001>

<sc_bundles>
// kernel: kernel.22.cloned.1.call-start
scs
__scs_entry_jumppad:
0x0: {  	(pc) =	sbr.rel $0x88, $3  }
0x1: {  	(tag) =	ssettag $0x0;
	lr =	simm.s32 $0x1  }
0x2: {  	[smem:$0x3F97] =	sst lr;
	_ =	strace $0xD0000000  }
0x3: {  	_ = 	snop  }
0x4: {  	_ = 	snop  }
0x5: {  	_ = 	snop  }
0x6: {  	_ = 	snop  }
0x7: {  	_ = 	snop  }
__scs_overlays_trampoline_lowered:
0x8: {  	[smem:$0x3FA6] =	sst s0  }
0x9: {  	[smem:$0x3FA7] =	sst s1  }
0xa: {  	[smem:$0x3FA8] =	sst s2  }
0xb: {  	[smem:$0x3FA9] =	sst s3  }
0xc: {  	[smem:$0x3FAA] =	sst s4  }
0xd: {  	[smem:$0x3FAB] =	sst s5  }
0xe: {  	[smem:$0x3FAC] =	sst s6  }
0xf: {  	[smem:$0x3FAD] =	sst s7  }
0x10: {  	[smem:$0x3FAE] =	sst s8  }
0x11: {  	[smem:$0x3FAF] =	sst s9;
	s0 =	simm.s32 @!p0 $0x0  }
0x12: {  	s1 =	sld [smem:$0x3F95];
	s0 =	simm.s32 @p0 $0x1  }
0x13: {  	[smem:$0x3FB0] =	sst s0;
	s0 =	simm.s32 @!p1 $0x0  }
0x14: {  	s2 =	sld [smem:$0x3F94];
	s0 =	simm.s32 @p1 $0x1  }
0x15: {  	[smem:$0x3FB1] =	sst s0;
	s0 =	simm.s32 @!p2 $0x0  }
0x16: {  	s3 =	sld [smem:$0x3FDB];
	s0 =	simm.s32 @p2 $0x1  }
0x17: {  	s4 =	simm.s32 $0x1BF5;
	[smem:$0x3FB3] =	sst s0  }
0x18: {  	s0 =	sld [smem:$0x3F96];
	_ =	swait.ge [sflag:s4], $0x0  }
0x19: {  	s7 =	sld [smem:$0x3F97]  }
0x1a: {  	s8 =	sadd.s32 $0xFFFFE003, lr  }
0x1b: {  	s9 =	sadd.s32 $0xFFFFFEF7, lr;
	s5 =	simm.s32 $0xFFFFFFFF;
	p2 =	slt.u32 s8, $0xFFFFF086  }
0x1c: {  	p1 =	slt.u32 s9, $0xF7A;
	s5 =	simm.s32 @!p2 $0x0  }
0x1d: {  	s5 =	simm.s32 @p1 $0x1;
	p0 =	seq.s32 s7, s2  }
0x1e: {  	s7 =	smul.u32 @!p0 $0xF7A, s2;
	p2 =	seq.s32 @!p0 s5, $0x0  }
0x1f: {  	s9 =	smul.u32 $0xF7A, s1;
	s8 =	simm.s32 @!p0 $0x1BF5;
	p2 =	por !p2, p0  }
0x20: {  	[sflag:s8] =	ssyncset.s32 @!p0 $0xFFFFF086;
	s6 =	sadd.s32 @!p0 s3, s7;
	s7 =	simm.s32 @!p0 $0x108  }
0x21: {  	s3 =	sadd.s32 s3, s9;
	s6 =	sadd.s32 @!p0 $0x88, s6;
	s7 =	simm.s32 @p2 $0x1082  }
0x22: {  	[simem:s7], [sflag:s8] =	dma.local @!p0 [hbm:s6], $0xF7A  }
0x23: {  	s9 =	sor.u32 $0xD0000000, s2;
	s6 =	simm.s32 $0x108;
	_ =	swait.ge @!p0 [sflag:s8], $0x0  }
0x24: {  	s3 =	sadd.s32 $0x88, s3;
	s6 =	simm.s32 @!p1 $0x1082;
	[sflag:s4] =	ssyncset.s32 $0xFFFFF086  }
0x25: {  	[simem:s6], [sflag:s4] =	dma.local [hbm:s3], $0xF7A  }
0x26: {  	[smem:$0x3F97] =	sst s1;
	(tag) =	ssettag s2;
	_ =	strace s9  }
0x27: {  	s1 =	sld [smem:$0x3FA7]  }
0x28: {  	s2 =	sld [smem:$0x3FA8]  }
0x29: {  	s4 =	sld [smem:$0x3FAA]  }
0x2a: {  	p0 =	seq.s32 s5, $0x0;
	s5 =	sld [smem:$0x3FAB]  }
0x2b: {  	s6 =	sld [smem:$0x3FAC]  }
0x2c: {  	s7 =	sld [smem:$0x3FAD]  }
0x2d: {  	s3 =	simm.s32 $0x108;
	s8 =	sld [smem:$0x3FAE]  }
0x2e: {  	s3 =	simm.s32 @!p0 $0x1082;
	s9 =	sld [smem:$0x3FAF]  }
0x2f: {  	lr =	sadd.s32 s0, s3;
	s0 =	sld [smem:$0x3FA6]  }
0x30: {  	s3 =	sld [smem:$0x3FA9]  }
0x31: {  	[smem:$0x3FB2] =	sst s10  }
0x32: {  	s10 =	sld [smem:$0x3FB0];
	_ =	sdelay $0x3  }
0x33: {  	p0 =	seq.s32 s10, $0x1;
	s10 =	sld [smem:$0x3FB2];
	_ =	sdelay $0x3  }
0x34: {  	[smem:$0x3FB2] =	sst s10  }
0x35: {  	s10 =	sld [smem:$0x3FB1];
	_ =	sdelay $0x3  }
0x36: {  	p1 =	seq.s32 s10, $0x1;
	s10 =	sld [smem:$0x3FB2];
	_ =	sdelay $0x3  }
0x37: {  	[smem:$0x3FB2] =	sst s10  }
0x38: {  	s10 =	sld [smem:$0x3FB3]  }
0x39: {  	_ = 	snop;
	(pc) =	sbr.ind lr, $3  }
0x3a: {  	_ = 	snop  }
0x3b: {  	_ = 	snop  }
0x3c: {  	p2 =	seq.s32 s10, $0x1;
	s10 =	sld [smem:$0x3FB2]  }
0x3d: {  	_ =	shalt  }
0x3e: {  	_ =	shalt  }
0x3f: {  	_ =	shalt  }
0x40: {  	_ =	shalt  }
0x41: {  	_ =	shalt  }
0x42: {  	_ =	shalt  }
0x43: {  	_ =	shalt  }
0x44: {  	_ =	shalt  }
0x45: {  	_ =	shalt  }
0x46: {  	_ =	shalt  }
0x47: {  	_ =	shalt  }
0x48: {  	_ =	shalt  }
0x49: {  	_ =	shalt  }
0x4a: {  	_ =	shalt  }
0x4b: {  	_ =	shalt  }
0x4c: {  	_ =	shalt  }
0x4d: {  	_ =	shalt  }
0x4e: {  	_ =	shalt  }
0x4f: {  	_ =	shalt  }
0x50: {  	_ =	shalt  }
0x51: {  	_ =	shalt  }
0x52: {  	_ =	shalt  }
0x53: {  	_ =	shalt  }
0x54: {  	_ =	shalt  }
0x55: {  	_ =	shalt  }
0x56: {  	_ =	shalt  }
0x57: {  	_ =	shalt  }
0x58: {  	_ =	shalt  }
0x59: {  	_ =	shalt  }
0x5a: {  	_ =	shalt  }
0x5b: {  	_ =	shalt  }
0x5c: {  	_ =	shalt  }
0x5d: {  	_ =	shalt  }
0x5e: {  	_ =	shalt  }
0x5f: {  	_ =	shalt  }
0x60: {  	_ =	shalt  }
0x61: {  	_ =	shalt  }
0x62: {  	_ =	shalt  }
0x63: {  	_ =	shalt  }
0x64: {  	_ =	shalt  }
0x65: {  	_ =	shalt  }
0x66: {  	_ =	shalt  }
0x67: {  	_ =	shalt  }
0x68: {  	_ =	shalt  }
0x69: {  	_ =	shalt  }
0x6a: {  	_ =	shalt  }
0x6b: {  	_ =	shalt  }
0x6c: {  	_ =	shalt  }
0x6d: {  	_ =	shalt  }
0x6e: {  	_ =	shalt  }
0x6f: {  	_ =	shalt  }
0x70: {  	_ =	shalt  }
0x71: {  	_ =	shalt  }
0x72: {  	_ =	shalt  }
0x73: {  	_ =	shalt  }
0x74: {  	_ =	shalt  }
0x75: {  	_ =	shalt  }
0x76: {  	_ =	shalt  }
0x77: {  	_ =	shalt  }
0x78: {  	_ =	shalt  }
0x79: {  	_ =	shalt  }
0x7a: {  	_ =	shalt  }
0x7b: {  	_ =	shalt  }
0x7c: {  	_ =	shalt  }
0x7d: {  	_ =	shalt  }
0x7e: {  	_ =	shalt  }
0x7f: {  	_ =	shalt  }
0x80: {  	_ =	shalt  }
0x81: {  	_ =	shalt  }
0x82: {  	_ =	shalt  }
0x83: {  	_ =	shalt  }
0x84: {  	_ =	shalt  }
0x85: {  	_ =	shalt  }
0x86: {  	_ =	shalt  }
0x87: {  	_ =	shalt  }
.Lfunc_end0:
.L_simem_size_0:
called_computation_lowered:
.L_overlay_start_0:
0x88: {  	s2 =	sld [smem:$0x3FD9]  }
0x89: {  	s3 =	sld [smem:$0x3FFE];
	_ =	sdelay $0x1  }
0x8a: {  	s1 =	srdreg.scid  }
0x8b: {  	s0 =	sand.u32 $0x1, s1  }
0x8c: {  	s17 =	sshll.u32 s0, $0xA;
	s2 =	sadd.s32 s3, s2  }
0x8d: {  	s2 =	sadd.s32 s2, s17  }
0x8e: {  	[smem:$0x3FBE] =	sst s2  }
0x8f: {  	_ = 	snop  }
0x90: {  	s2 =	sld [smem:$0x3FC9]  }
0x91: {  	s18 =	sld [smem:$0x3FD0];
	(tm) =	ssettm $0x1  }
0x92: {  	s4 =	sld [smem:$0x3FFB];
	_ =	sdelay $0x3  }
0x93: {  	_ =	strace s4  }
0x94: {  	s4 =	sld [smem:$0x3FFC];
	_ =	sdelay $0x3  }
0x95: {  	_ =	strace s4  }
0x96: {  	s4 =	sld [smem:$0x3FFD];
	_ =	sdelay $0x3  }
0x97: {  	_ =	strace s4  }
0x98: {  	_ =	strace $0x8FFFFFFF  }
0x99: {  	s19 =	sld [smem:$0x3FDB];
	_ =	sdelay $0x1  }
0x9a: {  	s5 =	simm.s32 $_scs_section_size  }
0x9b: {  	s6 =	simm.s32 $_size__tile_overlayer_lowered;
	s7 =	simm.s32 $_tile_overlayer_lowered  }
0x9c: {  	s22 =	simm.s32 $0x1BFF;
	s21 =	sshll.u32 s7, $0x1;
	s4 =	sadd.s32 s5, s19  }
0x9d: {  	s8 =	simm.s32 $0x0;
	s20 =	sshll.u32 s6, $0x1;
	s6 =	sadd.s32 s21, s4  }
0x9e: {  	[timem:s8], [sflag:s22] =	dma.local [hbm:s6], s20  }
0x9f: {  	_ =	swait.ge [sflag:s22], s20  }
0xa0: {  	s5 =	ssub.s32 $0x0, s20;
	[sflag:s22] =	ssyncset.done $0x0  }
0xa1: {  	[sflag:s22] =	ssyncadd.s32 s5;
	_ =	sdelay $0x1  }
0xa2: {  	s23 =	simm.s32 $0x1B8B  }
0xa3: {  	_ =	swait.ge [sflag:s23], $0x1  }
0xa4: {  	[sflag:s23] =	ssyncset.done $0x0  }
0xa5: {  	s25 =	simm.s32 $0x1B8E;
	s24 =	sld [smem:$0x3FFE];
	[sflag:s23] =	ssyncadd.s32 $0xFFFFFFFF  }
0xa6: {  	s26 =	simm.s32 $execute0_lowered;
	[smem:$0x3FD2] =	sst s25  }
0xa7: {  	s6 =	sshll.u32 s26, $0x1;
	_ =	strace $0x80000046;
	[dreg:$0x1] =	wrdreg $0xFFFFFFFF  }
0xa8: {  	s28 =	simm.s32 $_size_execute0_lowered;
	s4 =	sadd.s32 s4, s6;
	[dreg:$0x0] =	wrdreg $0x0  }
0xa9: {  	s6 =	sshll.u32 s28, $0x1;
	[dreg:$0x2] =	wrdreg s4  }
0xaa: {  	[dreg:$0x3] =	wrdreg s6  }
0xab: {  	[dreg:$0x4] =	wrdreg $0xC0  }
0xac: {  	_ =	task [dreg:s8], $0x5FFFF  }
0xad: {  	[dreg:$0x1] =	wrdreg $0xFFFFFFFF  }
0xae: {  	[dreg:$0x0] =	wrdreg $0x60  }
0xaf: {  	[dreg:$0x2] =	wrdreg s2  }
0xb0: {  	[dreg:$0x3] =	wrdreg s24  }
0xb1: {  	[dreg:$0x4] =	wrdreg s18  }
0xb2: {  	[dreg:$0x5] =	wrdreg $0x0  }
0xb3: {  	[dreg:$0x6] =	wrdreg $0x9  }
0xb4: {  	_ =	task.clear_ibuf [dreg:s8], $0x7FFFF;
	_ =	strace $0x90000046  }
0xb5: {  	s29 =	simm.s32 $0x9;
	_ =	strace $0x80000048  }
0xb6: {  	_ =	swait.ge [sflag:s29], $0x1  }
0xb7: {  	[sflag:s29] =	ssyncadd.s32 $0xFFFFFFFF  }
0xb8: {  	_ =	strace $0x90000048  }
0xb9: {  	_ =	sfence  }
0xba: {  	s30 =	sld [smem:$0x0];
	_ =	sdelay $0x2  }
0xbb: {  	s31 =	sshll.u32 s1, $0xD;
	s1 =	sshrl.u32 s1, $0x2  }
0xbc: {  	s3 =	sand.u32 $0x4000, s31;
	s1 =	sadd.s32 s1, s30  }
0xbd: {  	s0 =	sor.u32 s3, s0;
	s1 =	sshll.u32 s1, $0x11  }
0xbe: {  	s0 =	sor.u32 s1, s0  }
0xbf: {  	s0 =	sadd.s32 $0x8F2B, s0  }
0xc0: {  	[sflag:s0] =	ssyncadd.remote.s32 $0x1  }
0xc1: {  	_ =	sfence.sel $0xFFFF  }
0xc2: {  	[dreg:$0x0] =	wrdreg $0xFFFFFFFF;
	(pc) =	sbr.abs _section_cstart, $3  }
0xc3: {  	[dreg:$0x1] =	wrdreg $0xFFFFFFFF  }
0xc4: {  	_ =	task.clear_ibuf [dreg:s8], $0x2FFFF;
	_ =	strace $0x9FFFFFFF  }
0xc5: {  	(tm) =	ssettm $0x7FFFFFFF  }
tec
execute0_lowered:
.L_overlay_start_1:
0x0: {  	(tag) =	ssettag $0x1  }
0x1: {  	s0 =	rddreg [dreg:$0x0]  }
0x2: {  	s6 =	rddreg [dreg:$0x1]  }
0x3: {  	s10 =	rddreg [dreg:$0x2];
	s1 =	srdreg.scid  }
0x4: {  	s3 =	rddreg [dreg:$0x3];
	s2 =	stileid.u32  }
0x5: {  	s4 =	simm.s32 $0x0;
	s17 =	simm.s32 $0x13900;
	s18 =	simm.s32 $0x50  }
0x6: {  	s19 =	simm.s32 $0x13980;
	s20 =	simm.s32 $0x1;
	s8 =	smul.u32 $0x2710, s2  }
0x7: {  	s5 =	sand.u32 $0x1, s1;
	s1 =	rddreg [dreg:$0x4];
	s9 =	smul.u32 $0x2780, s2  }
0x8: {  	s21 =	simm.s32 $0x0;
	[smem:$0x7FF] =	sst s4;
	s26 =	smul.u32 $0x4F000, s2  }
0x9: {  	s14 =	smul.u32 $0x13C00, s2;
	s15 =	sadd.s32 $0x36A00, s6;
	p0 =	seq.s32 s2, $0xF  }
0xa: {  	s7 =	smul.u32 $0x27100, s5;
	_ =	strace $0x80000047;
	s28 =	ssub.s32 $0x2, s5  }
0xb: {  	s13 =	smul.u32 $0x138800, s5;
	s25 =	sadd.s32 s9, s6;
	s29 =	sshrl.u32 s28, $0x1  }
0xc: {  	s7 =	sadd.s32 s8, s7;
	s9 =	ssub.s32 s28, s29;
	s5 =	sadd.s32 $0xF800, s25  }
0xd: {  	s30 =	sadd.s32 s14, s13;
	s31 =	sshrl.u32 s13, $0x3;
	s13 =	sadd.s32 $0x128400, s3  }
0xe: {  	s11 =	sshrl.u32 s7, $0x3;
	s7 =	sshrl.u32 s26, $0x2;
	s8 =	sadd.s32 s15, s31  }
0xf: {  	s9 =	smax.u32 s9, $0x1;
	s12 =	sadd.s32 s11, s6;
	s16 =	sadd.s32 s7, s3  }
0x10: {  	s7 =	sshrl.u32 s30, $0x3;
	s6 =	sadd.s32 $0x34880, s6;
	s8 =	sadd.s32 $0x25080, s8  }
0x11: {  	s10 =	sadd.s32 s11, s10;
	s7 =	sadd.s32 s15, s7;
	s11 =	sadd.s32 $0x5A00, s12  }
0x12: {  	s12 =	sshrl.u32 @p0 s13, $0x3;
	s13 =	sshll.u32 @!p0 s2, $0x6;
	s14 =	sshrl.u32 @!p0 s16, $0x3  }
0x13: {  	s15 =	simm.s32 $0x13880;
	s16 =	simm.s32 $0x2;
	s13 =	sor.u32 @!p0 $0x1C02, s13  }
.LBB2_1:
0x14: {  	s22 =	simm.s32 @p0 $0x1FC2  }
0x15: {  	[spmem:s12], [sflag:s22] =	dma.local @p0 [hbm:s6], $0x2080  }
0x16: {  	s22 =	simm.s32 @p0 $0x2  }
0x17: {  	_ =	swait.ge @p0 [sflag:s22], $0x2080  }
0x18: {  	[sflag:s22] =	ssyncset.done @p0 $0x0  }
0x19: {  	[sflag:s22] =	ssyncadd.s32 @p0 $0xFFFFDF80;
	s22 =	simm.s32 @!p0 $0x2  }
0x1a: {  	[spmem:s14], [sflag:s13] =	dma.local @!p0 [hbm:s5], $0x2780  }
0x1b: {  	_ =	swait.ge @!p0 [sflag:s22], $0x2780  }
0x1c: {  	[sflag:s22] =	ssyncset.done @!p0 $0x0  }
0x1d: {  	[sflag:s22] =	ssyncadd.s32 @!p0 $0xFFFFD880  }
0x1e: {  	s30 =	sadd.s32 $0x0, s11;
	[bflag:$0x0] =	sbarrier.arrive $0xFFFF  }
0x1f: {  	[tilespmem:s15], [sflag:$0x2] =	stream.linear.gather [hbm4b:s30+s4], $0x50, $0x38;
	[tilespmem:$0x16180] =	vst v63  }
0x20: {  	_ =	swait.ge [sflag:s16], $0x50  }
0x21: {  	[sflag:s16] =	ssyncset.done $0x0  }
0x22: {  	s31 =	sadd.s32 $0x0, s10;
	[sflag:s16] =	ssyncadd.s32 $0xFFFFFFB0  }
0x23: {  	[tilespmem:s17], [sflag:$0x2] =	stream.linear.gather [hbm4b:s31+s4], $0x50, $0x38;
	[tilespmem:$0x16180] =	vst v63  }
0x24: {  	_ =	swait.ge [sflag:s16], $0x50  }
0x25: {  	[sflag:s16] =	ssyncset.done $0x0  }
0x26: {  	[sflag:s16] =	ssyncadd.s32 $0xFFFFFFB0  }
0x27: {  	[tilespmem:s19], [sflag:$0x1] =	stream.indirect.gather [hbm4b:s0+s18], $0x80, s15, s18, $0xb8;
	[tilespmem:$0x16180] =	vst v63  }
0x28: {  	_ =	swait.ge [sflag:s20], $0x2800  }
0x29: {  	[sflag:s20] =	ssyncset.done $0x0  }
0x2a: {  	[sflag:s20] =	ssyncadd.s32 $0xFFFFD800  }
0x2b: {  	[spmem:s3] =	stream.indirect.scatter.add.f32 [tilespmem:s19], [sflag:$0x2], $0x80, s17, s18, $0xb8;
	[tilespmem:$0x16180] =	vst v63  }
0x2c: {  	_ =	swait.ge [sflag:s16], $0x2800  }
0x2d: {  	s23 =	simm.s32 $0x14;
	s22 =	simm.s32 $0xA;
	[sflag:s16] =	ssyncset.done $0x0  }
.LBB2_2:
0x2e: {  	s24 =	sadd.s32 s22, s11  }
0x2f: {  	[sflag:s16] =	ssyncadd.s32 $0xFFFFD800;
	s25 =	smov.u32 s23;
	s26 =	sadd.s32 $0xA, s23  }
0x30: {  	[tilespmem:s15], [sflag:$0x2] =	stream.linear.gather [hbm4b:s24+s4], $0x50, $0x38;
	[tilespmem:$0x16180] =	vst v63  }
0x31: {  	p1 =	sne.s32 s23, $0x4D8;
	_ =	swait.ge [sflag:s16], $0x50  }
0x32: {  	[sflag:s16] =	ssyncset.done $0x0  }
0x33: {  	s23 =	sadd.s32 s22, s10;
	s22 =	smov.u32 s25;
	[sflag:s16] =	ssyncadd.s32 $0xFFFFFFB0  }
0x34: {  	[tilespmem:s17], [sflag:$0x2] =	stream.linear.gather [hbm4b:s23+s4], $0x50, $0x38;
	[tilespmem:$0x16180] =	vst v63  }
0x35: {  	_ =	swait.ge [sflag:s16], $0x50  }
0x36: {  	[sflag:s16] =	ssyncset.done $0x0  }
0x37: {  	[sflag:s16] =	ssyncadd.s32 $0xFFFFFFB0  }
0x38: {  	[tilespmem:s19], [sflag:$0x1] =	stream.indirect.gather [hbm4b:s0+s18], $0x80, s15, s18, $0xb8;
	[tilespmem:$0x16180] =	vst v63  }
0x39: {  	_ =	swait.ge [sflag:s20], $0x2800  }
.Ltmp0:
0x3a: {  	[sflag:s20] =	ssyncset.done $0x0;
	(pc) =	sbr.rel @p1 .LBB2_2-.Ltmp0, $4  }
0x3b: {  	[sflag:s20] =	ssyncadd.s32 $0xFFFFD800  }
0x3c: {  	[spmem:s3] =	stream.indirect.scatter.add.f32 [tilespmem:s19], [sflag:$0x2], $0x80, s17, s18, $0xb8;
	[tilespmem:$0x16180] =	vst v63  }
0x3d: {  	_ =	swait.ge [sflag:s16], $0x2800  }
0x3e: {  	s23 =	smov.u32 s26;
	[sflag:s16] =	ssyncset.done $0x0  }
0x3f: {  	s23 =	sadd.s32 s22, s11;
	[sflag:s16] =	ssyncadd.s32 $0xFFFFD800  }
0x40: {  	[tilespmem:s15], [sflag:$0x2] =	stream.linear.gather [hbm4b:s23+s4], $0x50, $0x38;
	[tilespmem:$0x16180] =	vst v63  }
0x41: {  	_ =	swait.ge [sflag:s16], $0x50  }
0x42: {  	[sflag:s16] =	ssyncset.done $0x0  }
0x43: {  	s31 =	sadd.s32 s22, s10;
	[sflag:s16] =	ssyncadd.s32 $0xFFFFFFB0  }
0x44: {  	[tilespmem:s17], [sflag:$0x2] =	stream.linear.gather [hbm4b:s31+s4], $0x50, $0x38;
	[tilespmem:$0x16180] =	vst v63  }
0x45: {  	_ =	swait.ge [sflag:s16], $0x50  }
0x46: {  	[sflag:s16] =	ssyncset.done $0x0  }
0x47: {  	[sflag:s16] =	ssyncadd.s32 $0xFFFFFFB0  }
0x48: {  	[tilespmem:s19], [sflag:$0x1] =	stream.indirect.gather [hbm4b:s0+s18], $0x80, s15, s18, $0xb8;
	[tilespmem:$0x16180] =	vst v63  }
0x49: {  	_ =	swait.ge [sflag:s20], $0x2800  }
0x4a: {  	[sflag:s20] =	ssyncset.done $0x0  }
0x4b: {  	[sflag:s20] =	ssyncadd.s32 $0xFFFFD800  }
0x4c: {  	[spmem:s3] =	stream.indirect.scatter.add.f32 [tilespmem:s19], [sflag:$0x2], $0x80, s17, s18, $0xb8;
	[tilespmem:$0x16180] =	vst v63  }
0x4d: {  	_ =	swait.ge [sflag:s16], $0x2800  }
0x4e: {  	[sflag:s16] =	ssyncset.done $0x0  }
0x4f: {  	[sflag:s16] =	ssyncadd.s32 $0xFFFFD800  }
0x50: {  	s22 =	simm.s32 @p0 $0x1FC2;
	[bflag:$0x0] =	sbarrier.arrive $0xFFFF  }
0x51: {  	[hbm:s8], [sflag:s22] =	dma.local @p0 [spmem:s12], $0x2080  }
0x52: {  	s22 =	simm.s32 @p0 $0x2  }
0x53: {  	s21 =	sadd.s32 $0x1, s21;
	_ =	swait.ge @p0 [sflag:s22], $0x2080  }
0x54: {  	p1 =	sne.s32 s21, s9;
	[sflag:s22] =	ssyncset.done @p0 $0x0  }
.Ltmp1:
0x55: {  	[sflag:s22] =	ssyncadd.s32 @p0 $0xFFFFDF80;
	s22 =	simm.s32 @!p0 $0x2;
	(pc) =	sbr.rel @p1 .LBB2_1-.Ltmp1, $4  }
0x56: {  	[hbm:s7], [sflag:s13] =	dma.local @!p0 [spmem:s14], $0x2780  }
0x57: {  	_ =	swait.ge @!p0 [sflag:s22], $0x2780  }
0x58: {  	[sflag:s22] =	ssyncset.done @!p0 $0x0  }
0x59: {  	[sflag:s22] =	ssyncadd.s32 @!p0 $0xFFFFD880  }
0x5a: {  	_ =	sfence.sel $0x180000  }
0x5b: {  	[bflag:$0x0] =	sbarrier.arrive $0xFFFF  }
0x5c: {  	p0 =	sne.s32 s2, $0x0;
	_ =	strace $0x90000047  }
0x5d: {  	s0 =	sadd.s32 @!p0 $0x100000, s1;
	[bflag:$0x2] =	sbarrier.arrive $0xFFFF  }
0x5e: {  	[sflag:s0] =	ssyncadd.tile.s32 @!p0 $0x1;
	_ =	shalt  }
.Lfunc_end2:
_tile_overlayer_lowered:
.L_overlay_start_2:
0x5f: {  	(tag) =	ssettag $0x2  }
0x60: {  	s0 =	rddreg [dreg:$0x0];
	s2 =	stileid.u32  }
0x61: {  	s1 =	rddreg [dreg:$0x1];
	p0 =	sne.s32 s2, $0x0  }
0x62: {  	s3 =	rddreg [dreg:$0x2];
	[bflag:$0x3] =	sbarrier.arrive $0xFFFF;
	s2 =	simm.s32 @!p0 $0x1C02  }
0x63: {  	[timem:s3], [sflag:s2] =	dma.local @!p0 [hbm:s0], s1  }
0x64: {  	s0 =	simm.s32 @!p0 $0x2  }
0x65: {  	_ =	swait.ge @!p0 [sflag:s0], s1  }
0x66: {  	s1 =	ssub.s32 @!p0 $0x0, s1;
	[sflag:s0] =	ssyncset.done @!p0 $0x0  }
0x67: {  	[sflag:s0] =	ssyncadd.s32 @!p0 s1  }
0x68: {  	[bflag:$0x3] =	sbarrier.arrive $0xFFFF  }
0x69: {  	_ =	shalt  }

// kernel: kernel.25.cloned.1.call-start
scs
__scs_entry_jumppad:
0x0: {  	(pc) =	sbr.rel $0x88, $3  }
0x1: {  	(tag) =	ssettag $0x0;
	lr =	simm.s32 $0x1  }
0x2: {  	[smem:$0x3F97] =	sst lr;
	_ =	strace $0xD0000000  }
0x3: {  	_ = 	snop  }
0x4: {  	_ = 	snop  }
0x5: {  	_ = 	snop  }
0x6: {  	_ = 	snop  }
0x7: {  	_ = 	snop  }
__scs_overlays_trampoline_lowered:
0x8: {  	[smem:$0x3FA6] =	sst s0  }
0x9: {  	[smem:$0x3FA7] =	sst s1  }
0xa: {  	[smem:$0x3FA8] =	sst s2  }
0xb: {  	[smem:$0x3FA9] =	sst s3  }
0xc: {  	[smem:$0x3FAA] =	sst s4  }
0xd: {  	[smem:$0x3FAB] =	sst s5  }
0xe: {  	[smem:$0x3FAC] =	sst s6  }
0xf: {  	[smem:$0x3FAD] =	sst s7  }
0x10: {  	[smem:$0x3FAE] =	sst s8  }
0x11: {  	[smem:$0x3FAF] =	sst s9;
	s0 =	simm.s32 @!p0 $0x0  }
0x12: {  	s1 =	sld [smem:$0x3F95];
	s0 =	simm.s32 @p0 $0x1  }
0x13: {  	[smem:$0x3FB0] =	sst s0;
	s0 =	simm.s32 @!p1 $0x0  }
0x14: {  	s2 =	sld [smem:$0x3F94];
	s0 =	simm.s32 @p1 $0x1  }
0x15: {  	[smem:$0x3FB1] =	sst s0;
	s0 =	simm.s32 @!p2 $0x0  }
0x16: {  	s3 =	sld [smem:$0x3FDB];
	s0 =	simm.s32 @p2 $0x1  }
0x17: {  	s4 =	simm.s32 $0x1BF5;
	[smem:$0x3FB3] =	sst s0  }
0x18: {  	s0 =	sld [smem:$0x3F96];
	_ =	swait.ge [sflag:s4], $0x0  }
0x19: {  	s7 =	sld [smem:$0x3F97]  }
0x1a: {  	s8 =	sadd.s32 $0xFFFFE003, lr  }
0x1b: {  	s9 =	sadd.s32 $0xFFFFFEF7, lr;
	s5 =	simm.s32 $0xFFFFFFFF;
	p2 =	slt.u32 s8, $0xFFFFF086  }
0x1c: {  	p1 =	slt.u32 s9, $0xF7A;
	s5 =	simm.s32 @!p2 $0x0  }
0x1d: {  	s5 =	simm.s32 @p1 $0x1;
	p0 =	seq.s32 s7, s2  }
0x1e: {  	s7 =	smul.u32 @!p0 $0xF7A, s2;
	p2 =	seq.s32 @!p0 s5, $0x0  }
0x1f: {  	s9 =	smul.u32 $0xF7A, s1;
	s8 =	simm.s32 @!p0 $0x1BF5;
	p2 =	por !p2, p0  }
0x20: {  	[sflag:s8] =	ssyncset.s32 @!p0 $0xFFFFF086;
	s6 =	sadd.s32 @!p0 s3, s7;
	s7 =	simm.s32 @!p0 $0x108  }
0x21: {  	s3 =	sadd.s32 s3, s9;
	s6 =	sadd.s32 @!p0 $0x88, s6;
	s7 =	simm.s32 @p2 $0x1082  }
0x22: {  	[simem:s7], [sflag:s8] =	dma.local @!p0 [hbm:s6], $0xF7A  }
0x23: {  	s9 =	sor.u32 $0xD0000000, s2;
	s6 =	simm.s32 $0x108;
	_ =	swait.ge @!p0 [sflag:s8], $0x0  }
0x24: {  	s3 =	sadd.s32 $0x88, s3;
	s6 =	simm.s32 @!p1 $0x1082;
	[sflag:s4] =	ssyncset.s32 $0xFFFFF086  }
0x25: {  	[simem:s6], [sflag:s4] =	dma.local [hbm:s3], $0xF7A  }
0x26: {  	[smem:$0x3F97] =	sst s1;
	(tag) =	ssettag s2;
	_ =	strace s9  }
0x27: {  	s1 =	sld [smem:$0x3FA7]  }
0x28: {  	s2 =	sld [smem:$0x3FA8]  }
0x29: {  	s4 =	sld [smem:$0x3FAA]  }
0x2a: {  	p0 =	seq.s32 s5, $0x0;
	s5 =	sld [smem:$0x3FAB]  }
0x2b: {  	s6 =	sld [smem:$0x3FAC]  }
0x2c: {  	s7 =	sld [smem:$0x3FAD]  }
0x2d: {  	s3 =	simm.s32 $0x108;
	s8 =	sld [smem:$0x3FAE]  }
0x2e: {  	s3 =	simm.s32 @!p0 $0x1082;
	s9 =	sld [smem:$0x3FAF]  }
0x2f: {  	lr =	sadd.s32 s0, s3;
	s0 =	sld [smem:$0x3FA6]  }
0x30: {  	s3 =	sld [smem:$0x3FA9]  }
0x31: {  	[smem:$0x3FB2] =	sst s10  }
0x32: {  	s10 =	sld [smem:$0x3FB0];
	_ =	sdelay $0x3  }
0x33: {  	p0 =	seq.s32 s10, $0x1;
	s10 =	sld [smem:$0x3FB2];
	_ =	sdelay $0x3  }
0x34: {  	[smem:$0x3FB2] =	sst s10  }
0x35: {  	s10 =	sld [smem:$0x3FB1];
	_ =	sdelay $0x3  }
0x36: {  	p1 =	seq.s32 s10, $0x1;
	s10 =	sld [smem:$0x3FB2];
	_ =	sdelay $0x3  }
0x37: {  	[smem:$0x3FB2] =	sst s10  }
0x38: {  	s10 =	sld [smem:$0x3FB3]  }
0x39: {  	_ = 	snop;
	(pc) =	sbr.ind lr, $3  }
0x3a: {  	_ = 	snop  }
0x3b: {  	_ = 	snop  }
0x3c: {  	p2 =	seq.s32 s10, $0x1;
	s10 =	sld [smem:$0x3FB2]  }
0x3d: {  	_ =	shalt  }
0x3e: {  	_ =	shalt  }
0x3f: {  	_ =	shalt  }
0x40: {  	_ =	shalt  }
0x41: {  	_ =	shalt  }
0x42: {  	_ =	shalt  }
0x43: {  	_ =	shalt  }
0x44: {  	_ =	shalt  }
0x45: {  	_ =	shalt  }
0x46: {  	_ =	shalt  }
0x47: {  	_ =	shalt  }
0x48: {  	_ =	shalt  }
0x49: {  	_ =	shalt  }
0x4a: {  	_ =	shalt  }
0x4b: {  	_ =	shalt  }
0x4c: {  	_ =	shalt  }
0x4d: {  	_ =	shalt  }
0x4e: {  	_ =	shalt  }
0x4f: {  	_ =	shalt  }
0x50: {  	_ =	shalt  }
0x51: {  	_ =	shalt  }
0x52: {  	_ =	shalt  }
0x53: {  	_ =	shalt  }
0x54: {  	_ =	shalt  }
0x55: {  	_ =	shalt  }
0x56: {  	_ =	shalt  }
0x57: {  	_ =	shalt  }
0x58: {  	_ =	shalt  }
0x59: {  	_ =	shalt  }
0x5a: {  	_ =	shalt  }
0x5b: {  	_ =	shalt  }
0x5c: {  	_ =	shalt  }
0x5d: {  	_ =	shalt  }
0x5e: {  	_ =	shalt  }
0x5f: {  	_ =	shalt  }
0x60: {  	_ =	shalt  }
0x61: {  	_ =	shalt  }
0x62: {  	_ =	shalt  }
0x63: {  	_ =	shalt  }
0x64: {  	_ =	shalt  }
0x65: {  	_ =	shalt  }
0x66: {  	_ =	shalt  }
0x67: {  	_ =	shalt  }
0x68: {  	_ =	shalt  }
0x69: {  	_ =	shalt  }
0x6a: {  	_ =	shalt  }
0x6b: {  	_ =	shalt  }
0x6c: {  	_ =	shalt  }
0x6d: {  	_ =	shalt  }
0x6e: {  	_ =	shalt  }
0x6f: {  	_ =	shalt  }
0x70: {  	_ =	shalt  }
0x71: {  	_ =	shalt  }
0x72: {  	_ =	shalt  }
0x73: {  	_ =	shalt  }
0x74: {  	_ =	shalt  }
0x75: {  	_ =	shalt  }
0x76: {  	_ =	shalt  }
0x77: {  	_ =	shalt  }
0x78: {  	_ =	shalt  }
0x79: {  	_ =	shalt  }
0x7a: {  	_ =	shalt  }
0x7b: {  	_ =	shalt  }
0x7c: {  	_ =	shalt  }
0x7d: {  	_ =	shalt  }
0x7e: {  	_ =	shalt  }
0x7f: {  	_ =	shalt  }
0x80: {  	_ =	shalt  }
0x81: {  	_ =	shalt  }
0x82: {  	_ =	shalt  }
0x83: {  	_ =	shalt  }
0x84: {  	_ =	shalt  }
0x85: {  	_ =	shalt  }
0x86: {  	_ =	shalt  }
0x87: {  	_ =	shalt  }
.Lfunc_end0:
.L_simem_size_0:
called_computation.1_lowered:
.L_overlay_start_0:
0x88: {  	s2 =	sld [smem:$0x3FD9]  }
0x89: {  	s3 =	sld [smem:$0x3FFE];
	_ =	sdelay $0x1  }
0x8a: {  	s1 =	srdreg.scid  }
0x8b: {  	s0 =	sand.u32 $0x1, s1  }
0x8c: {  	s17 =	sshll.u32 s0, $0xA;
	s2 =	sadd.s32 s3, s2  }
0x8d: {  	s2 =	sadd.s32 s2, s17  }
0x8e: {  	[smem:$0x3FBE] =	sst s2  }
0x8f: {  	_ = 	snop  }
0x90: {  	s2 =	sld [smem:$0x3FD0];
	(tm) =	ssettm $0x1  }
0x91: {  	s18 =	sld [smem:$0x3FFB];
	_ =	sdelay $0x3  }
0x92: {  	_ =	strace s18  }
0x93: {  	s3 =	sld [smem:$0x3FFC];
	_ =	sdelay $0x3  }
0x94: {  	_ =	strace s3  }
0x95: {  	s3 =	sld [smem:$0x3FFD];
	_ =	sdelay $0x3  }
0x96: {  	_ =	strace s3  }
0x97: {  	_ =	strace $0x8FFFFFFF  }
0x98: {  	s19 =	sld [smem:$0x3FDB];
	_ =	sdelay $0x1  }
0x99: {  	s4 =	simm.s32 $_scs_section_size  }
0x9a: {  	s5 =	simm.s32 $_size__tile_overlayer_lowered;
	s6 =	simm.s32 $_tile_overlayer_lowered  }
0x9b: {  	s22 =	simm.s32 $0x1BFF;
	s21 =	sshll.u32 s6, $0x1;
	s3 =	sadd.s32 s4, s19  }
0x9c: {  	s7 =	simm.s32 $0x0;
	s20 =	sshll.u32 s5, $0x1;
	s5 =	sadd.s32 s21, s3  }
0x9d: {  	[timem:s7], [sflag:s22] =	dma.local [hbm:s5], s20  }
0x9e: {  	_ =	swait.ge [sflag:s22], s20  }
0x9f: {  	s4 =	ssub.s32 $0x0, s20;
	[sflag:s22] =	ssyncset.done $0x0  }
0xa0: {  	[sflag:s22] =	ssyncadd.s32 s4;
	_ =	sdelay $0x1  }
0xa1: {  	s23 =	simm.s32 $0x1B8B  }
0xa2: {  	_ =	swait.ge [sflag:s23], $0x1  }
0xa3: {  	[sflag:s23] =	ssyncset.done $0x0  }
0xa4: {  	s25 =	simm.s32 $0x1B8E;
	s24 =	sld [smem:$0x3FFE];
	[sflag:s23] =	ssyncadd.s32 $0xFFFFFFFF  }
0xa5: {  	s26 =	simm.s32 $execute0_lowered;
	[smem:$0x3FD2] =	sst s25  }
0xa6: {  	s5 =	sshll.u32 s26, $0x1;
	_ =	strace $0x80000049;
	[dreg:$0x1] =	wrdreg $0xFFFFFFFF  }
0xa7: {  	s28 =	simm.s32 $_size_execute0_lowered;
	s3 =	sadd.s32 s3, s5;
	[dreg:$0x0] =	wrdreg $0x0  }
0xa8: {  	s5 =	sshll.u32 s28, $0x1;
	[dreg:$0x2] =	wrdreg s3  }
0xa9: {  	[dreg:$0x3] =	wrdreg s5  }
0xaa: {  	[dreg:$0x4] =	wrdreg $0xC0  }
0xab: {  	_ =	task [dreg:s7], $0x5FFFF  }
0xac: {  	[dreg:$0x1] =	wrdreg $0xFFFFFFFF  }
0xad: {  	[dreg:$0x0] =	wrdreg $0x60  }
0xae: {  	[dreg:$0x2] =	wrdreg s24  }
0xaf: {  	[dreg:$0x3] =	wrdreg s2  }
0xb0: {  	[dreg:$0x4] =	wrdreg $0x0  }
0xb1: {  	[dreg:$0x5] =	wrdreg $0x9  }
0xb2: {  	_ =	task.clear_ibuf [dreg:s7], $0x6FFFF;
	_ =	strace $0x90000049  }
0xb3: {  	s29 =	simm.s32 $0x9;
	_ =	strace $0x8000004B  }
0xb4: {  	_ =	swait.ge [sflag:s29], $0x1  }
0xb5: {  	[sflag:s29] =	ssyncadd.s32 $0xFFFFFFFF  }
0xb6: {  	_ =	strace $0x9000004B  }
0xb7: {  	_ =	sfence  }
0xb8: {  	s30 =	sld [smem:$0x0];
	_ =	sdelay $0x2  }
0xb9: {  	s31 =	sshll.u32 s1, $0xD;
	s1 =	sshrl.u32 s1, $0x2  }
0xba: {  	s3 =	sand.u32 $0x4000, s31;
	s1 =	sadd.s32 s1, s30  }
0xbb: {  	s0 =	sor.u32 s3, s0;
	s1 =	sshll.u32 s1, $0x11  }
0xbc: {  	s0 =	sor.u32 s1, s0  }
0xbd: {  	s0 =	sadd.s32 $0x8F2B, s0  }
0xbe: {  	[sflag:s0] =	ssyncadd.remote.s32 $0x1  }
0xbf: {  	_ =	sfence.sel $0xFFFF  }
0xc0: {  	[dreg:$0x0] =	wrdreg $0xFFFFFFFF;
	(pc) =	sbr.abs _section_cstart, $3  }
0xc1: {  	[dreg:$0x1] =	wrdreg $0xFFFFFFFF  }
0xc2: {  	_ =	task.clear_ibuf [dreg:s7], $0x2FFFF;
	_ =	strace $0x9FFFFFFF  }
0xc3: {  	(tm) =	ssettm $0x7FFFFFFF  }
tec
execute0_lowered:
.L_overlay_start_1:
0x0: {  	(tag) =	ssettag $0x1  }
0x1: {  	s6 =	rddreg [dreg:$0x0]  }
0x2: {  	s10 =	rddreg [dreg:$0x1];
	s0 =	srdreg.scid  }
0x3: {  	s2 =	rddreg [dreg:$0x2];
	s1 =	stileid.u32;
	s3 =	simm.s32 $0x0  }
0x4: {  	s17 =	simm.s32 $0x13900;
	s18 =	simm.s32 $0x50;
	s19 =	simm.s32 $0x13980  }
0x5: {  	s20 =	simm.s32 $0x1;
	s21 =	simm.s32 $0x0;
	s8 =	smul.u32 $0x2710, s1  }
0x6: {  	s5 =	sand.u32 $0x1, s0;
	s0 =	rddreg [dreg:$0x3];
	s9 =	smul.u32 $0x2780, s1  }
0x7: {  	[smem:$0x7FF] =	sst s3;
	s4 =	sadd.s32 $0x36A00, s6;
	s26 =	smul.u32 $0x4F000, s1  }
0x8: {  	s14 =	smul.u32 $0x13C00, s1;
	s15 =	sadd.s32 $0x5DC00, s6;
	p0 =	seq.s32 s1, $0xF  }
0x9: {  	s7 =	smul.u32 $0x27100, s5;
	_ =	strace $0x8000004A;
	s28 =	ssub.s32 $0x2, s5  }
0xa: {  	s13 =	smul.u32 $0x138800, s5;
	s25 =	sadd.s32 s9, s6;
	s29 =	sshrl.u32 s28, $0x1  }
0xb: {  	s7 =	sadd.s32 s8, s7;
	s9 =	ssub.s32 s28, s29;
	s5 =	sadd.s32 $0xF800, s25  }
0xc: {  	s30 =	sadd.s32 s14, s13;
	s31 =	sshrl.u32 s13, $0x3;
	s13 =	sadd.s32 $0x128400, s2  }
0xd: {  	s11 =	sshrl.u32 s7, $0x3;
	s7 =	sshrl.u32 s26, $0x2;
	s8 =	sadd.s32 s15, s31  }
0xe: {  	s9 =	smax.u32 s9, $0x1;
	s12 =	sadd.s32 s11, s6;
	s16 =	sadd.s32 s7, s2  }
0xf: {  	s7 =	sshrl.u32 s30, $0x3;
	s6 =	sadd.s32 $0x34880, s6;
	s8 =	sadd.s32 $0x25080, s8  }
0x10: {  	s10 =	sadd.s32 s11, s10;
	s7 =	sadd.s32 s15, s7;
	s11 =	sadd.s32 $0x5A00, s12  }
0x11: {  	s12 =	sshrl.u32 @p0 s13, $0x3;
	s13 =	sshll.u32 @!p0 s1, $0x6;
	s14 =	sshrl.u32 @!p0 s16, $0x3  }
0x12: {  	s15 =	simm.s32 $0x13880;
	s16 =	simm.s32 $0x2;
	s13 =	sor.u32 @!p0 $0x1C02, s13  }
.LBB2_1:
0x13: {  	s22 =	simm.s32 @p0 $0x1FC2  }
0x14: {  	[spmem:s12], [sflag:s22] =	dma.local @p0 [hbm:s6], $0x2080  }
0x15: {  	s22 =	simm.s32 @p0 $0x2  }
0x16: {  	_ =	swait.ge @p0 [sflag:s22], $0x2080  }
0x17: {  	[sflag:s22] =	ssyncset.done @p0 $0x0  }
0x18: {  	[sflag:s22] =	ssyncadd.s32 @p0 $0xFFFFDF80;
	s22 =	simm.s32 @!p0 $0x2  }
0x19: {  	[spmem:s14], [sflag:s13] =	dma.local @!p0 [hbm:s5], $0x2780  }
0x1a: {  	_ =	swait.ge @!p0 [sflag:s22], $0x2780  }
0x1b: {  	[sflag:s22] =	ssyncset.done @!p0 $0x0  }
0x1c: {  	[sflag:s22] =	ssyncadd.s32 @!p0 $0xFFFFD880  }
0x1d: {  	s30 =	sadd.s32 $0x0, s11;
	[bflag:$0x0] =	sbarrier.arrive $0xFFFF  }
0x1e: {  	[tilespmem:s15], [sflag:$0x2] =	stream.linear.gather [hbm4b:s30+s3], $0x50, $0x38;
	[tilespmem:$0x16180] =	vst v63  }
0x1f: {  	_ =	swait.ge [sflag:s16], $0x50  }
0x20: {  	[sflag:s16] =	ssyncset.done $0x0  }
0x21: {  	s31 =	sadd.s32 $0x0, s10;
	[sflag:s16] =	ssyncadd.s32 $0xFFFFFFB0  }
0x22: {  	[tilespmem:s17], [sflag:$0x2] =	stream.linear.gather [hbm4b:s31+s3], $0x50, $0x38;
	[tilespmem:$0x16180] =	vst v63  }
0x23: {  	_ =	swait.ge [sflag:s16], $0x50  }
0x24: {  	[sflag:s16] =	ssyncset.done $0x0  }
0x25: {  	[sflag:s16] =	ssyncadd.s32 $0xFFFFFFB0  }
0x26: {  	[tilespmem:s19], [sflag:$0x1] =	stream.indirect.gather [hbm4b:s4+s18], $0x80, s15, s18, $0xb8;
	[tilespmem:$0x16180] =	vst v63  }
0x27: {  	_ =	swait.ge [sflag:s20], $0x2800  }
0x28: {  	[sflag:s20] =	ssyncset.done $0x0  }
0x29: {  	[sflag:s20] =	ssyncadd.s32 $0xFFFFD800  }
0x2a: {  	[spmem:s2] =	stream.indirect.scatter.add.f32 [tilespmem:s19], [sflag:$0x2], $0x80, s17, s18, $0xb8;
	[tilespmem:$0x16180] =	vst v63  }
0x2b: {  	_ =	swait.ge [sflag:s16], $0x2800  }
0x2c: {  	s23 =	simm.s32 $0x14;
	s22 =	simm.s32 $0xA;
	[sflag:s16] =	ssyncset.done $0x0  }
.LBB2_2:
0x2d: {  	s24 =	sadd.s32 s22, s11  }
0x2e: {  	[sflag:s16] =	ssyncadd.s32 $0xFFFFD800;
	s25 =	smov.u32 s23;
	s26 =	sadd.s32 $0xA, s23  }
0x2f: {  	[tilespmem:s15], [sflag:$0x2] =	stream.linear.gather [hbm4b:s24+s3], $0x50, $0x38;
	[tilespmem:$0x16180] =	vst v63  }
0x30: {  	p1 =	sne.s32 s23, $0x4D8;
	_ =	swait.ge [sflag:s16], $0x50  }
0x31: {  	[sflag:s16] =	ssyncset.done $0x0  }
0x32: {  	s23 =	sadd.s32 s22, s10;
	s22 =	smov.u32 s25;
	[sflag:s16] =	ssyncadd.s32 $0xFFFFFFB0  }
0x33: {  	[tilespmem:s17], [sflag:$0x2] =	stream.linear.gather [hbm4b:s23+s3], $0x50, $0x38;
	[tilespmem:$0x16180] =	vst v63  }
0x34: {  	_ =	swait.ge [sflag:s16], $0x50  }
0x35: {  	[sflag:s16] =	ssyncset.done $0x0  }
0x36: {  	[sflag:s16] =	ssyncadd.s32 $0xFFFFFFB0  }
0x37: {  	[tilespmem:s19], [sflag:$0x1] =	stream.indirect.gather [hbm4b:s4+s18], $0x80, s15, s18, $0xb8;
	[tilespmem:$0x16180] =	vst v63  }
0x38: {  	_ =	swait.ge [sflag:s20], $0x2800  }
.Ltmp0:
0x39: {  	[sflag:s20] =	ssyncset.done $0x0;
	(pc) =	sbr.rel @p1 .LBB2_2-.Ltmp0, $4  }
0x3a: {  	[sflag:s20] =	ssyncadd.s32 $0xFFFFD800  }
0x3b: {  	[spmem:s2] =	stream.indirect.scatter.add.f32 [tilespmem:s19], [sflag:$0x2], $0x80, s17, s18, $0xb8;
	[tilespmem:$0x16180] =	vst v63  }
0x3c: {  	_ =	swait.ge [sflag:s16], $0x2800  }
0x3d: {  	s23 =	smov.u32 s26;
	[sflag:s16] =	ssyncset.done $0x0  }
0x3e: {  	s23 =	sadd.s32 s22, s11;
	[sflag:s16] =	ssyncadd.s32 $0xFFFFD800  }
0x3f: {  	[tilespmem:s15], [sflag:$0x2] =	stream.linear.gather [hbm4b:s23+s3], $0x50, $0x38;
	[tilespmem:$0x16180] =	vst v63  }
0x40: {  	_ =	swait.ge [sflag:s16], $0x50  }
0x41: {  	[sflag:s16] =	ssyncset.done $0x0  }
0x42: {  	s31 =	sadd.s32 s22, s10;
	[sflag:s16] =	ssyncadd.s32 $0xFFFFFFB0  }
0x43: {  	[tilespmem:s17], [sflag:$0x2] =	stream.linear.gather [hbm4b:s31+s3], $0x50, $0x38;
	[tilespmem:$0x16180] =	vst v63  }
0x44: {  	_ =	swait.ge [sflag:s16], $0x50  }
0x45: {  	[sflag:s16] =	ssyncset.done $0x0  }
0x46: {  	[sflag:s16] =	ssyncadd.s32 $0xFFFFFFB0  }
0x47: {  	[tilespmem:s19], [sflag:$0x1] =	stream.indirect.gather [hbm4b:s4+s18], $0x80, s15, s18, $0xb8;
	[tilespmem:$0x16180] =	vst v63  }
0x48: {  	_ =	swait.ge [sflag:s20], $0x2800  }
0x49: {  	[sflag:s20] =	ssyncset.done $0x0  }
0x4a: {  	[sflag:s20] =	ssyncadd.s32 $0xFFFFD800  }
0x4b: {  	[spmem:s2] =	stream.indirect.scatter.add.f32 [tilespmem:s19], [sflag:$0x2], $0x80, s17, s18, $0xb8;
	[tilespmem:$0x16180] =	vst v63  }
0x4c: {  	_ =	swait.ge [sflag:s16], $0x2800  }
0x4d: {  	[sflag:s16] =	ssyncset.done $0x0  }
0x4e: {  	[sflag:s16] =	ssyncadd.s32 $0xFFFFD800  }
0x4f: {  	s22 =	simm.s32 @p0 $0x1FC2;
	[bflag:$0x0] =	sbarrier.arrive $0xFFFF  }
0x50: {  	[hbm:s8], [sflag:s22] =	dma.local @p0 [spmem:s12], $0x2080  }
0x51: {  	s22 =	simm.s32 @p0 $0x2  }
0x52: {  	s21 =	sadd.s32 $0x1, s21;
	_ =	swait.ge @p0 [sflag:s22], $0x2080  }
0x53: {  	p1 =	sne.s32 s21, s9;
	[sflag:s22] =	ssyncset.done @p0 $0x0  }
.Ltmp1:
0x54: {  	[sflag:s22] =	ssyncadd.s32 @p0 $0xFFFFDF80;
	s22 =	simm.s32 @!p0 $0x2;
	(pc) =	sbr.rel @p1 .LBB2_1-.Ltmp1, $4  }
0x55: {  	[hbm:s7], [sflag:s13] =	dma.local @!p0 [spmem:s14], $0x2780  }
0x56: {  	_ =	swait.ge @!p0 [sflag:s22], $0x2780  }
0x57: {  	[sflag:s22] =	ssyncset.done @!p0 $0x0  }
0x58: {  	[sflag:s22] =	ssyncadd.s32 @!p0 $0xFFFFD880  }
0x59: {  	_ =	sfence.sel $0x180000  }
0x5a: {  	[bflag:$0x0] =	sbarrier.arrive $0xFFFF  }
0x5b: {  	p0 =	sne.s32 s1, $0x0;
	_ =	strace $0x9000004A  }
0x5c: {  	s0 =	sadd.s32 @!p0 $0x100000, s0;
	[bflag:$0x2] =	sbarrier.arrive $0xFFFF  }
0x5d: {  	[sflag:s0] =	ssyncadd.tile.s32 @!p0 $0x1;
	_ =	shalt  }
.Lfunc_end2:
_tile_overlayer_lowered:
.L_overlay_start_2:
0x5e: {  	(tag) =	ssettag $0x2  }
0x5f: {  	s0 =	rddreg [dreg:$0x0];
	s2 =	stileid.u32  }
0x60: {  	s1 =	rddreg [dreg:$0x1];
	p0 =	sne.s32 s2, $0x0  }
0x61: {  	s3 =	rddreg [dreg:$0x2];
	[bflag:$0x3] =	sbarrier.arrive $0xFFFF;
	s2 =	simm.s32 @!p0 $0x1C02  }
0x62: {  	[timem:s3], [sflag:s2] =	dma.local @!p0 [hbm:s0], s1  }
0x63: {  	s0 =	simm.s32 @!p0 $0x2  }
0x64: {  	_ =	swait.ge @!p0 [sflag:s0], s1  }
0x65: {  	s1 =	ssub.s32 @!p0 $0x0, s1;
	[sflag:s0] =	ssyncset.done @!p0 $0x0  }
0x66: {  	[sflag:s0] =	ssyncadd.s32 @!p0 s1  }
0x67: {  	[bflag:$0x3] =	sbarrier.arrive $0xFFFF  }
0x68: {  	_ =	shalt  }

// kernel: kernel.28.cloned.1.call-start
scs
__scs_entry_jumppad:
0x0: {  	(pc) =	sbr.rel $0x88, $3  }
0x1: {  	(tag) =	ssettag $0x0;
	lr =	simm.s32 $0x1  }
0x2: {  	[smem:$0x3F97] =	sst lr;
	_ =	strace $0xD0000000  }
0x3: {  	_ = 	snop  }
0x4: {  	_ = 	snop  }
0x5: {  	_ = 	snop  }
0x6: {  	_ = 	snop  }
0x7: {  	_ = 	snop  }
__scs_overlays_trampoline_lowered:
0x8: {  	[smem:$0x3FA6] =	sst s0  }
0x9: {  	[smem:$0x3FA7] =	sst s1  }
0xa: {  	[smem:$0x3FA8] =	sst s2  }
0xb: {  	[smem:$0x3FA9] =	sst s3  }
0xc: {  	[smem:$0x3FAA] =	sst s4  }
0xd: {  	[smem:$0x3FAB] =	sst s5  }
0xe: {  	[smem:$0x3FAC] =	sst s6  }
0xf: {  	[smem:$0x3FAD] =	sst s7  }
0x10: {  	[smem:$0x3FAE] =	sst s8  }
0x11: {  	[smem:$0x3FAF] =	sst s9;
	s0 =	simm.s32 @!p0 $0x0  }
0x12: {  	s1 =	sld [smem:$0x3F95];
	s0 =	simm.s32 @p0 $0x1  }
0x13: {  	[smem:$0x3FB0] =	sst s0;
	s0 =	simm.s32 @!p1 $0x0  }
0x14: {  	s2 =	sld [smem:$0x3F94];
	s0 =	simm.s32 @p1 $0x1  }
0x15: {  	[smem:$0x3FB1] =	sst s0;
	s0 =	simm.s32 @!p2 $0x0  }
0x16: {  	s3 =	sld [smem:$0x3FDB];
	s0 =	simm.s32 @p2 $0x1  }
0x17: {  	s4 =	simm.s32 $0x1BF5;
	[smem:$0x3FB3] =	sst s0  }
0x18: {  	s0 =	sld [smem:$0x3F96];
	_ =	swait.ge [sflag:s4], $0x0  }
0x19: {  	s7 =	sld [smem:$0x3F97]  }
0x1a: {  	s8 =	sadd.s32 $0xFFFFE003, lr  }
0x1b: {  	s9 =	sadd.s32 $0xFFFFFEF7, lr;
	s5 =	simm.s32 $0xFFFFFFFF;
	p2 =	slt.u32 s8, $0xFFFFF086  }
0x1c: {  	p1 =	slt.u32 s9, $0xF7A;
	s5 =	simm.s32 @!p2 $0x0  }
0x1d: {  	s5 =	simm.s32 @p1 $0x1;
	p0 =	seq.s32 s7, s2  }
0x1e: {  	s7 =	smul.u32 @!p0 $0xF7A, s2;
	p2 =	seq.s32 @!p0 s5, $0x0  }
0x1f: {  	s9 =	smul.u32 $0xF7A, s1;
	s8 =	simm.s32 @!p0 $0x1BF5;
	p2 =	por !p2, p0  }
0x20: {  	[sflag:s8] =	ssyncset.s32 @!p0 $0xFFFFF086;
	s6 =	sadd.s32 @!p0 s3, s7;
	s7 =	simm.s32 @!p0 $0x108  }
0x21: {  	s3 =	sadd.s32 s3, s9;
	s6 =	sadd.s32 @!p0 $0x88, s6;
	s7 =	simm.s32 @p2 $0x1082  }
0x22: {  	[simem:s7], [sflag:s8] =	dma.local @!p0 [hbm:s6], $0xF7A  }
0x23: {  	s9 =	sor.u32 $0xD0000000, s2;
	s6 =	simm.s32 $0x108;
	_ =	swait.ge @!p0 [sflag:s8], $0x0  }
0x24: {  	s3 =	sadd.s32 $0x88, s3;
	s6 =	simm.s32 @!p1 $0x1082;
	[sflag:s4] =	ssyncset.s32 $0xFFFFF086  }
0x25: {  	[simem:s6], [sflag:s4] =	dma.local [hbm:s3], $0xF7A  }
0x26: {  	[smem:$0x3F97] =	sst s1;
	(tag) =	ssettag s2;
	_ =	strace s9  }
0x27: {  	s1 =	sld [smem:$0x3FA7]  }
0x28: {  	s2 =	sld [smem:$0x3FA8]  }
0x29: {  	s4 =	sld [smem:$0x3FAA]  }
0x2a: {  	p0 =	seq.s32 s5, $0x0;
	s5 =	sld [smem:$0x3FAB]  }
0x2b: {  	s6 =	sld [smem:$0x3FAC]  }
0x2c: {  	s7 =	sld [smem:$0x3FAD]  }
0x2d: {  	s3 =	simm.s32 $0x108;
	s8 =	sld [smem:$0x3FAE]  }
0x2e: {  	s3 =	simm.s32 @!p0 $0x1082;
	s9 =	sld [smem:$0x3FAF]  }
0x2f: {  	lr =	sadd.s32 s0, s3;
	s0 =	sld [smem:$0x3FA6]  }
0x30: {  	s3 =	sld [smem:$0x3FA9]  }
0x31: {  	[smem:$0x3FB2] =	sst s10  }
0x32: {  	s10 =	sld [smem:$0x3FB0];
	_ =	sdelay $0x3  }
0x33: {  	p0 =	seq.s32 s10, $0x1;
	s10 =	sld [smem:$0x3FB2];
	_ =	sdelay $0x3  }
0x34: {  	[smem:$0x3FB2] =	sst s10  }
0x35: {  	s10 =	sld [smem:$0x3FB1];
	_ =	sdelay $0x3  }
0x36: {  	p1 =	seq.s32 s10, $0x1;
	s10 =	sld [smem:$0x3FB2];
	_ =	sdelay $0x3  }
0x37: {  	[smem:$0x3FB2] =	sst s10  }
0x38: {  	s10 =	sld [smem:$0x3FB3]  }
0x39: {  	_ = 	snop;
	(pc) =	sbr.ind lr, $3  }
0x3a: {  	_ = 	snop  }
0x3b: {  	_ = 	snop  }
0x3c: {  	p2 =	seq.s32 s10, $0x1;
	s10 =	sld [smem:$0x3FB2]  }
0x3d: {  	_ =	shalt  }
0x3e: {  	_ =	shalt  }
0x3f: {  	_ =	shalt  }
0x40: {  	_ =	shalt  }
0x41: {  	_ =	shalt  }
0x42: {  	_ =	shalt  }
0x43: {  	_ =	shalt  }
0x44: {  	_ =	shalt  }
0x45: {  	_ =	shalt  }
0x46: {  	_ =	shalt  }
0x47: {  	_ =	shalt  }
0x48: {  	_ =	shalt  }
0x49: {  	_ =	shalt  }
0x4a: {  	_ =	shalt  }
0x4b: {  	_ =	shalt  }
0x4c: {  	_ =	shalt  }
0x4d: {  	_ =	shalt  }
0x4e: {  	_ =	shalt  }
0x4f: {  	_ =	shalt  }
0x50: {  	_ =	shalt  }
0x51: {  	_ =	shalt  }
0x52: {  	_ =	shalt  }
0x53: {  	_ =	shalt  }
0x54: {  	_ =	shalt  }
0x55: {  	_ =	shalt  }
0x56: {  	_ =	shalt  }
0x57: {  	_ =	shalt  }
0x58: {  	_ =	shalt  }
0x59: {  	_ =	shalt  }
0x5a: {  	_ =	shalt  }
0x5b: {  	_ =	shalt  }
0x5c: {  	_ =	shalt  }
0x5d: {  	_ =	shalt  }
0x5e: {  	_ =	shalt  }
0x5f: {  	_ =	shalt  }
0x60: {  	_ =	shalt  }
0x61: {  	_ =	shalt  }
0x62: {  	_ =	shalt  }
0x63: {  	_ =	shalt  }
0x64: {  	_ =	shalt  }
0x65: {  	_ =	shalt  }
0x66: {  	_ =	shalt  }
0x67: {  	_ =	shalt  }
0x68: {  	_ =	shalt  }
0x69: {  	_ =	shalt  }
0x6a: {  	_ =	shalt  }
0x6b: {  	_ =	shalt  }
0x6c: {  	_ =	shalt  }
0x6d: {  	_ =	shalt  }
0x6e: {  	_ =	shalt  }
0x6f: {  	_ =	shalt  }
0x70: {  	_ =	shalt  }
0x71: {  	_ =	shalt  }
0x72: {  	_ =	shalt  }
0x73: {  	_ =	shalt  }
0x74: {  	_ =	shalt  }
0x75: {  	_ =	shalt  }
0x76: {  	_ =	shalt  }
0x77: {  	_ =	shalt  }
0x78: {  	_ =	shalt  }
0x79: {  	_ =	shalt  }
0x7a: {  	_ =	shalt  }
0x7b: {  	_ =	shalt  }
0x7c: {  	_ =	shalt  }
0x7d: {  	_ =	shalt  }
0x7e: {  	_ =	shalt  }
0x7f: {  	_ =	shalt  }
0x80: {  	_ =	shalt  }
0x81: {  	_ =	shalt  }
0x82: {  	_ =	shalt  }
0x83: {  	_ =	shalt  }
0x84: {  	_ =	shalt  }
0x85: {  	_ =	shalt  }
0x86: {  	_ =	shalt  }
0x87: {  	_ =	shalt  }
.Lfunc_end0:
.L_simem_size_0:
called_computation.2_lowered:
.L_overlay_start_0:
0x88: {  	s2 =	sld [smem:$0x3FD9]  }
0x89: {  	s3 =	sld [smem:$0x3FFE];
	_ =	sdelay $0x1  }
0x8a: {  	s1 =	srdreg.scid  }
0x8b: {  	s0 =	sand.u32 $0x1, s1  }
0x8c: {  	s17 =	sshll.u32 s0, $0xA;
	s2 =	sadd.s32 s3, s2  }
0x8d: {  	s2 =	sadd.s32 s2, s17  }
0x8e: {  	[smem:$0x3FBE] =	sst s2  }
0x8f: {  	_ = 	snop  }
0x90: {  	s2 =	sld [smem:$0x3FD0];
	(tm) =	ssettm $0x1  }
0x91: {  	s18 =	sld [smem:$0x3FFB];
	_ =	sdelay $0x3  }
0x92: {  	_ =	strace s18  }
0x93: {  	s3 =	sld [smem:$0x3FFC];
	_ =	sdelay $0x3  }
0x94: {  	_ =	strace s3  }
0x95: {  	s3 =	sld [smem:$0x3FFD];
	_ =	sdelay $0x3  }
0x96: {  	_ =	strace s3  }
0x97: {  	_ =	strace $0x8FFFFFFF  }
0x98: {  	s19 =	sld [smem:$0x3FDB];
	_ =	sdelay $0x1  }
0x99: {  	s4 =	simm.s32 $_scs_section_size  }
0x9a: {  	s5 =	simm.s32 $_size__tile_overlayer_lowered;
	s6 =	simm.s32 $_tile_overlayer_lowered  }
0x9b: {  	s22 =	simm.s32 $0x1BFF;
	s21 =	sshll.u32 s6, $0x1;
	s3 =	sadd.s32 s4, s19  }
0x9c: {  	s7 =	simm.s32 $0x0;
	s20 =	sshll.u32 s5, $0x1;
	s5 =	sadd.s32 s21, s3  }
0x9d: {  	[timem:s7], [sflag:s22] =	dma.local [hbm:s5], s20  }
0x9e: {  	_ =	swait.ge [sflag:s22], s20  }
0x9f: {  	s4 =	ssub.s32 $0x0, s20;
	[sflag:s22] =	ssyncset.done $0x0  }
0xa0: {  	[sflag:s22] =	ssyncadd.s32 s4;
	_ =	sdelay $0x1  }
0xa1: {  	s23 =	simm.s32 $0x1B8B  }
0xa2: {  	_ =	swait.ge [sflag:s23], $0x1  }
0xa3: {  	[sflag:s23] =	ssyncset.done $0x0  }
0xa4: {  	s25 =	simm.s32 $0x1B8E;
	s24 =	sld [smem:$0x3FFE];
	[sflag:s23] =	ssyncadd.s32 $0xFFFFFFFF  }
0xa5: {  	s26 =	simm.s32 $execute0_lowered;
	[smem:$0x3FD2] =	sst s25  }
0xa6: {  	s5 =	sshll.u32 s26, $0x1;
	_ =	strace $0x8000004C;
	[dreg:$0x1] =	wrdreg $0xFFFFFFFF  }
0xa7: {  	s28 =	simm.s32 $_size_execute0_lowered;
	s3 =	sadd.s32 s3, s5;
	[dreg:$0x0] =	wrdreg $0x0  }
0xa8: {  	s5 =	sshll.u32 s28, $0x1;
	[dreg:$0x2] =	wrdreg s3  }
0xa9: {  	[dreg:$0x3] =	wrdreg s5  }
0xaa: {  	[dreg:$0x4] =	wrdreg $0xC0  }
0xab: {  	_ =	task [dreg:s7], $0x5FFFF  }
0xac: {  	[dreg:$0x1] =	wrdreg $0xFFFFFFFF  }
0xad: {  	[dreg:$0x0] =	wrdreg $0x60  }
0xae: {  	[dreg:$0x2] =	wrdreg s24  }
0xaf: {  	[dreg:$0x3] =	wrdreg s2  }
0xb0: {  	[dreg:$0x4] =	wrdreg $0x0  }
0xb1: {  	[dreg:$0x5] =	wrdreg $0x9  }
0xb2: {  	_ =	task.clear_ibuf [dreg:s7], $0x6FFFF;
	_ =	strace $0x9000004C  }
0xb3: {  	s29 =	simm.s32 $0x9;
	_ =	strace $0x8000004E  }
0xb4: {  	_ =	swait.ge [sflag:s29], $0x1  }
0xb5: {  	[sflag:s29] =	ssyncadd.s32 $0xFFFFFFFF  }
0xb6: {  	_ =	strace $0x9000004E  }
0xb7: {  	_ =	sfence  }
0xb8: {  	s30 =	sld [smem:$0x0];
	_ =	sdelay $0x2  }
0xb9: {  	s31 =	sshll.u32 s1, $0xD;
	s1 =	sshrl.u32 s1, $0x2  }
0xba: {  	s3 =	sand.u32 $0x4000, s31;
	s1 =	sadd.s32 s1, s30  }
0xbb: {  	s0 =	sor.u32 s3, s0;
	s1 =	sshll.u32 s1, $0x11  }
0xbc: {  	s0 =	sor.u32 s1, s0  }
0xbd: {  	s0 =	sadd.s32 $0x8F2B, s0  }
0xbe: {  	[sflag:s0] =	ssyncadd.remote.s32 $0x1  }
0xbf: {  	_ =	sfence.sel $0xFFFF  }
0xc0: {  	[dreg:$0x0] =	wrdreg $0xFFFFFFFF;
	(pc) =	sbr.abs _section_cstart, $3  }
0xc1: {  	[dreg:$0x1] =	wrdreg $0xFFFFFFFF  }
0xc2: {  	_ =	task.clear_ibuf [dreg:s7], $0x2FFFF;
	_ =	strace $0x9FFFFFFF  }
0xc3: {  	(tm) =	ssettm $0x7FFFFFFF  }
tec
execute0_lowered:
.L_overlay_start_1:
0x0: {  	(tag) =	ssettag $0x1  }
0x1: {  	s6 =	rddreg [dreg:$0x0]  }
0x2: {  	s10 =	rddreg [dreg:$0x1];
	s0 =	srdreg.scid  }
0x3: {  	s2 =	rddreg [dreg:$0x2];
	s1 =	stileid.u32;
	s3 =	simm.s32 $0x0  }
0x4: {  	s17 =	simm.s32 $0x13900;
	s18 =	simm.s32 $0x50;
	s19 =	simm.s32 $0x13980  }
0x5: {  	s20 =	simm.s32 $0x1;
	s21 =	simm.s32 $0x0;
	s8 =	smul.u32 $0x2710, s1  }
0x6: {  	s5 =	sand.u32 $0x1, s0;
	s0 =	rddreg [dreg:$0x3];
	s9 =	smul.u32 $0x2780, s1  }
0x7: {  	[smem:$0x7FF] =	sst s3;
	s4 =	sadd.s32 $0x36A00, s6;
	s26 =	smul.u32 $0x4F000, s1  }
0x8: {  	s14 =	smul.u32 $0x13C00, s1;
	s15 =	sadd.s32 $0x5DC00, s6;
	p0 =	seq.s32 s1, $0xF  }
0x9: {  	s7 =	smul.u32 $0x27100, s5;
	_ =	strace $0x8000004D;
	s28 =	ssub.s32 $0x2, s5  }
0xa: {  	s13 =	smul.u32 $0x138800, s5;
	s25 =	sadd.s32 s9, s6;
	s29 =	sshrl.u32 s28, $0x1  }
0xb: {  	s7 =	sadd.s32 s8, s7;
	s9 =	ssub.s32 s28, s29;
	s5 =	sadd.s32 $0xF800, s25  }
0xc: {  	s30 =	sadd.s32 s14, s13;
	s31 =	sshrl.u32 s13, $0x3;
	s13 =	sadd.s32 $0x128400, s2  }
0xd: {  	s11 =	sshrl.u32 s7, $0x3;
	s7 =	sshrl.u32 s26, $0x2;
	s8 =	sadd.s32 s15, s31  }
0xe: {  	s9 =	smax.u32 s9, $0x1;
	s12 =	sadd.s32 s11, s6;
	s16 =	sadd.s32 s7, s2  }
0xf: {  	s7 =	sshrl.u32 s30, $0x3;
	s6 =	sadd.s32 $0x34880, s6;
	s8 =	sadd.s32 $0x25080, s8  }
0x10: {  	s10 =	sadd.s32 s11, s10;
	s7 =	sadd.s32 s15, s7;
	s11 =	sadd.s32 $0x5A00, s12  }
0x11: {  	s12 =	sshrl.u32 @p0 s13, $0x3;
	s13 =	sshll.u32 @!p0 s1, $0x6;
	s14 =	sshrl.u32 @!p0 s16, $0x3  }
0x12: {  	s15 =	simm.s32 $0x13880;
	s16 =	simm.s32 $0x2;
	s13 =	sor.u32 @!p0 $0x1C02, s13  }
.LBB2_1:
0x13: {  	s22 =	simm.s32 @p0 $0x1FC2  }
0x14: {  	[spmem:s12], [sflag:s22] =	dma.local @p0 [hbm:s6], $0x2080  }
0x15: {  	s22 =	simm.s32 @p0 $0x2  }
0x16: {  	_ =	swait.ge @p0 [sflag:s22], $0x2080  }
0x17: {  	[sflag:s22] =	ssyncset.done @p0 $0x0  }
0x18: {  	[sflag:s22] =	ssyncadd.s32 @p0 $0xFFFFDF80;
	s22 =	simm.s32 @!p0 $0x2  }
0x19: {  	[spmem:s14], [sflag:s13] =	dma.local @!p0 [hbm:s5], $0x2780  }
0x1a: {  	_ =	swait.ge @!p0 [sflag:s22], $0x2780  }
0x1b: {  	[sflag:s22] =	ssyncset.done @!p0 $0x0  }
0x1c: {  	[sflag:s22] =	ssyncadd.s32 @!p0 $0xFFFFD880  }
0x1d: {  	s30 =	sadd.s32 $0x0, s11;
	[bflag:$0x0] =	sbarrier.arrive $0xFFFF  }
0x1e: {  	[tilespmem:s15], [sflag:$0x2] =	stream.linear.gather [hbm4b:s30+s3], $0x50, $0x38;
	[tilespmem:$0x16180] =	vst v63  }
0x1f: {  	_ =	swait.ge [sflag:s16], $0x50  }
0x20: {  	[sflag:s16] =	ssyncset.done $0x0  }
0x21: {  	s31 =	sadd.s32 $0x0, s10;
	[sflag:s16] =	ssyncadd.s32 $0xFFFFFFB0  }
0x22: {  	[tilespmem:s17], [sflag:$0x2] =	stream.linear.gather [hbm4b:s31+s3], $0x50, $0x38;
	[tilespmem:$0x16180] =	vst v63  }
0x23: {  	_ =	swait.ge [sflag:s16], $0x50  }
0x24: {  	[sflag:s16] =	ssyncset.done $0x0  }
0x25: {  	[sflag:s16] =	ssyncadd.s32 $0xFFFFFFB0  }
0x26: {  	[tilespmem:s19], [sflag:$0x1] =	stream.indirect.gather [hbm4b:s4+s18], $0x80, s15, s18, $0xb8;
	[tilespmem:$0x16180] =	vst v63  }
0x27: {  	_ =	swait.ge [sflag:s20], $0x2800  }
0x28: {  	[sflag:s20] =	ssyncset.done $0x0  }
0x29: {  	[sflag:s20] =	ssyncadd.s32 $0xFFFFD800  }
0x2a: {  	[spmem:s2] =	stream.indirect.scatter.add.f32 [tilespmem:s19], [sflag:$0x2], $0x80, s17, s18, $0xb8;
	[tilespmem:$0x16180] =	vst v63  }
0x2b: {  	_ =	swait.ge [sflag:s16], $0x2800  }
0x2c: {  	s23 =	simm.s32 $0x14;
	s22 =	simm.s32 $0xA;
	[sflag:s16] =	ssyncset.done $0x0  }
.LBB2_2:
0x2d: {  	s24 =	sadd.s32 s22, s11  }
0x2e: {  	[sflag:s16] =	ssyncadd.s32 $0xFFFFD800;
	s25 =	smov.u32 s23;
	s26 =	sadd.s32 $0xA, s23  }
0x2f: {  	[tilespmem:s15], [sflag:$0x2] =	stream.linear.gather [hbm4b:s24+s3], $0x50, $0x38;
	[tilespmem:$0x16180] =	vst v63  }
0x30: {  	p1 =	sne.s32 s23, $0x4D8;
	_ =	swait.ge [sflag:s16], $0x50  }
0x31: {  	[sflag:s16] =	ssyncset.done $0x0  }
0x32: {  	s23 =	sadd.s32 s22, s10;
	s22 =	smov.u32 s25;
	[sflag:s16] =	ssyncadd.s32 $0xFFFFFFB0  }
0x33: {  	[tilespmem:s17], [sflag:$0x2] =	stream.linear.gather [hbm4b:s23+s3], $0x50, $0x38;
	[tilespmem:$0x16180] =	vst v63  }
0x34: {  	_ =	swait.ge [sflag:s16], $0x50  }
0x35: {  	[sflag:s16] =	ssyncset.done $0x0  }
0x36: {  	[sflag:s16] =	ssyncadd.s32 $0xFFFFFFB0  }
0x37: {  	[tilespmem:s19], [sflag:$0x1] =	stream.indirect.gather [hbm4b:s4+s18], $0x80, s15, s18, $0xb8;
	[tilespmem:$0x16180] =	vst v63  }
0x38: {  	_ =	swait.ge [sflag:s20], $0x2800  }
.Ltmp0:
0x39: {  	[sflag:s20] =	ssyncset.done $0x0;
	(pc) =	sbr.rel @p1 .LBB2_2-.Ltmp0, $4  }
0x3a: {  	[sflag:s20] =	ssyncadd.s32 $0xFFFFD800  }
0x3b: {  	[spmem:s2] =	stream.indirect.scatter.add.f32 [tilespmem:s19], [sflag:$0x2], $0x80, s17, s18, $0xb8;
	[tilespmem:$0x16180] =	vst v63  }
0x3c: {  	_ =	swait.ge [sflag:s16], $0x2800  }
0x3d: {  	s23 =	smov.u32 s26;
	[sflag:s16] =	ssyncset.done $0x0  }
0x3e: {  	s23 =	sadd.s32 s22, s11;
	[sflag:s16] =	ssyncadd.s32 $0xFFFFD800  }
0x3f: {  	[tilespmem:s15], [sflag:$0x2] =	stream.linear.gather [hbm4b:s23+s3], $0x50, $0x38;
	[tilespmem:$0x16180] =	vst v63  }
0x40: {  	_ =	swait.ge [sflag:s16], $0x50  }
0x41: {  	[sflag:s16] =	ssyncset.done $0x0  }
0x42: {  	s31 =	sadd.s32 s22, s10;
	[sflag:s16] =	ssyncadd.s32 $0xFFFFFFB0  }
0x43: {  	[tilespmem:s17], [sflag:$0x2] =	stream.linear.gather [hbm4b:s31+s3], $0x50, $0x38;
	[tilespmem:$0x16180] =	vst v63  }
0x44: {  	_ =	swait.ge [sflag:s16], $0x50  }
0x45: {  	[sflag:s16] =	ssyncset.done $0x0  }
0x46: {  	[sflag:s16] =	ssyncadd.s32 $0xFFFFFFB0  }
0x47: {  	[tilespmem:s19], [sflag:$0x1] =	stream.indirect.gather [hbm4b:s4+s18], $0x80, s15, s18, $0xb8;
	[tilespmem:$0x16180] =	vst v63  }
0x48: {  	_ =	swait.ge [sflag:s20], $0x2800  }
0x49: {  	[sflag:s20] =	ssyncset.done $0x0  }
0x4a: {  	[sflag:s20] =	ssyncadd.s32 $0xFFFFD800  }
0x4b: {  	[spmem:s2] =	stream.indirect.scatter.add.f32 [tilespmem:s19], [sflag:$0x2], $0x80, s17, s18, $0xb8;
	[tilespmem:$0x16180] =	vst v63  }
0x4c: {  	_ =	swait.ge [sflag:s16], $0x2800  }
0x4d: {  	[sflag:s16] =	ssyncset.done $0x0  }
0x4e: {  	[sflag:s16] =	ssyncadd.s32 $0xFFFFD800  }
0x4f: {  	s22 =	simm.s32 @p0 $0x1FC2;
	[bflag:$0x0] =	sbarrier.arrive $0xFFFF  }
0x50: {  	[hbm:s8], [sflag:s22] =	dma.local @p0 [spmem:s12], $0x2080  }
0x51: {  	s22 =	simm.s32 @p0 $0x2  }
0x52: {  	s21 =	sadd.s32 $0x1, s21;
	_ =	swait.ge @p0 [sflag:s22], $0x2080  }
0x53: {  	p1 =	sne.s32 s21, s9;
	[sflag:s22] =	ssyncset.done @p0 $0x0  }
.Ltmp1:
0x54: {  	[sflag:s22] =	ssyncadd.s32 @p0 $0xFFFFDF80;
	s22 =	simm.s32 @!p0 $0x2;
	(pc) =	sbr.rel @p1 .LBB2_1-.Ltmp1, $4  }
0x55: {  	[hbm:s7], [sflag:s13] =	dma.local @!p0 [spmem:s14], $0x2780  }
0x56: {  	_ =	swait.ge @!p0 [sflag:s22], $0x2780  }
0x57: {  	[sflag:s22] =	ssyncset.done @!p0 $0x0  }
0x58: {  	[sflag:s22] =	ssyncadd.s32 @!p0 $0xFFFFD880  }
0x59: {  	_ =	sfence.sel $0x180000  }
0x5a: {  	[bflag:$0x0] =	sbarrier.arrive $0xFFFF  }
0x5b: {  	p0 =	sne.s32 s1, $0x0;
	_ =	strace $0x9000004D  }
0x5c: {  	s0 =	sadd.s32 @!p0 $0x100000, s0;
	[bflag:$0x2] =	sbarrier.arrive $0xFFFF  }
0x5d: {  	[sflag:s0] =	ssyncadd.tile.s32 @!p0 $0x1;
	_ =	shalt  }
.Lfunc_end2:
_tile_overlayer_lowered:
.L_overlay_start_2:
0x5e: {  	(tag) =	ssettag $0x2  }
0x5f: {  	s0 =	rddreg [dreg:$0x0];
	s2 =	stileid.u32  }
0x60: {  	s1 =	rddreg [dreg:$0x1];
	p0 =	sne.s32 s2, $0x0  }
0x61: {  	s3 =	rddreg [dreg:$0x2];
	[bflag:$0x3] =	sbarrier.arrive $0xFFFF;
	s2 =	simm.s32 @!p0 $0x1C02  }
0x62: {  	[timem:s3], [sflag:s2] =	dma.local @!p0 [hbm:s0], s1  }
0x63: {  	s0 =	simm.s32 @!p0 $0x2  }
0x64: {  	_ =	swait.ge @!p0 [sflag:s0], s1  }
0x65: {  	s1 =	ssub.s32 @!p0 $0x0, s1;
	[sflag:s0] =	ssyncset.done @!p0 $0x0  }
0x66: {  	[sflag:s0] =	ssyncadd.s32 @!p0 s1  }
0x67: {  	[bflag:$0x3] =	sbarrier.arrive $0xFFFF  }
0x68: {  	_ =	shalt  }

// kernel: kernel.31.cloned.1.call-start
scs
__scs_entry_jumppad:
0x0: {  	(pc) =	sbr.rel $0x88, $3  }
0x1: {  	(tag) =	ssettag $0x0;
	lr =	simm.s32 $0x1  }
0x2: {  	[smem:$0x3F97] =	sst lr;
	_ =	strace $0xD0000000  }
0x3: {  	_ = 	snop  }
0x4: {  	_ = 	snop  }
0x5: {  	_ = 	snop  }
0x6: {  	_ = 	snop  }
0x7: {  	_ = 	snop  }
__scs_overlays_trampoline_lowered:
0x8: {  	[smem:$0x3FA6] =	sst s0  }
0x9: {  	[smem:$0x3FA7] =	sst s1  }
0xa: {  	[smem:$0x3FA8] =	sst s2  }
0xb: {  	[smem:$0x3FA9] =	sst s3  }
0xc: {  	[smem:$0x3FAA] =	sst s4  }
0xd: {  	[smem:$0x3FAB] =	sst s5  }
0xe: {  	[smem:$0x3FAC] =	sst s6  }
0xf: {  	[smem:$0x3FAD] =	sst s7  }
0x10: {  	[smem:$0x3FAE] =	sst s8  }
0x11: {  	[smem:$0x3FAF] =	sst s9;
	s0 =	simm.s32 @!p0 $0x0  }
0x12: {  	s1 =	sld [smem:$0x3F95];
	s0 =	simm.s32 @p0 $0x1  }
0x13: {  	[smem:$0x3FB0] =	sst s0;
	s0 =	simm.s32 @!p1 $0x0  }
0x14: {  	s2 =	sld [smem:$0x3F94];
	s0 =	simm.s32 @p1 $0x1  }
0x15: {  	[smem:$0x3FB1] =	sst s0;
	s0 =	simm.s32 @!p2 $0x0  }
0x16: {  	s3 =	sld [smem:$0x3FDB];
	s0 =	simm.s32 @p2 $0x1  }
0x17: {  	s4 =	simm.s32 $0x1BF5;
	[smem:$0x3FB3] =	sst s0  }
0x18: {  	s0 =	sld [smem:$0x3F96];
	_ =	swait.ge [sflag:s4], $0x0  }
0x19: {  	s7 =	sld [smem:$0x3F97]  }
0x1a: {  	s8 =	sadd.s32 $0xFFFFE003, lr  }
0x1b: {  	s9 =	sadd.s32 $0xFFFFFEF7, lr;
	s5 =	simm.s32 $0xFFFFFFFF;
	p2 =	slt.u32 s8, $0xFFFFF086  }
0x1c: {  	p1 =	slt.u32 s9, $0xF7A;
	s5 =	simm.s32 @!p2 $0x0  }
0x1d: {  	s5 =	simm.s32 @p1 $0x1;
	p0 =	seq.s32 s7, s2  }
0x1e: {  	s7 =	smul.u32 @!p0 $0xF7A, s2;
	p2 =	seq.s32 @!p0 s5, $0x0  }
0x1f: {  	s9 =	smul.u32 $0xF7A, s1;
	s8 =	simm.s32 @!p0 $0x1BF5;
	p2 =	por !p2, p0  }
0x20: {  	[sflag:s8] =	ssyncset.s32 @!p0 $0xFFFFF086;
	s6 =	sadd.s32 @!p0 s3, s7;
	s7 =	simm.s32 @!p0 $0x108  }
0x21: {  	s3 =	sadd.s32 s3, s9;
	s6 =	sadd.s32 @!p0 $0x88, s6;
	s7 =	simm.s32 @p2 $0x1082  }
0x22: {  	[simem:s7], [sflag:s8] =	dma.local @!p0 [hbm:s6], $0xF7A  }
0x23: {  	s9 =	sor.u32 $0xD0000000, s2;
	s6 =	simm.s32 $0x108;
	_ =	swait.ge @!p0 [sflag:s8], $0x0  }
0x24: {  	s3 =	sadd.s32 $0x88, s3;
	s6 =	simm.s32 @!p1 $0x1082;
	[sflag:s4] =	ssyncset.s32 $0xFFFFF086  }
0x25: {  	[simem:s6], [sflag:s4] =	dma.local [hbm:s3], $0xF7A  }
0x26: {  	[smem:$0x3F97] =	sst s1;
	(tag) =	ssettag s2;
	_ =	strace s9  }
0x27: {  	s1 =	sld [smem:$0x3FA7]  }
0x28: {  	s2 =	sld [smem:$0x3FA8]  }
0x29: {  	s4 =	sld [smem:$0x3FAA]  }
0x2a: {  	p0 =	seq.s32 s5, $0x0;
	s5 =	sld [smem:$0x3FAB]  }
0x2b: {  	s6 =	sld [smem:$0x3FAC]  }
0x2c: {  	s7 =	sld [smem:$0x3FAD]  }
0x2d: {  	s3 =	simm.s32 $0x108;
	s8 =	sld [smem:$0x3FAE]  }
0x2e: {  	s3 =	simm.s32 @!p0 $0x1082;
	s9 =	sld [smem:$0x3FAF]  }
0x2f: {  	lr =	sadd.s32 s0, s3;
	s0 =	sld [smem:$0x3FA6]  }
0x30: {  	s3 =	sld [smem:$0x3FA9]  }
0x31: {  	[smem:$0x3FB2] =	sst s10  }
0x32: {  	s10 =	sld [smem:$0x3FB0];
	_ =	sdelay $0x3  }
0x33: {  	p0 =	seq.s32 s10, $0x1;
	s10 =	sld [smem:$0x3FB2];
	_ =	sdelay $0x3  }
0x34: {  	[smem:$0x3FB2] =	sst s10  }
0x35: {  	s10 =	sld [smem:$0x3FB1];
	_ =	sdelay $0x3  }
0x36: {  	p1 =	seq.s32 s10, $0x1;
	s10 =	sld [smem:$0x3FB2];
	_ =	sdelay $0x3  }
0x37: {  	[smem:$0x3FB2] =	sst s10  }
0x38: {  	s10 =	sld [smem:$0x3FB3]  }
0x39: {  	_ = 	snop;
	(pc) =	sbr.ind lr, $3  }
0x3a: {  	_ = 	snop  }
0x3b: {  	_ = 	snop  }
0x3c: {  	p2 =	seq.s32 s10, $0x1;
	s10 =	sld [smem:$0x3FB2]  }
0x3d: {  	_ =	shalt  }
0x3e: {  	_ =	shalt  }
0x3f: {  	_ =	shalt  }
0x40: {  	_ =	shalt  }
0x41: {  	_ =	shalt  }
0x42: {  	_ =	shalt  }
0x43: {  	_ =	shalt  }
0x44: {  	_ =	shalt  }
0x45: {  	_ =	shalt  }
0x46: {  	_ =	shalt  }
0x47: {  	_ =	shalt  }
0x48: {  	_ =	shalt  }
0x49: {  	_ =	shalt  }
0x4a: {  	_ =	shalt  }
0x4b: {  	_ =	shalt  }
0x4c: {  	_ =	shalt  }
0x4d: {  	_ =	shalt  }
0x4e: {  	_ =	shalt  }
0x4f: {  	_ =	shalt  }
0x50: {  	_ =	shalt  }
0x51: {  	_ =	shalt  }
0x52: {  	_ =	shalt  }
0x53: {  	_ =	shalt  }
0x54: {  	_ =	shalt  }
0x55: {  	_ =	shalt  }
0x56: {  	_ =	shalt  }
0x57: {  	_ =	shalt  }
0x58: {  	_ =	shalt  }
0x59: {  	_ =	shalt  }
0x5a: {  	_ =	shalt  }
0x5b: {  	_ =	shalt  }
0x5c: {  	_ =	shalt  }
0x5d: {  	_ =	shalt  }
0x5e: {  	_ =	shalt  }
0x5f: {  	_ =	shalt  }
0x60: {  	_ =	shalt  }
0x61: {  	_ =	shalt  }
0x62: {  	_ =	shalt  }
0x63: {  	_ =	shalt  }
0x64: {  	_ =	shalt  }
0x65: {  	_ =	shalt  }
0x66: {  	_ =	shalt  }
0x67: {  	_ =	shalt  }
0x68: {  	_ =	shalt  }
0x69: {  	_ =	shalt  }
0x6a: {  	_ =	shalt  }
0x6b: {  	_ =	shalt  }
0x6c: {  	_ =	shalt  }
0x6d: {  	_ =	shalt  }
0x6e: {  	_ =	shalt  }
0x6f: {  	_ =	shalt  }
0x70: {  	_ =	shalt  }
0x71: {  	_ =	shalt  }
0x72: {  	_ =	shalt  }
0x73: {  	_ =	shalt  }
0x74: {  	_ =	shalt  }
0x75: {  	_ =	shalt  }
0x76: {  	_ =	shalt  }
0x77: {  	_ =	shalt  }
0x78: {  	_ =	shalt  }
0x79: {  	_ =	shalt  }
0x7a: {  	_ =	shalt  }
0x7b: {  	_ =	shalt  }
0x7c: {  	_ =	shalt  }
0x7d: {  	_ =	shalt  }
0x7e: {  	_ =	shalt  }
0x7f: {  	_ =	shalt  }
0x80: {  	_ =	shalt  }
0x81: {  	_ =	shalt  }
0x82: {  	_ =	shalt  }
0x83: {  	_ =	shalt  }
0x84: {  	_ =	shalt  }
0x85: {  	_ =	shalt  }
0x86: {  	_ =	shalt  }
0x87: {  	_ =	shalt  }
.Lfunc_end0:
.L_simem_size_0:
called_computation.3_lowered:
.L_overlay_start_0:
0x88: {  	s2 =	sld [smem:$0x3FD9]  }
0x89: {  	s3 =	sld [smem:$0x3FFE];
	_ =	sdelay $0x1  }
0x8a: {  	s1 =	srdreg.scid  }
0x8b: {  	s0 =	sand.u32 $0x1, s1  }
0x8c: {  	s17 =	sshll.u32 s0, $0xA;
	s2 =	sadd.s32 s3, s2  }
0x8d: {  	s2 =	sadd.s32 s2, s17  }
0x8e: {  	[smem:$0x3FBE] =	sst s2  }
0x8f: {  	_ = 	snop  }
0x90: {  	s2 =	sld [smem:$0x3FD0];
	(tm) =	ssettm $0x1  }
0x91: {  	s18 =	sld [smem:$0x3FFB];
	_ =	sdelay $0x3  }
0x92: {  	_ =	strace s18  }
0x93: {  	s3 =	sld [smem:$0x3FFC];
	_ =	sdelay $0x3  }
0x94: {  	_ =	strace s3  }
0x95: {  	s3 =	sld [smem:$0x3FFD];
	_ =	sdelay $0x3  }
0x96: {  	_ =	strace s3  }
0x97: {  	_ =	strace $0x8FFFFFFF  }
0x98: {  	s19 =	sld [smem:$0x3FDB];
	_ =	sdelay $0x1  }
0x99: {  	s4 =	simm.s32 $_scs_section_size  }
0x9a: {  	s5 =	simm.s32 $_size__tile_overlayer_lowered;
	s6 =	simm.s32 $_tile_overlayer_lowered  }
0x9b: {  	s22 =	simm.s32 $0x1BFF;
	s21 =	sshll.u32 s6, $0x1;
	s3 =	sadd.s32 s4, s19  }
0x9c: {  	s7 =	simm.s32 $0x0;
	s20 =	sshll.u32 s5, $0x1;
	s5 =	sadd.s32 s21, s3  }
0x9d: {  	[timem:s7], [sflag:s22] =	dma.local [hbm:s5], s20  }
0x9e: {  	_ =	swait.ge [sflag:s22], s20  }
0x9f: {  	s4 =	ssub.s32 $0x0, s20;
	[sflag:s22] =	ssyncset.done $0x0  }
0xa0: {  	[sflag:s22] =	ssyncadd.s32 s4;
	_ =	sdelay $0x1  }
0xa1: {  	s23 =	simm.s32 $0x1B8B  }
0xa2: {  	_ =	swait.ge [sflag:s23], $0x1  }
0xa3: {  	[sflag:s23] =	ssyncset.done $0x0  }
0xa4: {  	s25 =	simm.s32 $0x1B8E;
	s24 =	sld [smem:$0x3FFE];
	[sflag:s23] =	ssyncadd.s32 $0xFFFFFFFF  }
0xa5: {  	s26 =	simm.s32 $execute0_lowered;
	[smem:$0x3FD2] =	sst s25  }
0xa6: {  	s5 =	sshll.u32 s26, $0x1;
	_ =	strace $0x8000004F;
	[dreg:$0x1] =	wrdreg $0xFFFFFFFF  }
0xa7: {  	s28 =	simm.s32 $_size_execute0_lowered;
	s3 =	sadd.s32 s3, s5;
	[dreg:$0x0] =	wrdreg $0x0  }
0xa8: {  	s5 =	sshll.u32 s28, $0x1;
	[dreg:$0x2] =	wrdreg s3  }
0xa9: {  	[dreg:$0x3] =	wrdreg s5  }
0xaa: {  	[dreg:$0x4] =	wrdreg $0xC0  }
0xab: {  	_ =	task [dreg:s7], $0x5FFFF  }
0xac: {  	[dreg:$0x1] =	wrdreg $0xFFFFFFFF  }
0xad: {  	[dreg:$0x0] =	wrdreg $0x60  }
0xae: {  	[dreg:$0x2] =	wrdreg s24  }
0xaf: {  	[dreg:$0x3] =	wrdreg s2  }
0xb0: {  	[dreg:$0x4] =	wrdreg $0x0  }
0xb1: {  	[dreg:$0x5] =	wrdreg $0x9  }
0xb2: {  	_ =	task.clear_ibuf [dreg:s7], $0x6FFFF;
	_ =	strace $0x9000004F  }
0xb3: {  	s29 =	simm.s32 $0x9;
	_ =	strace $0x80000051  }
0xb4: {  	_ =	swait.ge [sflag:s29], $0x1  }
0xb5: {  	[sflag:s29] =	ssyncadd.s32 $0xFFFFFFFF  }
0xb6: {  	_ =	strace $0x90000051  }
0xb7: {  	_ =	sfence  }
0xb8: {  	s30 =	sld [smem:$0x0];
	_ =	sdelay $0x2  }
0xb9: {  	s31 =	sshll.u32 s1, $0xD;
	s1 =	sshrl.u32 s1, $0x2  }
0xba: {  	s3 =	sand.u32 $0x4000, s31;
	s1 =	sadd.s32 s1, s30  }
0xbb: {  	s0 =	sor.u32 s3, s0;
	s1 =	sshll.u32 s1, $0x11  }
0xbc: {  	s0 =	sor.u32 s1, s0  }
0xbd: {  	s0 =	sadd.s32 $0x8F2B, s0  }
0xbe: {  	[sflag:s0] =	ssyncadd.remote.s32 $0x1  }
0xbf: {  	_ =	sfence.sel $0xFFFF  }
0xc0: {  	[dreg:$0x0] =	wrdreg $0xFFFFFFFF;
	(pc) =	sbr.abs _section_cstart, $3  }
0xc1: {  	[dreg:$0x1] =	wrdreg $0xFFFFFFFF  }
0xc2: {  	_ =	task.clear_ibuf [dreg:s7], $0x2FFFF;
	_ =	strace $0x9FFFFFFF  }
0xc3: {  	(tm) =	ssettm $0x7FFFFFFF  }
tec
execute0_lowered:
.L_overlay_start_1:
0x0: {  	(tag) =	ssettag $0x1  }
0x1: {  	s6 =	rddreg [dreg:$0x0]  }
0x2: {  	s10 =	rddreg [dreg:$0x1];
	s0 =	srdreg.scid  }
0x3: {  	s2 =	rddreg [dreg:$0x2];
	s1 =	stileid.u32;
	s3 =	simm.s32 $0x0  }
0x4: {  	s17 =	simm.s32 $0x13900;
	s18 =	simm.s32 $0x50;
	s19 =	simm.s32 $0x13980  }
0x5: {  	s20 =	simm.s32 $0x1;
	s21 =	simm.s32 $0x0;
	s8 =	smul.u32 $0x2710, s1  }
0x6: {  	s5 =	sand.u32 $0x1, s0;
	s0 =	rddreg [dreg:$0x3];
	s9 =	smul.u32 $0x2780, s1  }
0x7: {  	[smem:$0x7FF] =	sst s3;
	s4 =	sadd.s32 $0x36A00, s6;
	s26 =	smul.u32 $0x4F000, s1  }
0x8: {  	s14 =	smul.u32 $0x13C00, s1;
	s15 =	sadd.s32 $0x5DC00, s6;
	p0 =	seq.s32 s1, $0xF  }
0x9: {  	s7 =	smul.u32 $0x27100, s5;
	_ =	strace $0x80000050;
	s28 =	ssub.s32 $0x2, s5  }
0xa: {  	s13 =	smul.u32 $0x138800, s5;
	s25 =	sadd.s32 s9, s6;
	s29 =	sshrl.u32 s28, $0x1  }
0xb: {  	s7 =	sadd.s32 s8, s7;
	s9 =	ssub.s32 s28, s29;
	s5 =	sadd.s32 $0xF800, s25  }
0xc: {  	s30 =	sadd.s32 s14, s13;
	s31 =	sshrl.u32 s13, $0x3;
	s13 =	sadd.s32 $0x128400, s2  }
0xd: {  	s11 =	sshrl.u32 s7, $0x3;
	s7 =	sshrl.u32 s26, $0x2;
	s8 =	sadd.s32 s15, s31  }
0xe: {  	s9 =	smax.u32 s9, $0x1;
	s12 =	sadd.s32 s11, s6;
	s16 =	sadd.s32 s7, s2  }
0xf: {  	s7 =	sshrl.u32 s30, $0x3;
	s6 =	sadd.s32 $0x34880, s6;
	s8 =	sadd.s32 $0x25080, s8  }
0x10: {  	s10 =	sadd.s32 s11, s10;
	s7 =	sadd.s32 s15, s7;
	s11 =	sadd.s32 $0x5A00, s12  }
0x11: {  	s12 =	sshrl.u32 @p0 s13, $0x3;
	s13 =	sshll.u32 @!p0 s1, $0x6;
	s14 =	sshrl.u32 @!p0 s16, $0x3  }
0x12: {  	s15 =	simm.s32 $0x13880;
	s16 =	simm.s32 $0x2;
	s13 =	sor.u32 @!p0 $0x1C02, s13  }
.LBB2_1:
0x13: {  	s22 =	simm.s32 @p0 $0x1FC2  }
0x14: {  	[spmem:s12], [sflag:s22] =	dma.local @p0 [hbm:s6], $0x2080  }
0x15: {  	s22 =	simm.s32 @p0 $0x2  }
0x16: {  	_ =	swait.ge @p0 [sflag:s22], $0x2080  }
0x17: {  	[sflag:s22] =	ssyncset.done @p0 $0x0  }
0x18: {  	[sflag:s22] =	ssyncadd.s32 @p0 $0xFFFFDF80;
	s22 =	simm.s32 @!p0 $0x2  }
0x19: {  	[spmem:s14], [sflag:s13] =	dma.local @!p0 [hbm:s5], $0x2780  }
0x1a: {  	_ =	swait.ge @!p0 [sflag:s22], $0x2780  }
0x1b: {  	[sflag:s22] =	ssyncset.done @!p0 $0x0  }
0x1c: {  	[sflag:s22] =	ssyncadd.s32 @!p0 $0xFFFFD880  }
0x1d: {  	s30 =	sadd.s32 $0x0, s11;
	[bflag:$0x0] =	sbarrier.arrive $0xFFFF  }
0x1e: {  	[tilespmem:s15], [sflag:$0x2] =	stream.linear.gather [hbm4b:s30+s3], $0x50, $0x38;
	[tilespmem:$0x16180] =	vst v63  }
0x1f: {  	_ =	swait.ge [sflag:s16], $0x50  }
0x20: {  	[sflag:s16] =	ssyncset.done $0x0  }
0x21: {  	s31 =	sadd.s32 $0x0, s10;
	[sflag:s16] =	ssyncadd.s32 $0xFFFFFFB0  }
0x22: {  	[tilespmem:s17], [sflag:$0x2] =	stream.linear.gather [hbm4b:s31+s3], $0x50, $0x38;
	[tilespmem:$0x16180] =	vst v63  }
0x23: {  	_ =	swait.ge [sflag:s16], $0x50  }
0x24: {  	[sflag:s16] =	ssyncset.done $0x0  }
0x25: {  	[sflag:s16] =	ssyncadd.s32 $0xFFFFFFB0  }
0x26: {  	[tilespmem:s19], [sflag:$0x1] =	stream.indirect.gather [hbm4b:s4+s18], $0x80, s15, s18, $0xb8;
	[tilespmem:$0x16180] =	vst v63  }
0x27: {  	_ =	swait.ge [sflag:s20], $0x2800  }
0x28: {  	[sflag:s20] =	ssyncset.done $0x0  }
0x29: {  	[sflag:s20] =	ssyncadd.s32 $0xFFFFD800  }
0x2a: {  	[spmem:s2] =	stream.indirect.scatter.add.f32 [tilespmem:s19], [sflag:$0x2], $0x80, s17, s18, $0xb8;
	[tilespmem:$0x16180] =	vst v63  }
0x2b: {  	_ =	swait.ge [sflag:s16], $0x2800  }
0x2c: {  	s23 =	simm.s32 $0x14;
	s22 =	simm.s32 $0xA;
	[sflag:s16] =	ssyncset.done $0x0  }
.LBB2_2:
0x2d: {  	s24 =	sadd.s32 s22, s11  }
0x2e: {  	[sflag:s16] =	ssyncadd.s32 $0xFFFFD800;
	s25 =	smov.u32 s23;
	s26 =	sadd.s32 $0xA, s23  }
0x2f: {  	[tilespmem:s15], [sflag:$0x2] =	stream.linear.gather [hbm4b:s24+s3], $0x50, $0x38;
	[tilespmem:$0x16180] =	vst v63  }
0x30: {  	p1 =	sne.s32 s23, $0x4D8;
	_ =	swait.ge [sflag:s16], $0x50  }
0x31: {  	[sflag:s16] =	ssyncset.done $0x0  }
0x32: {  	s23 =	sadd.s32 s22, s10;
	s22 =	smov.u32 s25;
	[sflag:s16] =	ssyncadd.s32 $0xFFFFFFB0  }
0x33: {  	[tilespmem:s17], [sflag:$0x2] =	stream.linear.gather [hbm4b:s23+s3], $0x50, $0x38;
	[tilespmem:$0x16180] =	vst v63  }
0x34: {  	_ =	swait.ge [sflag:s16], $0x50  }
0x35: {  	[sflag:s16] =	ssyncset.done $0x0  }
0x36: {  	[sflag:s16] =	ssyncadd.s32 $0xFFFFFFB0  }
0x37: {  	[tilespmem:s19], [sflag:$0x1] =	stream.indirect.gather [hbm4b:s4+s18], $0x80, s15, s18, $0xb8;
	[tilespmem:$0x16180] =	vst v63  }
0x38: {  	_ =	swait.ge [sflag:s20], $0x2800  }
.Ltmp0:
0x39: {  	[sflag:s20] =	ssyncset.done $0x0;
	(pc) =	sbr.rel @p1 .LBB2_2-.Ltmp0, $4  }
0x3a: {  	[sflag:s20] =	ssyncadd.s32 $0xFFFFD800  }
0x3b: {  	[spmem:s2] =	stream.indirect.scatter.add.f32 [tilespmem:s19], [sflag:$0x2], $0x80, s17, s18, $0xb8;
	[tilespmem:$0x16180] =	vst v63  }
0x3c: {  	_ =	swait.ge [sflag:s16], $0x2800  }
0x3d: {  	s23 =	smov.u32 s26;
	[sflag:s16] =	ssyncset.done $0x0  }
0x3e: {  	s23 =	sadd.s32 s22, s11;
	[sflag:s16] =	ssyncadd.s32 $0xFFFFD800  }
0x3f: {  	[tilespmem:s15], [sflag:$0x2] =	stream.linear.gather [hbm4b:s23+s3], $0x50, $0x38;
	[tilespmem:$0x16180] =	vst v63  }
0x40: {  	_ =	swait.ge [sflag:s16], $0x50  }
0x41: {  	[sflag:s16] =	ssyncset.done $0x0  }
0x42: {  	s31 =	sadd.s32 s22, s10;
	[sflag:s16] =	ssyncadd.s32 $0xFFFFFFB0  }
0x43: {  	[tilespmem:s17], [sflag:$0x2] =	stream.linear.gather [hbm4b:s31+s3], $0x50, $0x38;
	[tilespmem:$0x16180] =	vst v63  }
0x44: {  	_ =	swait.ge [sflag:s16], $0x50  }
0x45: {  	[sflag:s16] =	ssyncset.done $0x0  }
0x46: {  	[sflag:s16] =	ssyncadd.s32 $0xFFFFFFB0  }
0x47: {  	[tilespmem:s19], [sflag:$0x1] =	stream.indirect.gather [hbm4b:s4+s18], $0x80, s15, s18, $0xb8;
	[tilespmem:$0x16180] =	vst v63  }
0x48: {  	_ =	swait.ge [sflag:s20], $0x2800  }
0x49: {  	[sflag:s20] =	ssyncset.done $0x0  }
0x4a: {  	[sflag:s20] =	ssyncadd.s32 $0xFFFFD800  }
0x4b: {  	[spmem:s2] =	stream.indirect.scatter.add.f32 [tilespmem:s19], [sflag:$0x2], $0x80, s17, s18, $0xb8;
	[tilespmem:$0x16180] =	vst v63  }
0x4c: {  	_ =	swait.ge [sflag:s16], $0x2800  }
0x4d: {  	[sflag:s16] =	ssyncset.done $0x0  }
0x4e: {  	[sflag:s16] =	ssyncadd.s32 $0xFFFFD800  }
0x4f: {  	s22 =	simm.s32 @p0 $0x1FC2;
	[bflag:$0x0] =	sbarrier.arrive $0xFFFF  }
0x50: {  	[hbm:s8], [sflag:s22] =	dma.local @p0 [spmem:s12], $0x2080  }
0x51: {  	s22 =	simm.s32 @p0 $0x2  }
0x52: {  	s21 =	sadd.s32 $0x1, s21;
	_ =	swait.ge @p0 [sflag:s22], $0x2080  }
0x53: {  	p1 =	sne.s32 s21, s9;
	[sflag:s22] =	ssyncset.done @p0 $0x0  }
.Ltmp1:
0x54: {  	[sflag:s22] =	ssyncadd.s32 @p0 $0xFFFFDF80;
	s22 =	simm.s32 @!p0 $0x2;
	(pc) =	sbr.rel @p1 .LBB2_1-.Ltmp1, $4  }
0x55: {  	[hbm:s7], [sflag:s13] =	dma.local @!p0 [spmem:s14], $0x2780  }
0x56: {  	_ =	swait.ge @!p0 [sflag:s22], $0x2780  }
0x57: {  	[sflag:s22] =	ssyncset.done @!p0 $0x0  }
0x58: {  	[sflag:s22] =	ssyncadd.s32 @!p0 $0xFFFFD880  }
0x59: {  	_ =	sfence.sel $0x180000  }
0x5a: {  	[bflag:$0x0] =	sbarrier.arrive $0xFFFF  }
0x5b: {  	p0 =	sne.s32 s1, $0x0;
	_ =	strace $0x90000050  }
0x5c: {  	s0 =	sadd.s32 @!p0 $0x100000, s0;
	[bflag:$0x2] =	sbarrier.arrive $0xFFFF  }
0x5d: {  	[sflag:s0] =	ssyncadd.tile.s32 @!p0 $0x1;
	_ =	shalt  }
.Lfunc_end2:
_tile_overlayer_lowered:
.L_overlay_start_2:
0x5e: {  	(tag) =	ssettag $0x2  }
0x5f: {  	s0 =	rddreg [dreg:$0x0];
	s2 =	stileid.u32  }
0x60: {  	s1 =	rddreg [dreg:$0x1];
	p0 =	sne.s32 s2, $0x0  }
0x61: {  	s3 =	rddreg [dreg:$0x2];
	[bflag:$0x3] =	sbarrier.arrive $0xFFFF;
	s2 =	simm.s32 @!p0 $0x1C02  }
0x62: {  	[timem:s3], [sflag:s2] =	dma.local @!p0 [hbm:s0], s1  }
0x63: {  	s0 =	simm.s32 @!p0 $0x2  }
0x64: {  	_ =	swait.ge @!p0 [sflag:s0], s1  }
0x65: {  	s1 =	ssub.s32 @!p0 $0x0, s1;
	[sflag:s0] =	ssyncset.done @!p0 $0x0  }
0x66: {  	[sflag:s0] =	ssyncadd.s32 @!p0 s1  }
0x67: {  	[bflag:$0x3] =	sbarrier.arrive $0xFFFF  }
0x68: {  	_ =	shalt  }

// kernel: kernel.34.cloned.1.call-start
scs
__scs_entry_jumppad:
0x0: {  	(pc) =	sbr.rel $0x88, $3  }
0x1: {  	(tag) =	ssettag $0x0;
	lr =	simm.s32 $0x1  }
0x2: {  	[smem:$0x3F97] =	sst lr;
	_ =	strace $0xD0000000  }
0x3: {  	_ = 	snop  }
0x4: {  	_ = 	snop  }
0x5: {  	_ = 	snop  }
0x6: {  	_ = 	snop  }
0x7: {  	_ = 	snop  }
__scs_overlays_trampoline_lowered:
0x8: {  	[smem:$0x3FA6] =	sst s0  }
0x9: {  	[smem:$0x3FA7] =	sst s1  }
0xa: {  	[smem:$0x3FA8] =	sst s2  }
0xb: {  	[smem:$0x3FA9] =	sst s3  }
0xc: {  	[smem:$0x3FAA] =	sst s4  }
0xd: {  	[smem:$0x3FAB] =	sst s5  }
0xe: {  	[smem:$0x3FAC] =	sst s6  }
0xf: {  	[smem:$0x3FAD] =	sst s7  }
0x10: {  	[smem:$0x3FAE] =	sst s8  }
0x11: {  	[smem:$0x3FAF] =	sst s9;
	s0 =	simm.s32 @!p0 $0x0  }
0x12: {  	s1 =	sld [smem:$0x3F95];
	s0 =	simm.s32 @p0 $0x1  }
0x13: {  	[smem:$0x3FB0] =	sst s0;
	s0 =	simm.s32 @!p1 $0x0  }
0x14: {  	s2 =	sld [smem:$0x3F94];
	s0 =	simm.s32 @p1 $0x1  }
0x15: {  	[smem:$0x3FB1] =	sst s0;
	s0 =	simm.s32 @!p2 $0x0  }
0x16: {  	s3 =	sld [smem:$0x3FDB];
	s0 =	simm.s32 @p2 $0x1  }
0x17: {  	s4 =	simm.s32 $0x1BF5;
	[smem:$0x3FB3] =	sst s0  }
0x18: {  	s0 =	sld [smem:$0x3F96];
	_ =	swait.ge [sflag:s4], $0x0  }
0x19: {  	s7 =	sld [smem:$0x3F97]  }
0x1a: {  	s8 =	sadd.s32 $0xFFFFE003, lr  }
0x1b: {  	s9 =	sadd.s32 $0xFFFFFEF7, lr;
	s5 =	simm.s32 $0xFFFFFFFF;
	p2 =	slt.u32 s8, $0xFFFFF086  }
0x1c: {  	p1 =	slt.u32 s9, $0xF7A;
	s5 =	simm.s32 @!p2 $0x0  }
0x1d: {  	s5 =	simm.s32 @p1 $0x1;
	p0 =	seq.s32 s7, s2  }
0x1e: {  	s7 =	smul.u32 @!p0 $0xF7A, s2;
	p2 =	seq.s32 @!p0 s5, $0x0  }
0x1f: {  	s9 =	smul.u32 $0xF7A, s1;
	s8 =	simm.s32 @!p0 $0x1BF5;
	p2 =	por !p2, p0  }
0x20: {  	[sflag:s8] =	ssyncset.s32 @!p0 $0xFFFFF086;
	s6 =	sadd.s32 @!p0 s3, s7;
	s7 =	simm.s32 @!p0 $0x108  }
0x21: {  	s3 =	sadd.s32 s3, s9;
	s6 =	sadd.s32 @!p0 $0x88, s6;
	s7 =	simm.s32 @p2 $0x1082  }
0x22: {  	[simem:s7], [sflag:s8] =	dma.local @!p0 [hbm:s6], $0xF7A  }
0x23: {  	s9 =	sor.u32 $0xD0000000, s2;
	s6 =	simm.s32 $0x108;
	_ =	swait.ge @!p0 [sflag:s8], $0x0  }
0x24: {  	s3 =	sadd.s32 $0x88, s3;
	s6 =	simm.s32 @!p1 $0x1082;
	[sflag:s4] =	ssyncset.s32 $0xFFFFF086  }
0x25: {  	[simem:s6], [sflag:s4] =	dma.local [hbm:s3], $0xF7A  }
0x26: {  	[smem:$0x3F97] =	sst s1;
	(tag) =	ssettag s2;
	_ =	strace s9  }
0x27: {  	s1 =	sld [smem:$0x3FA7]  }
0x28: {  	s2 =	sld [smem:$0x3FA8]  }
0x29: {  	s4 =	sld [smem:$0x3FAA]  }
0x2a: {  	p0 =	seq.s32 s5, $0x0;
	s5 =	sld [smem:$0x3FAB]  }
0x2b: {  	s6 =	sld [smem:$0x3FAC]  }
0x2c: {  	s7 =	sld [smem:$0x3FAD]  }
0x2d: {  	s3 =	simm.s32 $0x108;
	s8 =	sld [smem:$0x3FAE]  }
0x2e: {  	s3 =	simm.s32 @!p0 $0x1082;
	s9 =	sld [smem:$0x3FAF]  }
0x2f: {  	lr =	sadd.s32 s0, s3;
	s0 =	sld [smem:$0x3FA6]  }
0x30: {  	s3 =	sld [smem:$0x3FA9]  }
0x31: {  	[smem:$0x3FB2] =	sst s10  }
0x32: {  	s10 =	sld [smem:$0x3FB0];
	_ =	sdelay $0x3  }
0x33: {  	p0 =	seq.s32 s10, $0x1;
	s10 =	sld [smem:$0x3FB2];
	_ =	sdelay $0x3  }
0x34: {  	[smem:$0x3FB2] =	sst s10  }
0x35: {  	s10 =	sld [smem:$0x3FB1];
	_ =	sdelay $0x3  }
0x36: {  	p1 =	seq.s32 s10, $0x1;
	s10 =	sld [smem:$0x3FB2];
	_ =	sdelay $0x3  }
0x37: {  	[smem:$0x3FB2] =	sst s10  }
0x38: {  	s10 =	sld [smem:$0x3FB3]  }
0x39: {  	_ = 	snop;
	(pc) =	sbr.ind lr, $3  }
0x3a: {  	_ = 	snop  }
0x3b: {  	_ = 	snop  }
0x3c: {  	p2 =	seq.s32 s10, $0x1;
	s10 =	sld [smem:$0x3FB2]  }
0x3d: {  	_ =	shalt  }
0x3e: {  	_ =	shalt  }
0x3f: {  	_ =	shalt  }
0x40: {  	_ =	shalt  }
0x41: {  	_ =	shalt  }
0x42: {  	_ =	shalt  }
0x43: {  	_ =	shalt  }
0x44: {  	_ =	shalt  }
0x45: {  	_ =	shalt  }
0x46: {  	_ =	shalt  }
0x47: {  	_ =	shalt  }
0x48: {  	_ =	shalt  }
0x49: {  	_ =	shalt  }
0x4a: {  	_ =	shalt  }
0x4b: {  	_ =	shalt  }
0x4c: {  	_ =	shalt  }
0x4d: {  	_ =	shalt  }
0x4e: {  	_ =	shalt  }
0x4f: {  	_ =	shalt  }
0x50: {  	_ =	shalt  }
0x51: {  	_ =	shalt  }
0x52: {  	_ =	shalt  }
0x53: {  	_ =	shalt  }
0x54: {  	_ =	shalt  }
0x55: {  	_ =	shalt  }
0x56: {  	_ =	shalt  }
0x57: {  	_ =	shalt  }
0x58: {  	_ =	shalt  }
0x59: {  	_ =	shalt  }
0x5a: {  	_ =	shalt  }
0x5b: {  	_ =	shalt  }
0x5c: {  	_ =	shalt  }
0x5d: {  	_ =	shalt  }
0x5e: {  	_ =	shalt  }
0x5f: {  	_ =	shalt  }
0x60: {  	_ =	shalt  }
0x61: {  	_ =	shalt  }
0x62: {  	_ =	shalt  }
0x63: {  	_ =	shalt  }
0x64: {  	_ =	shalt  }
0x65: {  	_ =	shalt  }
0x66: {  	_ =	shalt  }
0x67: {  	_ =	shalt  }
0x68: {  	_ =	shalt  }
0x69: {  	_ =	shalt  }
0x6a: {  	_ =	shalt  }
0x6b: {  	_ =	shalt  }
0x6c: {  	_ =	shalt  }
0x6d: {  	_ =	shalt  }
0x6e: {  	_ =	shalt  }
0x6f: {  	_ =	shalt  }
0x70: {  	_ =	shalt  }
0x71: {  	_ =	shalt  }
0x72: {  	_ =	shalt  }
0x73: {  	_ =	shalt  }
0x74: {  	_ =	shalt  }
0x75: {  	_ =	shalt  }
0x76: {  	_ =	shalt  }
0x77: {  	_ =	shalt  }
0x78: {  	_ =	shalt  }
0x79: {  	_ =	shalt  }
0x7a: {  	_ =	shalt  }
0x7b: {  	_ =	shalt  }
0x7c: {  	_ =	shalt  }
0x7d: {  	_ =	shalt  }
0x7e: {  	_ =	shalt  }
0x7f: {  	_ =	shalt  }
0x80: {  	_ =	shalt  }
0x81: {  	_ =	shalt  }
0x82: {  	_ =	shalt  }
0x83: {  	_ =	shalt  }
0x84: {  	_ =	shalt  }
0x85: {  	_ =	shalt  }
0x86: {  	_ =	shalt  }
0x87: {  	_ =	shalt  }
.Lfunc_end0:
.L_simem_size_0:
called_computation.4_lowered:
.L_overlay_start_0:
0x88: {  	s2 =	sld [smem:$0x3FD9]  }
0x89: {  	s3 =	sld [smem:$0x3FFE];
	_ =	sdelay $0x1  }
0x8a: {  	s1 =	srdreg.scid  }
0x8b: {  	s0 =	sand.u32 $0x1, s1  }
0x8c: {  	s17 =	sshll.u32 s0, $0xA;
	s2 =	sadd.s32 s3, s2  }
0x8d: {  	s2 =	sadd.s32 s2, s17  }
0x8e: {  	[smem:$0x3FBE] =	sst s2  }
0x8f: {  	_ = 	snop  }
0x90: {  	s2 =	sld [smem:$0x3FD0];
	(tm) =	ssettm $0x1  }
0x91: {  	s18 =	sld [smem:$0x3FFB];
	_ =	sdelay $0x3  }
0x92: {  	_ =	strace s18  }
0x93: {  	s3 =	sld [smem:$0x3FFC];
	_ =	sdelay $0x3  }
0x94: {  	_ =	strace s3  }
0x95: {  	s3 =	sld [smem:$0x3FFD];
	_ =	sdelay $0x3  }
0x96: {  	_ =	strace s3  }
0x97: {  	_ =	strace $0x8FFFFFFF  }
0x98: {  	s19 =	sld [smem:$0x3FDB];
	_ =	sdelay $0x1  }
0x99: {  	s4 =	simm.s32 $_scs_section_size  }
0x9a: {  	s5 =	simm.s32 $_size__tile_overlayer_lowered;
	s6 =	simm.s32 $_tile_overlayer_lowered  }
0x9b: {  	s22 =	simm.s32 $0x1BFF;
	s21 =	sshll.u32 s6, $0x1;
	s3 =	sadd.s32 s4, s19  }
0x9c: {  	s7 =	simm.s32 $0x0;
	s20 =	sshll.u32 s5, $0x1;
	s5 =	sadd.s32 s21, s3  }
0x9d: {  	[timem:s7], [sflag:s22] =	dma.local [hbm:s5], s20  }
0x9e: {  	_ =	swait.ge [sflag:s22], s20  }
0x9f: {  	s4 =	ssub.s32 $0x0, s20;
	[sflag:s22] =	ssyncset.done $0x0  }
0xa0: {  	[sflag:s22] =	ssyncadd.s32 s4;
	_ =	sdelay $0x1  }
0xa1: {  	s23 =	simm.s32 $0x1B8B  }
0xa2: {  	_ =	swait.ge [sflag:s23], $0x1  }
0xa3: {  	[sflag:s23] =	ssyncset.done $0x0  }
0xa4: {  	s25 =	simm.s32 $0x1B8E;
	s24 =	sld [smem:$0x3FFE];
	[sflag:s23] =	ssyncadd.s32 $0xFFFFFFFF  }
0xa5: {  	s26 =	simm.s32 $execute0_lowered;
	[smem:$0x3FD2] =	sst s25  }
0xa6: {  	s5 =	sshll.u32 s26, $0x1;
	_ =	strace $0x80000052;
	[dreg:$0x1] =	wrdreg $0xFFFFFFFF  }
0xa7: {  	s28 =	simm.s32 $_size_execute0_lowered;
	s3 =	sadd.s32 s3, s5;
	[dreg:$0x0] =	wrdreg $0x0  }
0xa8: {  	s5 =	sshll.u32 s28, $0x1;
	[dreg:$0x2] =	wrdreg s3  }
0xa9: {  	[dreg:$0x3] =	wrdreg s5  }
0xaa: {  	[dreg:$0x4] =	wrdreg $0xC0  }
0xab: {  	_ =	task [dreg:s7], $0x5FFFF  }
0xac: {  	[dreg:$0x1] =	wrdreg $0xFFFFFFFF  }
0xad: {  	[dreg:$0x0] =	wrdreg $0x60  }
0xae: {  	[dreg:$0x2] =	wrdreg s24  }
0xaf: {  	[dreg:$0x3] =	wrdreg s2  }
0xb0: {  	[dreg:$0x4] =	wrdreg $0x0  }
0xb1: {  	[dreg:$0x5] =	wrdreg $0x9  }
0xb2: {  	_ =	task.clear_ibuf [dreg:s7], $0x6FFFF;
	_ =	strace $0x90000052  }
0xb3: {  	s29 =	simm.s32 $0x9;
	_ =	strace $0x80000054  }
0xb4: {  	_ =	swait.ge [sflag:s29], $0x1  }
0xb5: {  	[sflag:s29] =	ssyncadd.s32 $0xFFFFFFFF  }
0xb6: {  	_ =	strace $0x90000054  }
0xb7: {  	_ =	sfence  }
0xb8: {  	s30 =	sld [smem:$0x0];
	_ =	sdelay $0x2  }
0xb9: {  	s31 =	sshll.u32 s1, $0xD;
	s1 =	sshrl.u32 s1, $0x2  }
0xba: {  	s3 =	sand.u32 $0x4000, s31;
	s1 =	sadd.s32 s1, s30  }
0xbb: {  	s0 =	sor.u32 s3, s0;
	s1 =	sshll.u32 s1, $0x11  }
0xbc: {  	s0 =	sor.u32 s1, s0  }
0xbd: {  	s0 =	sadd.s32 $0x8F2B, s0  }
0xbe: {  	[sflag:s0] =	ssyncadd.remote.s32 $0x1  }
0xbf: {  	_ =	sfence.sel $0xFFFF  }
0xc0: {  	[dreg:$0x0] =	wrdreg $0xFFFFFFFF;
	(pc) =	sbr.abs _section_cstart, $3  }
0xc1: {  	[dreg:$0x1] =	wrdreg $0xFFFFFFFF  }
0xc2: {  	_ =	task.clear_ibuf [dreg:s7], $0x2FFFF;
	_ =	strace $0x9FFFFFFF  }
0xc3: {  	(tm) =	ssettm $0x7FFFFFFF  }
tec
execute0_lowered:
.L_overlay_start_1:
0x0: {  	(tag) =	ssettag $0x1  }
0x1: {  	s6 =	rddreg [dreg:$0x0]  }
0x2: {  	s10 =	rddreg [dreg:$0x1];
	s0 =	srdreg.scid  }
0x3: {  	s2 =	rddreg [dreg:$0x2];
	s1 =	stileid.u32;
	s3 =	simm.s32 $0x0  }
0x4: {  	s17 =	simm.s32 $0x13900;
	s18 =	simm.s32 $0x50;
	s19 =	simm.s32 $0x13980  }
0x5: {  	s20 =	simm.s32 $0x1;
	s21 =	simm.s32 $0x0;
	s8 =	smul.u32 $0x2710, s1  }
0x6: {  	s5 =	sand.u32 $0x1, s0;
	s0 =	rddreg [dreg:$0x3];
	s9 =	smul.u32 $0x2780, s1  }
0x7: {  	[smem:$0x7FF] =	sst s3;
	s4 =	sadd.s32 $0x36A00, s6;
	s26 =	smul.u32 $0x4F000, s1  }
0x8: {  	s14 =	smul.u32 $0x13C00, s1;
	s15 =	sadd.s32 $0x5DC00, s6;
	p0 =	seq.s32 s1, $0xF  }
0x9: {  	s7 =	smul.u32 $0x27100, s5;
	_ =	strace $0x80000053;
	s28 =	ssub.s32 $0x2, s5  }
0xa: {  	s13 =	smul.u32 $0x138800, s5;
	s25 =	sadd.s32 s9, s6;
	s29 =	sshrl.u32 s28, $0x1  }
0xb: {  	s7 =	sadd.s32 s8, s7;
	s9 =	ssub.s32 s28, s29;
	s5 =	sadd.s32 $0xF800, s25  }
0xc: {  	s30 =	sadd.s32 s14, s13;
	s31 =	sshrl.u32 s13, $0x3;
	s13 =	sadd.s32 $0x128400, s2  }
0xd: {  	s11 =	sshrl.u32 s7, $0x3;
	s7 =	sshrl.u32 s26, $0x2;
	s8 =	sadd.s32 s15, s31  }
0xe: {  	s9 =	smax.u32 s9, $0x1;
	s12 =	sadd.s32 s11, s6;
	s16 =	sadd.s32 s7, s2  }
0xf: {  	s7 =	sshrl.u32 s30, $0x3;
	s6 =	sadd.s32 $0x34880, s6;
	s8 =	sadd.s32 $0x25080, s8  }
0x10: {  	s10 =	sadd.s32 s11, s10;
	s7 =	sadd.s32 s15, s7;
	s11 =	sadd.s32 $0x5A00, s12  }
0x11: {  	s12 =	sshrl.u32 @p0 s13, $0x3;
	s13 =	sshll.u32 @!p0 s1, $0x6;
	s14 =	sshrl.u32 @!p0 s16, $0x3  }
0x12: {  	s15 =	simm.s32 $0x13880;
	s16 =	simm.s32 $0x2;
	s13 =	sor.u32 @!p0 $0x1C02, s13  }
.LBB2_1:
0x13: {  	s22 =	simm.s32 @p0 $0x1FC2  }
0x14: {  	[spmem:s12], [sflag:s22] =	dma.local @p0 [hbm:s6], $0x2080  }
0x15: {  	s22 =	simm.s32 @p0 $0x2  }
0x16: {  	_ =	swait.ge @p0 [sflag:s22], $0x2080  }
0x17: {  	[sflag:s22] =	ssyncset.done @p0 $0x0  }
0x18: {  	[sflag:s22] =	ssyncadd.s32 @p0 $0xFFFFDF80;
	s22 =	simm.s32 @!p0 $0x2  }
0x19: {  	[spmem:s14], [sflag:s13] =	dma.local @!p0 [hbm:s5], $0x2780  }
0x1a: {  	_ =	swait.ge @!p0 [sflag:s22], $0x2780  }
0x1b: {  	[sflag:s22] =	ssyncset.done @!p0 $0x0  }
0x1c: {  	[sflag:s22] =	ssyncadd.s32 @!p0 $0xFFFFD880  }
0x1d: {  	s30 =	sadd.s32 $0x0, s11;
	[bflag:$0x0] =	sbarrier.arrive $0xFFFF  }
0x1e: {  	[tilespmem:s15], [sflag:$0x2] =	stream.linear.gather [hbm4b:s30+s3], $0x50, $0x38;
	[tilespmem:$0x16180] =	vst v63  }
0x1f: {  	_ =	swait.ge [sflag:s16], $0x50  }
0x20: {  	[sflag:s16] =	ssyncset.done $0x0  }
0x21: {  	s31 =	sadd.s32 $0x0, s10;
	[sflag:s16] =	ssyncadd.s32 $0xFFFFFFB0  }
0x22: {  	[tilespmem:s17], [sflag:$0x2] =	stream.linear.gather [hbm4b:s31+s3], $0x50, $0x38;
	[tilespmem:$0x16180] =	vst v63  }
0x23: {  	_ =	swait.ge [sflag:s16], $0x50  }
0x24: {  	[sflag:s16] =	ssyncset.done $0x0  }
0x25: {  	[sflag:s16] =	ssyncadd.s32 $0xFFFFFFB0  }
0x26: {  	[tilespmem:s19], [sflag:$0x1] =	stream.indirect.gather [hbm4b:s4+s18], $0x80, s15, s18, $0xb8;
	[tilespmem:$0x16180] =	vst v63  }
0x27: {  	_ =	swait.ge [sflag:s20], $0x2800  }
0x28: {  	[sflag:s20] =	ssyncset.done $0x0  }
0x29: {  	[sflag:s20] =	ssyncadd.s32 $0xFFFFD800  }
0x2a: {  	[spmem:s2] =	stream.indirect.scatter.add.f32 [tilespmem:s19], [sflag:$0x2], $0x80, s17, s18, $0xb8;
	[tilespmem:$0x16180] =	vst v63  }
0x2b: {  	_ =	swait.ge [sflag:s16], $0x2800  }
0x2c: {  	s23 =	simm.s32 $0x14;
	s22 =	simm.s32 $0xA;
	[sflag:s16] =	ssyncset.done $0x0  }
.LBB2_2:
0x2d: {  	s24 =	sadd.s32 s22, s11  }
0x2e: {  	[sflag:s16] =	ssyncadd.s32 $0xFFFFD800;
	s25 =	smov.u32 s23;
	s26 =	sadd.s32 $0xA, s23  }
0x2f: {  	[tilespmem:s15], [sflag:$0x2] =	stream.linear.gather [hbm4b:s24+s3], $0x50, $0x38;
	[tilespmem:$0x16180] =	vst v63  }
0x30: {  	p1 =	sne.s32 s23, $0x4D8;
	_ =	swait.ge [sflag:s16], $0x50  }
0x31: {  	[sflag:s16] =	ssyncset.done $0x0  }
0x32: {  	s23 =	sadd.s32 s22, s10;
	s22 =	smov.u32 s25;
	[sflag:s16] =	ssyncadd.s32 $0xFFFFFFB0  }
0x33: {  	[tilespmem:s17], [sflag:$0x2] =	stream.linear.gather [hbm4b:s23+s3], $0x50, $0x38;
	[tilespmem:$0x16180] =	vst v63  }
0x34: {  	_ =	swait.ge [sflag:s16], $0x50  }
0x35: {  	[sflag:s16] =	ssyncset.done $0x0  }
0x36: {  	[sflag:s16] =	ssyncadd.s32 $0xFFFFFFB0  }
0x37: {  	[tilespmem:s19], [sflag:$0x1] =	stream.indirect.gather [hbm4b:s4+s18], $0x80, s15, s18, $0xb8;
	[tilespmem:$0x16180] =	vst v63  }
0x38: {  	_ =	swait.ge [sflag:s20], $0x2800  }
.Ltmp0:
0x39: {  	[sflag:s20] =	ssyncset.done $0x0;
	(pc) =	sbr.rel @p1 .LBB2_2-.Ltmp0, $4  }
0x3a: {  	[sflag:s20] =	ssyncadd.s32 $0xFFFFD800  }
0x3b: {  	[spmem:s2] =	stream.indirect.scatter.add.f32 [tilespmem:s19], [sflag:$0x2], $0x80, s17, s18, $0xb8;
	[tilespmem:$0x16180] =	vst v63  }
0x3c: {  	_ =	swait.ge [sflag:s16], $0x2800  }
0x3d: {  	s23 =	smov.u32 s26;
	[sflag:s16] =	ssyncset.done $0x0  }
0x3e: {  	s23 =	sadd.s32 s22, s11;
	[sflag:s16] =	ssyncadd.s32 $0xFFFFD800  }
0x3f: {  	[tilespmem:s15], [sflag:$0x2] =	stream.linear.gather [hbm4b:s23+s3], $0x50, $0x38;
	[tilespmem:$0x16180] =	vst v63  }
0x40: {  	_ =	swait.ge [sflag:s16], $0x50  }
0x41: {  	[sflag:s16] =	ssyncset.done $0x0  }
0x42: {  	s31 =	sadd.s32 s22, s10;
	[sflag:s16] =	ssyncadd.s32 $0xFFFFFFB0  }
0x43: {  	[tilespmem:s17], [sflag:$0x2] =	stream.linear.gather [hbm4b:s31+s3], $0x50, $0x38;
	[tilespmem:$0x16180] =	vst v63  }
0x44: {  	_ =	swait.ge [sflag:s16], $0x50  }
0x45: {  	[sflag:s16] =	ssyncset.done $0x0  }
0x46: {  	[sflag:s16] =	ssyncadd.s32 $0xFFFFFFB0  }
0x47: {  	[tilespmem:s19], [sflag:$0x1] =	stream.indirect.gather [hbm4b:s4+s18], $0x80, s15, s18, $0xb8;
	[tilespmem:$0x16180] =	vst v63  }
0x48: {  	_ =	swait.ge [sflag:s20], $0x2800  }
0x49: {  	[sflag:s20] =	ssyncset.done $0x0  }
0x4a: {  	[sflag:s20] =	ssyncadd.s32 $0xFFFFD800  }
0x4b: {  	[spmem:s2] =	stream.indirect.scatter.add.f32 [tilespmem:s19], [sflag:$0x2], $0x80, s17, s18, $0xb8;
	[tilespmem:$0x16180] =	vst v63  }
0x4c: {  	_ =	swait.ge [sflag:s16], $0x2800  }
0x4d: {  	[sflag:s16] =	ssyncset.done $0x0  }
0x4e: {  	[sflag:s16] =	ssyncadd.s32 $0xFFFFD800  }
0x4f: {  	s22 =	simm.s32 @p0 $0x1FC2;
	[bflag:$0x0] =	sbarrier.arrive $0xFFFF  }
0x50: {  	[hbm:s8], [sflag:s22] =	dma.local @p0 [spmem:s12], $0x2080  }
0x51: {  	s22 =	simm.s32 @p0 $0x2  }
0x52: {  	s21 =	sadd.s32 $0x1, s21;
	_ =	swait.ge @p0 [sflag:s22], $0x2080  }
0x53: {  	p1 =	sne.s32 s21, s9;
	[sflag:s22] =	ssyncset.done @p0 $0x0  }
.Ltmp1:
0x54: {  	[sflag:s22] =	ssyncadd.s32 @p0 $0xFFFFDF80;
	s22 =	simm.s32 @!p0 $0x2;
	(pc) =	sbr.rel @p1 .LBB2_1-.Ltmp1, $4  }
0x55: {  	[hbm:s7], [sflag:s13] =	dma.local @!p0 [spmem:s14], $0x2780  }
0x56: {  	_ =	swait.ge @!p0 [sflag:s22], $0x2780  }
0x57: {  	[sflag:s22] =	ssyncset.done @!p0 $0x0  }
0x58: {  	[sflag:s22] =	ssyncadd.s32 @!p0 $0xFFFFD880  }
0x59: {  	_ =	sfence.sel $0x180000  }
0x5a: {  	[bflag:$0x0] =	sbarrier.arrive $0xFFFF  }
0x5b: {  	p0 =	sne.s32 s1, $0x0;
	_ =	strace $0x90000053  }
0x5c: {  	s0 =	sadd.s32 @!p0 $0x100000, s0;
	[bflag:$0x2] =	sbarrier.arrive $0xFFFF  }
0x5d: {  	[sflag:s0] =	ssyncadd.tile.s32 @!p0 $0x1;
	_ =	shalt  }
.Lfunc_end2:
_tile_overlayer_lowered:
.L_overlay_start_2:
0x5e: {  	(tag) =	ssettag $0x2  }
0x5f: {  	s0 =	rddreg [dreg:$0x0];
	s2 =	stileid.u32  }
0x60: {  	s1 =	rddreg [dreg:$0x1];
	p0 =	sne.s32 s2, $0x0  }
0x61: {  	s3 =	rddreg [dreg:$0x2];
	[bflag:$0x3] =	sbarrier.arrive $0xFFFF;
	s2 =	simm.s32 @!p0 $0x1C02  }
0x62: {  	[timem:s3], [sflag:s2] =	dma.local @!p0 [hbm:s0], s1  }
0x63: {  	s0 =	simm.s32 @!p0 $0x2  }
0x64: {  	_ =	swait.ge @!p0 [sflag:s0], s1  }
0x65: {  	s1 =	ssub.s32 @!p0 $0x0, s1;
	[sflag:s0] =	ssyncset.done @!p0 $0x0  }
0x66: {  	[sflag:s0] =	ssyncadd.s32 @!p0 s1  }
0x67: {  	[bflag:$0x3] =	sbarrier.arrive $0xFFFF  }
0x68: {  	_ =	shalt  }

</sc_bundles>
